<compile_context>
chip_gen: v7x
topology: tpu7x:2x2x1
jax: 0.10.2.dev20260603
libtpu: 0.0.44.dev20260713+nightly
codegen_flags: <defaults>
</compile_context>

<pallas_src>
import jax
import jax.numpy as jnp
from jax import lax
from jax.experimental import pallas as pl
from jax.experimental.pallas import tpu as pltpu
from jax.experimental.pallas import tpu_sc as plsc

_B, _X, _Y, _Z, _C = 2, 96, 96, 96, 4
_XYZ = _X * _Y * _Z
_N = _B * _XYZ
_DIM2 = _Y * _Z
_DIM3 = _Z
_NW = 32
_PT = _N // _NW
_K = 1024
_NSUB = _K // 128
_NCH = _PT // _K
_OFFS = (0, 1, _DIM3, _DIM3 + 1, _DIM2, _DIM2 + 1, _DIM2 + _DIM3,
         _DIM2 + _DIM3 + 1)


def _tri_body(im_hbm, xs_hbm, ys_hbm, zs_hbm, out_hbm,
              xv, yv, zv, idx, rows, outv, sem):
    wid = lax.axis_index("s") * 2 + lax.axis_index("c")
    tile_base = wid * _PT
    bb = jnp.where(tile_base >= _XYZ, _XYZ, 0).astype(jnp.int32)

    def chunk_body(g, carry):
        base = tile_base + g * _K
        pltpu.sync_copy(xs_hbm.at[pl.ds(base, _K)], xv)
        pltpu.sync_copy(ys_hbm.at[pl.ds(base, _K)], yv)
        pltpu.sync_copy(zs_hbm.at[pl.ds(base, _K)], zv)

        def idx_body(i, c2):
            s = pl.ds(i * 16, 16)
            x = xv[s]
            y = yv[s]
            z = zv[s]
            xi = jnp.minimum(x.astype(jnp.int32), _X - 2)
            yi = jnp.minimum(y.astype(jnp.int32), _Y - 2)
            zi = jnp.minimum(z.astype(jnp.int32), _Z - 2)
            xv[s] = x - xi.astype(jnp.float32)
            yv[s] = y - yi.astype(jnp.float32)
            zv[s] = z - zi.astype(jnp.float32)
            i0 = xi * _DIM2 + yi * _DIM3 + zi + bb
            j = i >> 3
            off = (i & 7) * 16
            for c in range(8):
                idx[c, j, pl.ds(off, 16)] = i0 + _OFFS[c]
            return c2

        lax.fori_loop(0, _K // 16, idx_body, 0)

        copies = []
        for c in range(8):
            for jj in range(_NSUB):
                copies.append(
                    pltpu.async_copy(im_hbm.at[idx.at[c, jj]],
                                     rows.at[c, jj], sem))
        for cp in copies:
            cp.wait()

        lane = lax.iota(jnp.int32, 16)
        pt_in_reg = lane >> 2
        ch_idx = lane & 3

        def blend_body(r, c2):
            p0 = r * 4
            jj = p0 >> 7
            pt_idx = pt_in_reg + (p0 & 127)
            ptc = pt_in_reg + p0
            xd = plsc.load_gather(xv, [ptc])
            yd = plsc.load_gather(yv, [ptc])
            zd = plsc.load_gather(zv, [ptc])
            jv = jnp.full((16,), jj, jnp.int32)
            vals = []
            for c in range(8):
                cv = jnp.full((16,), c, jnp.int32)
                vals.append(plsc.load_gather(rows, [cv, jv, pt_idx, ch_idx]))
            ia, ib, ic, id_, ie, if_, ig, ih = vals
            mx = 1.0 - xd
            my = 1.0 - yd
            mz = 1.0 - zd
            cae = ia * mx + ie * xd
            cbf = ib * mx + if_ * xd
            ccg = ic * mx + ig * xd
            cdh = id_ * mx + ih * xd
            caecg = cae * my + ccg * yd
            cbfdh = cbf * my + cdh * yd
            outv[pl.ds(r * 16, 16)] = caecg * mz + cbfdh * zd
            return c2

        lax.fori_loop(0, _K * _C // 16, blend_body, 0)

        pltpu.sync_copy(outv, out_hbm.at[pl.ds(base * _C, _K * _C)])
        return carry

    lax.fori_loop(0, _NCH, chunk_body, 0)


_tri = pl.kernel(
    _tri_body,
    mesh=plsc.VectorSubcoreMesh(core_axis_name="c", subcore_axis_name="s"),
    out_type=jax.ShapeDtypeStruct((_N * _C,), jnp.float32),
    compiler_params=pltpu.CompilerParams(
        needs_layout_passes=False, use_tc_tiling_on_sc=False),
    scratch_types=[
        pltpu.VMEM((_K,), jnp.float32),
        pltpu.VMEM((_K,), jnp.float32),
        pltpu.VMEM((_K,), jnp.float32),
        pltpu.VMEM((8, _NSUB, 128), jnp.int32),
        pltpu.VMEM((8, _NSUB, 128, _C), jnp.float32),
        pltpu.VMEM((_K * _C,), jnp.float32),
        pltpu.SemaphoreType.DMA,
    ],
)


@jax.jit
def kernel(im, defgrid):
    B, X, Y, Z, C = im.shape
    im_flat = im.reshape(-1, C)
    g = defgrid.reshape(-1, 3)
    out = _tri(im_flat, g[:, 0], g[:, 1], g[:, 2])
    return out.reshape(B, X, Y, Z, C)

# --- scband reference (transcript-rebuilt; emitter-appended) ---
"""Pipeline reference for scband-diffeomorphic-transformer3-d-47175920779660 (READ-ONLY COPY).

The authoritative reference and input builder live on the scoring server;
editing this copy changes nothing except your own understanding.
"""

import jax, jax.numpy as jnp
import numpy as np


def setup_inputs(seed: int = 0) -> dict:
    key = jax.random.key(seed)
    k1, k2 = jax.random.split(key)
    B, X, Y, Z, C = 2, 96, 96, 96, 4
    im = jax.random.normal(k1, (B, X, Y, Z, C), dtype=jnp.float32)
    # absolute voxel coordinates, uniform over [0, 95)
    defgrid = jax.random.uniform(k2, (B, X, Y, Z, 3), dtype=jnp.float32) * 95.0
    return {"im": im, "defgrid": defgrid}


def reference(im, defgrid):
    B, X, Y, Z, C = im.shape
    x = defgrid[..., 0].reshape(-1)
    y = defgrid[..., 1].reshape(-1)
    z = defgrid[..., 2].reshape(-1)
    max_x = X - 1
    max_y = Y - 1
    max_z = Z - 1
    x0u = jnp.floor(x).astype(jnp.int32)
    x1u = x0u + 1
    y0u = jnp.floor(y).astype(jnp.int32)
    y1u = y0u + 1
    z0u = jnp.floor(z).astype(jnp.int32)
    z1u = z0u + 1
    x0 = jnp.clip(x0u, 0, max_x)
    x1 = jnp.clip(x1u, 0, max_x)
    y0 = jnp.clip(y0u, 0, max_y)
    y1 = jnp.clip(y1u, 0, max_y)
    z0 = jnp.clip(z0u, 0, max_z)
    z1 = jnp.clip(z1u, 0, max_z)
    dim3 = Z
    dim2 = Z * Y
    dim1 = X * Y * Z
    base = jnp.repeat(jnp.arange(B, dtype=jnp.int32) * dim1, X * Y * Z)
    idx_a = base + x0 * dim2 + y0 * dim3 + z0
    idx_b = base + x0 * dim2 + y0 * dim3 + z1
    idx_c = base + x0 * dim2 + y1 * dim3 + z0
    idx_d = base + x0 * dim2 + y1 * dim3 + z1
    idx_e = base + x1 * dim2 + y0 * dim3 + z0
    idx_f = base + x1 * dim2 + y0 * dim3 + z1
    idx_g = base + x1 * dim2 + y1 * dim3 + z0
    idx_h = base + x1 * dim2 + y1 * dim3 + z1
    im_flat = im.reshape(-1, C)
    Ia = jnp.take(im_flat, idx_a, axis=0)
    Ib = jnp.take(im_flat, idx_b, axis=0)
    Ic = jnp.take(im_flat, idx_c, axis=0)
    Id = jnp.take(im_flat, idx_d, axis=0)
    Ie = jnp.take(im_flat, idx_e, axis=0)
    If = jnp.take(im_flat, idx_f, axis=0)
    Ig = jnp.take(im_flat, idx_g, axis=0)
    Ih = jnp.take(im_flat, idx_h, axis=0)
    x0_f = x0.astype(jnp.float32)
    y0_f = y0.astype(jnp.float32)
    z0_f = z0.astype(jnp.float32)
    xd = (x - x0_f)[:, None]
    yd = (y - y0_f)[:, None]
    zd = (z - z0_f)[:, None]
    Cae = Ia * (1 - xd) + Ie * xd
    Cbf = Ib * (1 - xd) + If * xd
    Ccg = Ic * (1 - xd) + Ig * xd
    Cdh = Id * (1 - xd) + Ih * xd
    Caecg = Cae * (1 - yd) + Ccg * yd
    Cbfdh = Cbf * (1 - yd) + Cdh * yd
    output = Caecg * (1 - zd) + Cbfdh * zd
    return output.reshape(B, X, Y, Z, C)

if __name__ == "__main__":
    import jax
    _d = setup_inputs()
    print(jax.jit(kernel)(*tuple(_d.values())))

</pallas_src>

<mosaic_0001>
#map = affine_map<(d0, d1) -> (0, 0)>
#map1 = affine_map<(d0, d1) -> (0)>
module attributes {stable_mosaic.version = 14 : i64} {
  func.func @_tri_body(%arg0: i32, %arg1: i32, %arg2: memref<1769472x4xf32, #tpu.memory_space<hbm>>, %arg3: memref<1769472xf32, #tpu.memory_space<hbm>>, %arg4: memref<1769472xf32, #tpu.memory_space<hbm>>, %arg5: memref<1769472xf32, #tpu.memory_space<hbm>>, %arg6: memref<7077888xf32, #tpu.memory_space<hbm>>, %arg7: memref<1024xf32, #tpu.memory_space<vmem>>, %arg8: memref<1024xf32, #tpu.memory_space<vmem>>, %arg9: memref<1024xf32, #tpu.memory_space<vmem>>, %arg10: memref<8x8x128xi32, #tpu.memory_space<vmem>>, %arg11: memref<8x8x128x4xf32, #tpu.memory_space<vmem>>, %arg12: memref<4096xf32, #tpu.memory_space<vmem>>, %arg13: memref<!tpu.dma_semaphore, #tpu.memory_space<semaphore_mem>>) attributes {dimension_semantics = [#tpu.dimension_semantics<core_parallel>, #tpu.dimension_semantics<subcore_parallel>], iteration_bounds = array<i64: 2, 16>, scalar_prefetch = 0 : i64, scratch_operands = 7 : i64, tpu.core_type = #tpu.core_type<sc_vector_subcore>, window_params = [{transform_indices = #map}, {transform_indices = #map1}, {transform_indices = #map1}, {transform_indices = #map1}, {transform_indices = #map1}]} {
    %mul3A = arith.constant 2 : i32
    %mul3A_0 = arith.muli %arg1, %mul3A : i32
    %add3A = arith.addi %mul3A_0, %arg0 : i32
    %mul3A_1 = arith.constant 55296 : i32
    %mul3A_2 = arith.muli %add3A, %mul3A_1 : i32
    %ge3A = arith.constant 884736 : i32
    %ge3A_3 = arith.cmpi sge, %mul3A_2, %ge3A : i32
    %jit3A = arith.constant 884736 : i32
    %jit3A_4 = arith.constant 0 : i32
    %select_n3A = arith.select %ge3A_3, %jit3A, %jit3A_4 : i32
    %scan3A = arith.constant 0 : i32
    %scan3A_5 = arith.constant 0 : i32
    %scan3A_6 = arith.constant 54 : i32
    %scan3A_7 = arith.addi %scan3A_5, %scan3A_6 : i32
    %scan3A_8 = arith.constant 1 : i32
    scf.for %scan3A_10 = %scan3A_5 to %scan3A_7 step %scan3A_8  : i32 {
      %mul3A_11 = arith.constant 1024 : i32
      %mul3A_12 = arith.muli %scan3A_10, %mul3A_11 : i32
      %add3A_13 = arith.addi %mul3A_2, %mul3A_12 : i32
      "tpu.region"() ({
        %run_scoped3A = tpu.sem_alloc : memref<!tpu.dma_semaphore, #tpu.memory_space<semaphore_mem>>
        %dma_start3A_1822 = tpu.memref_slice %arg3[%add3A_13] : memref<1769472xf32, #tpu.memory_space<hbm>> -> memref<1024xf32, #tpu.memory_space<hbm>>
        %dma_start3A_1823 = tpu.memref_slice %arg3[%add3A_13] : memref<1769472xf32, #tpu.memory_space<hbm>> -> memref<1024xf32, #tpu.memory_space<hbm>>
        tpu.enqueue_dma source(%dma_start3A_1823 : memref<1024xf32, #tpu.memory_space<hbm>>) target(%arg7 : memref<1024xf32, #tpu.memory_space<vmem>>) target_semaphore(%run_scoped3A : memref<!tpu.dma_semaphore, #tpu.memory_space<semaphore_mem>>)
        %dma_wait3A_1824 = tpu.memref_slice %arg3[%add3A_13] : memref<1769472xf32, #tpu.memory_space<hbm>> -> memref<1024xf32, #tpu.memory_space<hbm>>
        %dma_wait3A_1825 = tpu.memref_slice %arg3[%add3A_13] : memref<1769472xf32, #tpu.memory_space<hbm>> -> memref<1024xf32, #tpu.memory_space<hbm>>
        tpu.wait_dma2 semaphore(%run_scoped3A : memref<!tpu.dma_semaphore, #tpu.memory_space<semaphore_mem>>) src(%dma_wait3A_1825 : memref<1024xf32, #tpu.memory_space<hbm>>) dst(%arg7 : memref<1024xf32, #tpu.memory_space<vmem>>)
        tpu.yield
      }) : () -> ()
      "tpu.region"() ({
        %run_scoped3A = tpu.sem_alloc : memref<!tpu.dma_semaphore, #tpu.memory_space<semaphore_mem>>
        %dma_start3A_1822 = tpu.memref_slice %arg4[%add3A_13] : memref<1769472xf32, #tpu.memory_space<hbm>> -> memref<1024xf32, #tpu.memory_space<hbm>>
        %dma_start3A_1823 = tpu.memref_slice %arg4[%add3A_13] : memref<1769472xf32, #tpu.memory_space<hbm>> -> memref<1024xf32, #tpu.memory_space<hbm>>
        tpu.enqueue_dma source(%dma_start3A_1823 : memref<1024xf32, #tpu.memory_space<hbm>>) target(%arg8 : memref<1024xf32, #tpu.memory_space<vmem>>) target_semaphore(%run_scoped3A : memref<!tpu.dma_semaphore, #tpu.memory_space<semaphore_mem>>)
        %dma_wait3A_1824 = tpu.memref_slice %arg4[%add3A_13] : memref<1769472xf32, #tpu.memory_space<hbm>> -> memref<1024xf32, #tpu.memory_space<hbm>>
        %dma_wait3A_1825 = tpu.memref_slice %arg4[%add3A_13] : memref<1769472xf32, #tpu.memory_space<hbm>> -> memref<1024xf32, #tpu.memory_space<hbm>>
        tpu.wait_dma2 semaphore(%run_scoped3A : memref<!tpu.dma_semaphore, #tpu.memory_space<semaphore_mem>>) src(%dma_wait3A_1825 : memref<1024xf32, #tpu.memory_space<hbm>>) dst(%arg8 : memref<1024xf32, #tpu.memory_space<vmem>>)
        tpu.yield
      }) : () -> ()
      "tpu.region"() ({
        %run_scoped3A = tpu.sem_alloc : memref<!tpu.dma_semaphore, #tpu.memory_space<semaphore_mem>>
        %dma_start3A_1822 = tpu.memref_slice %arg5[%add3A_13] : memref<1769472xf32, #tpu.memory_space<hbm>> -> memref<1024xf32, #tpu.memory_space<hbm>>
        %dma_start3A_1823 = tpu.memref_slice %arg5[%add3A_13] : memref<1769472xf32, #tpu.memory_space<hbm>> -> memref<1024xf32, #tpu.memory_space<hbm>>
        tpu.enqueue_dma source(%dma_start3A_1823 : memref<1024xf32, #tpu.memory_space<hbm>>) target(%arg9 : memref<1024xf32, #tpu.memory_space<vmem>>) target_semaphore(%run_scoped3A : memref<!tpu.dma_semaphore, #tpu.memory_space<semaphore_mem>>)
        %dma_wait3A_1824 = tpu.memref_slice %arg5[%add3A_13] : memref<1769472xf32, #tpu.memory_space<hbm>> -> memref<1024xf32, #tpu.memory_space<hbm>>
        %dma_wait3A_1825 = tpu.memref_slice %arg5[%add3A_13] : memref<1769472xf32, #tpu.memory_space<hbm>> -> memref<1024xf32, #tpu.memory_space<hbm>>
        tpu.wait_dma2 semaphore(%run_scoped3A : memref<!tpu.dma_semaphore, #tpu.memory_space<semaphore_mem>>) src(%dma_wait3A_1825 : memref<1024xf32, #tpu.memory_space<hbm>>) dst(%arg9 : memref<1024xf32, #tpu.memory_space<vmem>>)
        tpu.yield
      }) : () -> ()
      %scan3A_14 = arith.constant 0 : i32
      %scan3A_15 = arith.constant 0 : i32
      %scan3A_16 = arith.constant 64 : i32
      %scan3A_17 = arith.addi %scan3A_15, %scan3A_16 : i32
      %scan3A_18 = arith.constant 1 : i32
      scf.for %scan3A_1822 = %scan3A_15 to %scan3A_17 step %scan3A_18  : i32 {
        %mul3A_1823 = arith.constant 16 : i32
        %mul3A_1824 = arith.muli %scan3A_1822, %mul3A_1823 : i32
        %get3A = arith.index_cast %mul3A_1824 : i32 to index
        %get3A_1825 = tpu.vector_load %arg7[%get3A] {strides = array<i32>} : memref<1024xf32, #tpu.memory_space<vmem>>, vector<16xf32>,
        %get3A_1826 = arith.index_cast %mul3A_1824 : i32 to index
        %get3A_1827 = tpu.vector_load %arg8[%get3A_1826] {strides = array<i32>} : memref<1024xf32, #tpu.memory_space<vmem>>, vector<16xf32>,
        %get3A_1828 = arith.index_cast %mul3A_1824 : i32 to index
        %get3A_1829 = tpu.vector_load %arg9[%get3A_1828] {strides = array<i32>} : memref<1024xf32, #tpu.memory_space<vmem>>, vector<16xf32>,
        %convert_element_type3A = arith.fptosi %get3A_1825 : vector<16xf32> to vector<16xi32>
        %min3A = arith.constant 94 : i32
        %min3A_1830 = vector.broadcast %min3A : i32 to vector<16xi32>
        %min3A_1831 = arith.minsi %convert_element_type3A, %min3A_1830 : vector<16xi32>
        %convert_element_type3A_1832 = arith.fptosi %get3A_1827 : vector<16xf32> to vector<16xi32>
        %min3A_1833 = arith.constant 94 : i32
        %min3A_1834 = vector.broadcast %min3A_1833 : i32 to vector<16xi32>
        %min3A_1835 = arith.minsi %convert_element_type3A_1832, %min3A_1834 : vector<16xi32>
        %convert_element_type3A_1836 = arith.fptosi %get3A_1829 : vector<16xf32> to vector<16xi32>
        %min3A_1837 = arith.constant 94 : i32
        %min3A_1838 = vector.broadcast %min3A_1837 : i32 to vector<16xi32>
        %min3A_1839 = arith.minsi %convert_element_type3A_1836, %min3A_1838 : vector<16xi32>
        %convert_element_type3A_1840 = arith.sitofp %min3A_1831 : vector<16xi32> to vector<16xf32>
        %sub3A = arith.subf %get3A_1825, %convert_element_type3A_1840 : vector<16xf32>
        %swap3A = arith.index_cast %mul3A_1824 : i32 to index
        %swap3A_1841 = tpu.vector_load %arg7[%swap3A] {strides = array<i32>} : memref<1024xf32, #tpu.memory_space<vmem>>, vector<16xf32>,
        tpu.vector_store %arg7[%swap3A], %sub3A {strides = array<i32>} : memref<1024xf32, #tpu.memory_space<vmem>>, vector<16xf32>,
        %convert_element_type3A_1842 = arith.sitofp %min3A_1835 : vector<16xi32> to vector<16xf32>
        %sub3A_1843 = arith.subf %get3A_1827, %convert_element_type3A_1842 : vector<16xf32>
        %swap3A_1844 = arith.index_cast %mul3A_1824 : i32 to index
        %swap3A_1845 = tpu.vector_load %arg8[%swap3A_1844] {strides = array<i32>} : memref<1024xf32, #tpu.memory_space<vmem>>, vector<16xf32>,
        tpu.vector_store %arg8[%swap3A_1844], %sub3A_1843 {strides = array<i32>} : memref<1024xf32, #tpu.memory_space<vmem>>, vector<16xf32>,
        %convert_element_type3A_1846 = arith.sitofp %min3A_1839 : vector<16xi32> to vector<16xf32>
        %sub3A_1847 = arith.subf %get3A_1829, %convert_element_type3A_1846 : vector<16xf32>
        %swap3A_1848 = arith.index_cast %mul3A_1824 : i32 to index
        %swap3A_1849 = tpu.vector_load %arg9[%swap3A_1848] {strides = array<i32>} : memref<1024xf32, #tpu.memory_space<vmem>>, vector<16xf32>,
        tpu.vector_store %arg9[%swap3A_1848], %sub3A_1847 {strides = array<i32>} : memref<1024xf32, #tpu.memory_space<vmem>>, vector<16xf32>,
        %mul3A_1850 = arith.constant 9216 : i32
        %mul3A_1851 = vector.broadcast %mul3A_1850 : i32 to vector<16xi32>
        %mul3A_1852 = arith.muli %min3A_1831, %mul3A_1851 : vector<16xi32>
        %mul3A_1853 = arith.constant 96 : i32
        %mul3A_1854 = vector.broadcast %mul3A_1853 : i32 to vector<16xi32>
        %mul3A_1855 = arith.muli %min3A_1835, %mul3A_1854 : vector<16xi32>
        %add3A_1856 = arith.addi %mul3A_1852, %mul3A_1855 : vector<16xi32>
        %add3A_1857 = arith.addi %add3A_1856, %min3A_1839 : vector<16xi32>
        %add3A_1858 = vector.broadcast %select_n3A : i32 to vector<16xi32>
        %add3A_1859 = arith.addi %add3A_1857, %add3A_1858 : vector<16xi32>
        %shift_right_arithmetic3A_1860 = arith.constant 3 : i32
        %shift_right_arithmetic3A_1861 = arith.shrsi %scan3A_1822, %shift_right_arithmetic3A_1860 : i32
        %and3A_1862 = arith.constant 7 : i32
        %and3A_1863 = arith.andi %scan3A_1822, %and3A_1862 : i32
        %mul3A_1864 = arith.constant 16 : i32
        %mul3A_1865 = arith.muli %and3A_1863, %mul3A_1864 : i32
        %add3A_1866 = arith.constant 0 : i32
        %add3A_1867 = vector.broadcast %add3A_1866 : i32 to vector<16xi32>
        %add3A_1868 = arith.addi %add3A_1859, %add3A_1867 : vector<16xi32>
        %swap3A_1869 = arith.constant 0 : i32
        %swap3A_1870 = arith.index_cast %swap3A_1869 : i32 to index
        %swap3A_1871 = arith.index_cast %shift_right_arithmetic3A_1861 : i32 to index
        %swap3A_1872 = arith.index_cast %mul3A_1865 : i32 to index
        %swap3A_1873 = tpu.vector_load %arg10[%swap3A_1870, %swap3A_1871, %swap3A_1872] {strides = array<i32>} : memref<8x8x128xi32, #tpu.memory_space<vmem>>, vector<16xi32>,
        tpu.vector_store %arg10[%swap3A_1870, %swap3A_1871, %swap3A_1872], %add3A_1868 {strides = array<i32>} : memref<8x8x128xi32, #tpu.memory_space<vmem>>, vector<16xi32>,
        %add3A_1874 = arith.constant 1 : i32
        %add3A_1875 = vector.broadcast %add3A_1874 : i32 to vector<16xi32>
        %add3A_1876 = arith.addi %add3A_1859, %add3A_1875 : vector<16xi32>
        %swap3A_1877 = arith.constant 1 : i32
        %swap3A_1878 = arith.index_cast %swap3A_1877 : i32 to index
        %swap3A_1879 = arith.index_cast %shift_right_arithmetic3A_1861 : i32 to index
        %swap3A_1880 = arith.index_cast %mul3A_1865 : i32 to index
        %swap3A_1881 = tpu.vector_load %arg10[%swap3A_1878, %swap3A_1879, %swap3A_1880] {strides = array<i32>} : memref<8x8x128xi32, #tpu.memory_space<vmem>>, vector<16xi32>,
        tpu.vector_store %arg10[%swap3A_1878, %swap3A_1879, %swap3A_1880], %add3A_1876 {strides = array<i32>} : memref<8x8x128xi32, #tpu.memory_space<vmem>>, vector<16xi32>,
        %add3A_1882 = arith.constant 96 : i32
        %add3A_1883 = vector.broadcast %add3A_1882 : i32 to vector<16xi32>
        %add3A_1884 = arith.addi %add3A_1859, %add3A_1883 : vector<16xi32>
        %swap3A_1885 = arith.constant 2 : i32
        %swap3A_1886 = arith.index_cast %swap3A_1885 : i32 to index
        %swap3A_1887 = arith.index_cast %shift_right_arithmetic3A_1861 : i32 to index
        %swap3A_1888 = arith.index_cast %mul3A_1865 : i32 to index
        %swap3A_1889 = tpu.vector_load %arg10[%swap3A_1886, %swap3A_1887, %swap3A_1888] {strides = array<i32>} : memref<8x8x128xi32, #tpu.memory_space<vmem>>, vector<16xi32>,
        tpu.vector_store %arg10[%swap3A_1886, %swap3A_1887, %swap3A_1888], %add3A_1884 {strides = array<i32>} : memref<8x8x128xi32, #tpu.memory_space<vmem>>, vector<16xi32>,
        %add3A_1890 = arith.constant 97 : i32
        %add3A_1891 = vector.broadcast %add3A_1890 : i32 to vector<16xi32>
        %add3A_1892 = arith.addi %add3A_1859, %add3A_1891 : vector<16xi32>
        %swap3A_1893 = arith.constant 3 : i32
        %swap3A_1894 = arith.index_cast %swap3A_1893 : i32 to index
        %swap3A_1895 = arith.index_cast %shift_right_arithmetic3A_1861 : i32 to index
        %swap3A_1896 = arith.index_cast %mul3A_1865 : i32 to index
        %swap3A_1897 = tpu.vector_load %arg10[%swap3A_1894, %swap3A_1895, %swap3A_1896] {strides = array<i32>} : memref<8x8x128xi32, #tpu.memory_space<vmem>>, vector<16xi32>,
        tpu.vector_store %arg10[%swap3A_1894, %swap3A_1895, %swap3A_1896], %add3A_1892 {strides = array<i32>} : memref<8x8x128xi32, #tpu.memory_space<vmem>>, vector<16xi32>,
        %add3A_1898 = arith.constant 9216 : i32
        %add3A_1899 = vector.broadcast %add3A_1898 : i32 to vector<16xi32>
        %add3A_1900 = arith.addi %add3A_1859, %add3A_1899 : vector<16xi32>
        %swap3A_1901 = arith.constant 4 : i32
        %swap3A_1902 = arith.index_cast %swap3A_1901 : i32 to index
        %swap3A_1903 = arith.index_cast %shift_right_arithmetic3A_1861 : i32 to index
        %swap3A_1904 = arith.index_cast %mul3A_1865 : i32 to index
        %swap3A_1905 = tpu.vector_load %arg10[%swap3A_1902, %swap3A_1903, %swap3A_1904] {strides = array<i32>} : memref<8x8x128xi32, #tpu.memory_space<vmem>>, vector<16xi32>,
        tpu.vector_store %arg10[%swap3A_1902, %swap3A_1903, %swap3A_1904], %add3A_1900 {strides = array<i32>} : memref<8x8x128xi32, #tpu.memory_space<vmem>>, vector<16xi32>,
        %add3A_1906 = arith.constant 9217 : i32
        %add3A_1907 = vector.broadcast %add3A_1906 : i32 to vector<16xi32>
        %add3A_1908 = arith.addi %add3A_1859, %add3A_1907 : vector<16xi32>
        %swap3A_1909 = arith.constant 5 : i32
        %swap3A_1910 = arith.index_cast %swap3A_1909 : i32 to index
        %swap3A_1911 = arith.index_cast %shift_right_arithmetic3A_1861 : i32 to index
        %swap3A_1912 = arith.index_cast %mul3A_1865 : i32 to index
        %swap3A_1913 = tpu.vector_load %arg10[%swap3A_1910, %swap3A_1911, %swap3A_1912] {strides = array<i32>} : memref<8x8x128xi32, #tpu.memory_space<vmem>>, vector<16xi32>,
        tpu.vector_store %arg10[%swap3A_1910, %swap3A_1911, %swap3A_1912], %add3A_1908 {strides = array<i32>} : memref<8x8x128xi32, #tpu.memory_space<vmem>>, vector<16xi32>,
        %add3A_1914 = arith.constant 9312 : i32
        %add3A_1915 = vector.broadcast %add3A_1914 : i32 to vector<16xi32>
        %add3A_1916 = arith.addi %add3A_1859, %add3A_1915 : vector<16xi32>
        %swap3A_1917 = arith.constant 6 : i32
        %swap3A_1918 = arith.index_cast %swap3A_1917 : i32 to index
        %swap3A_1919 = arith.index_cast %shift_right_arithmetic3A_1861 : i32 to index
        %swap3A_1920 = arith.index_cast %mul3A_1865 : i32 to index
        %swap3A_1921 = tpu.vector_load %arg10[%swap3A_1918, %swap3A_1919, %swap3A_1920] {strides = array<i32>} : memref<8x8x128xi32, #tpu.memory_space<vmem>>, vector<16xi32>,
        tpu.vector_store %arg10[%swap3A_1918, %swap3A_1919, %swap3A_1920], %add3A_1916 {strides = array<i32>} : memref<8x8x128xi32, #tpu.memory_space<vmem>>, vector<16xi32>,
        %add3A_1922 = arith.constant 9313 : i32
        %add3A_1923 = vector.broadcast %add3A_1922 : i32 to vector<16xi32>
        %add3A_1924 = arith.addi %add3A_1859, %add3A_1923 : vector<16xi32>
        %swap3A_1925 = arith.constant 7 : i32
        %swap3A_1926 = arith.index_cast %swap3A_1925 : i32 to index
        %swap3A_1927 = arith.index_cast %shift_right_arithmetic3A_1861 : i32 to index
        %swap3A_1928 = arith.index_cast %mul3A_1865 : i32 to index
        %swap3A_1929 = tpu.vector_load %arg10[%swap3A_1926, %swap3A_1927, %swap3A_1928] {strides = array<i32>} : memref<8x8x128xi32, #tpu.memory_space<vmem>>, vector<16xi32>,
        tpu.vector_store %arg10[%swap3A_1926, %swap3A_1927, %swap3A_1928], %add3A_1924 {strides = array<i32>} : memref<8x8x128xi32, #tpu.memory_space<vmem>>, vector<16xi32>,
      }
      %scan3A_19 = arith.constant 64 : i32
      %dma_start3A = arith.constant 0 : i32
      %dma_start3A_20 = arith.constant 0 : i32
      %dma_start3A_21 = arith.constant 0 : i32
      %dma_start3A_22 = arith.constant 0 : i32
      %dma_start3A_23 = arith.constant 0 : i32
      %dma_start3A_24 = arith.constant 0 : i32
      %dma_start3A_25 = tpu.memref_slice %arg11[%dma_start3A_21, %dma_start3A_22, %dma_start3A_23, %dma_start3A_24] : memref<8x8x128x4xf32, #tpu.memory_space<vmem>> -> memref<1x1x128x4xf32, #tpu.memory_space<vmem>>
      %dma_start3A_26 = tpu.memref_squeeze %dma_start3A_25 : memref<1x1x128x4xf32, #tpu.memory_space<vmem>> -> memref<128x4xf32, #tpu.memory_space<vmem>>
      %dma_start3A_27 = arith.constant 0 : i32
      %dma_start3A_28 = tpu.memref_slice %arg10[%dma_start3A, %dma_start3A_20, %dma_start3A_27] : memref<8x8x128xi32, #tpu.memory_space<vmem>> -> memref<1x1x128xi32, #tpu.memory_space<vmem>>
      %dma_start3A_29 = tpu.memref_squeeze %dma_start3A_28 : memref<1x1x128xi32, #tpu.memory_space<vmem>> -> memref<128xi32, #tpu.memory_space<vmem>>
      %dma_start3A_30 = arith.constant 0 : i32
      %dma_start3A_31 = arith.constant 0 : i32
      %dma_start3A_32 = tpu.memref_slice %arg2[%dma_start3A_30, %dma_start3A_31] : memref<1769472x4xf32, #tpu.memory_space<hbm>> -> memref<1769472x4xf32, #tpu.memory_space<hbm>>
      tpu.enqueue_indirect_dma source(%dma_start3A_32 : memref<1769472x4xf32, #tpu.memory_space<hbm>>) target(%dma_start3A_26 : memref<128x4xf32, #tpu.memory_space<vmem>>) offsets(%dma_start3A_29 : memref<128xi32, #tpu.memory_space<vmem>>) semaphore(%arg13 : memref<!tpu.dma_semaphore, #tpu.memory_space<semaphore_mem>>)
      %dma_start3A_33 = arith.constant 0 : i32
      %dma_start3A_34 = arith.constant 1 : i32
      %dma_start3A_35 = arith.constant 0 : i32
      %dma_start3A_36 = arith.constant 1 : i32
      %dma_start3A_37 = arith.constant 0 : i32
      %dma_start3A_38 = arith.constant 0 : i32
      %dma_start3A_39 = tpu.memref_slice %arg11[%dma_start3A_35, %dma_start3A_36, %dma_start3A_37, %dma_start3A_38] : memref<8x8x128x4xf32, #tpu.memory_space<vmem>> -> memref<1x1x128x4xf32, #tpu.memory_space<vmem>>
      %dma_start3A_40 = tpu.memref_squeeze %dma_start3A_39 : memref<1x1x128x4xf32, #tpu.memory_space<vmem>> -> memref<128x4xf32, #tpu.memory_space<vmem>>
      %dma_start3A_41 = arith.constant 0 : i32
      %dma_start3A_42 = tpu.memref_slice %arg10[%dma_start3A_33, %dma_start3A_34, %dma_start3A_41] : memref<8x8x128xi32, #tpu.memory_space<vmem>> -> memref<1x1x128xi32, #tpu.memory_space<vmem>>
      %dma_start3A_43 = tpu.memref_squeeze %dma_start3A_42 : memref<1x1x128xi32, #tpu.memory_space<vmem>> -> memref<128xi32, #tpu.memory_space<vmem>>
      %dma_start3A_44 = arith.constant 0 : i32
      %dma_start3A_45 = arith.constant 0 : i32
      %dma_start3A_46 = tpu.memref_slice %arg2[%dma_start3A_44, %dma_start3A_45] : memref<1769472x4xf32, #tpu.memory_space<hbm>> -> memref<1769472x4xf32, #tpu.memory_space<hbm>>
      tpu.enqueue_indirect_dma source(%dma_start3A_46 : memref<1769472x4xf32, #tpu.memory_space<hbm>>) target(%dma_start3A_40 : memref<128x4xf32, #tpu.memory_space<vmem>>) offsets(%dma_start3A_43 : memref<128xi32, #tpu.memory_space<vmem>>) semaphore(%arg13 : memref<!tpu.dma_semaphore, #tpu.memory_space<semaphore_mem>>)
      %dma_start3A_47 = arith.constant 0 : i32
      %dma_start3A_48 = arith.constant 2 : i32
      %dma_start3A_49 = arith.constant 0 : i32
      %dma_start3A_50 = arith.constant 2 : i32
      %dma_start3A_51 = arith.constant 0 : i32
      %dma_start3A_52 = arith.constant 0 : i32
      %dma_start3A_53 = tpu.memref_slice %arg11[%dma_start3A_49, %dma_start3A_50, %dma_start3A_51, %dma_start3A_52] : memref<8x8x128x4xf32, #tpu.memory_space<vmem>> -> memref<1x1x128x4xf32, #tpu.memory_space<vmem>>
      %dma_start3A_54 = tpu.memref_squeeze %dma_start3A_53 : memref<1x1x128x4xf32, #tpu.memory_space<vmem>> -> memref<128x4xf32, #tpu.memory_space<vmem>>
      %dma_start3A_55 = arith.constant 0 : i32
      %dma_start3A_56 = tpu.memref_slice %arg10[%dma_start3A_47, %dma_start3A_48, %dma_start3A_55] : memref<8x8x128xi32, #tpu.memory_space<vmem>> -> memref<1x1x128xi32, #tpu.memory_space<vmem>>
      %dma_start3A_57 = tpu.memref_squeeze %dma_start3A_56 : memref<1x1x128xi32, #tpu.memory_space<vmem>> -> memref<128xi32, #tpu.memory_space<vmem>>
      %dma_start3A_58 = arith.constant 0 : i32
      %dma_start3A_59 = arith.constant 0 : i32
      %dma_start3A_60 = tpu.memref_slice %arg2[%dma_start3A_58, %dma_start3A_59] : memref<1769472x4xf32, #tpu.memory_space<hbm>> -> memref<1769472x4xf32, #tpu.memory_space<hbm>>
      tpu.enqueue_indirect_dma source(%dma_start3A_60 : memref<1769472x4xf32, #tpu.memory_space<hbm>>) target(%dma_start3A_54 : memref<128x4xf32, #tpu.memory_space<vmem>>) offsets(%dma_start3A_57 : memref<128xi32, #tpu.memory_space<vmem>>) semaphore(%arg13 : memref<!tpu.dma_semaphore, #tpu.memory_space<semaphore_mem>>)
      %dma_start3A_61 = arith.constant 0 : i32
      %dma_start3A_62 = arith.constant 3 : i32
      %dma_start3A_63 = arith.constant 0 : i32
      %dma_start3A_64 = arith.constant 3 : i32
      %dma_start3A_65 = arith.constant 0 : i32
      %dma_start3A_66 = arith.constant 0 : i32
      %dma_start3A_67 = tpu.memref_slice %arg11[%dma_start3A_63, %dma_start3A_64, %dma_start3A_65, %dma_start3A_66] : memref<8x8x128x4xf32, #tpu.memory_space<vmem>> -> memref<1x1x128x4xf32, #tpu.memory_space<vmem>>
      %dma_start3A_68 = tpu.memref_squeeze %dma_start3A_67 : memref<1x1x128x4xf32, #tpu.memory_space<vmem>> -> memref<128x4xf32, #tpu.memory_space<vmem>>
      %dma_start3A_69 = arith.constant 0 : i32
      %dma_start3A_70 = tpu.memref_slice %arg10[%dma_start3A_61, %dma_start3A_62, %dma_start3A_69] : memref<8x8x128xi32, #tpu.memory_space<vmem>> -> memref<1x1x128xi32, #tpu.memory_space<vmem>>
      %dma_start3A_71 = tpu.memref_squeeze %dma_start3A_70 : memref<1x1x128xi32, #tpu.memory_space<vmem>> -> memref<128xi32, #tpu.memory_space<vmem>>
      %dma_start3A_72 = arith.constant 0 : i32
      %dma_start3A_73 = arith.constant 0 : i32
      %dma_start3A_74 = tpu.memref_slice %arg2[%dma_start3A_72, %dma_start3A_73] : memref<1769472x4xf32, #tpu.memory_space<hbm>> -> memref<1769472x4xf32, #tpu.memory_space<hbm>>
      tpu.enqueue_indirect_dma source(%dma_start3A_74 : memref<1769472x4xf32, #tpu.memory_space<hbm>>) target(%dma_start3A_68 : memref<128x4xf32, #tpu.memory_space<vmem>>) offsets(%dma_start3A_71 : memref<128xi32, #tpu.memory_space<vmem>>) semaphore(%arg13 : memref<!tpu.dma_semaphore, #tpu.memory_space<semaphore_mem>>)
      %dma_start3A_75 = arith.constant 0 : i32
      %dma_start3A_76 = arith.constant 4 : i32
      %dma_start3A_77 = arith.constant 0 : i32
      %dma_start3A_78 = arith.constant 4 : i32
      %dma_start3A_79 = arith.constant 0 : i32
      %dma_start3A_80 = arith.constant 0 : i32
      %dma_start3A_81 = tpu.memref_slice %arg11[%dma_start3A_77, %dma_start3A_78, %dma_start3A_79, %dma_start3A_80] : memref<8x8x128x4xf32, #tpu.memory_space<vmem>> -> memref<1x1x128x4xf32, #tpu.memory_space<vmem>>
      %dma_start3A_82 = tpu.memref_squeeze %dma_start3A_81 : memref<1x1x128x4xf32, #tpu.memory_space<vmem>> -> memref<128x4xf32, #tpu.memory_space<vmem>>
      %dma_start3A_83 = arith.constant 0 : i32
      %dma_start3A_84 = tpu.memref_slice %arg10[%dma_start3A_75, %dma_start3A_76, %dma_start3A_83] : memref<8x8x128xi32, #tpu.memory_space<vmem>> -> memref<1x1x128xi32, #tpu.memory_space<vmem>>
      %dma_start3A_85 = tpu.memref_squeeze %dma_start3A_84 : memref<1x1x128xi32, #tpu.memory_space<vmem>> -> memref<128xi32, #tpu.memory_space<vmem>>
      %dma_start3A_86 = arith.constant 0 : i32
      %dma_start3A_87 = arith.constant 0 : i32
      %dma_start3A_88 = tpu.memref_slice %arg2[%dma_start3A_86, %dma_start3A_87] : memref<1769472x4xf32, #tpu.memory_space<hbm>> -> memref<1769472x4xf32, #tpu.memory_space<hbm>>
      tpu.enqueue_indirect_dma source(%dma_start3A_88 : memref<1769472x4xf32, #tpu.memory_space<hbm>>) target(%dma_start3A_82 : memref<128x4xf32, #tpu.memory_space<vmem>>) offsets(%dma_start3A_85 : memref<128xi32, #tpu.memory_space<vmem>>) semaphore(%arg13 : memref<!tpu.dma_semaphore, #tpu.memory_space<semaphore_mem>>)
      %dma_start3A_89 = arith.constant 0 : i32
      %dma_start3A_90 = arith.constant 5 : i32
      %dma_start3A_91 = arith.constant 0 : i32
      %dma_start3A_92 = arith.constant 5 : i32
      %dma_start3A_93 = arith.constant 0 : i32
      %dma_start3A_94 = arith.constant 0 : i32
      %dma_start3A_95 = tpu.memref_slice %arg11[%dma_start3A_91, %dma_start3A_92, %dma_start3A_93, %dma_start3A_94] : memref<8x8x128x4xf32, #tpu.memory_space<vmem>> -> memref<1x1x128x4xf32, #tpu.memory_space<vmem>>
      %dma_start3A_96 = tpu.memref_squeeze %dma_start3A_95 : memref<1x1x128x4xf32, #tpu.memory_space<vmem>> -> memref<128x4xf32, #tpu.memory_space<vmem>>
      %dma_start3A_97 = arith.constant 0 : i32
      %dma_start3A_98 = tpu.memref_slice %arg10[%dma_start3A_89, %dma_start3A_90, %dma_start3A_97] : memref<8x8x128xi32, #tpu.memory_space<vmem>> -> memref<1x1x128xi32, #tpu.memory_space<vmem>>
      %dma_start3A_99 = tpu.memref_squeeze %dma_start3A_98 : memref<1x1x128xi32, #tpu.memory_space<vmem>> -> memref<128xi32, #tpu.memory_space<vmem>>
      %dma_start3A_100 = arith.constant 0 : i32
      %dma_start3A_101 = arith.constant 0 : i32
      %dma_start3A_102 = tpu.memref_slice %arg2[%dma_start3A_100, %dma_start3A_101] : memref<1769472x4xf32, #tpu.memory_space<hbm>> -> memref<1769472x4xf32, #tpu.memory_space<hbm>>
      tpu.enqueue_indirect_dma source(%dma_start3A_102 : memref<1769472x4xf32, #tpu.memory_space<hbm>>) target(%dma_start3A_96 : memref<128x4xf32, #tpu.memory_space<vmem>>) offsets(%dma_start3A_99 : memref<128xi32, #tpu.memory_space<vmem>>) semaphore(%arg13 : memref<!tpu.dma_semaphore, #tpu.memory_space<semaphore_mem>>)
      %dma_start3A_103 = arith.constant 0 : i32
      %dma_start3A_104 = arith.constant 6 : i32
      %dma_start3A_105 = arith.constant 0 : i32
      %dma_start3A_106 = arith.constant 6 : i32
      %dma_start3A_107 = arith.constant 0 : i32
      %dma_start3A_108 = arith.constant 0 : i32
      %dma_start3A_109 = tpu.memref_slice %arg11[%dma_start3A_105, %dma_start3A_106, %dma_start3A_107, %dma_start3A_108] : memref<8x8x128x4xf32, #tpu.memory_space<vmem>> -> memref<1x1x128x4xf32, #tpu.memory_space<vmem>>
      %dma_start3A_110 = tpu.memref_squeeze %dma_start3A_109 : memref<1x1x128x4xf32, #tpu.memory_space<vmem>> -> memref<128x4xf32, #tpu.memory_space<vmem>>
      %dma_start3A_111 = arith.constant 0 : i32
      %dma_start3A_112 = tpu.memref_slice %arg10[%dma_start3A_103, %dma_start3A_104, %dma_start3A_111] : memref<8x8x128xi32, #tpu.memory_space<vmem>> -> memref<1x1x128xi32, #tpu.memory_space<vmem>>
      %dma_start3A_113 = tpu.memref_squeeze %dma_start3A_112 : memref<1x1x128xi32, #tpu.memory_space<vmem>> -> memref<128xi32, #tpu.memory_space<vmem>>
      %dma_start3A_114 = arith.constant 0 : i32
      %dma_start3A_115 = arith.constant 0 : i32
      %dma_start3A_116 = tpu.memref_slice %arg2[%dma_start3A_114, %dma_start3A_115] : memref<1769472x4xf32, #tpu.memory_space<hbm>> -> memref<1769472x4xf32, #tpu.memory_space<hbm>>
      tpu.enqueue_indirect_dma source(%dma_start3A_116 : memref<1769472x4xf32, #tpu.memory_space<hbm>>) target(%dma_start3A_110 : memref<128x4xf32, #tpu.memory_space<vmem>>) offsets(%dma_start3A_113 : memref<128xi32, #tpu.memory_space<vmem>>) semaphore(%arg13 : memref<!tpu.dma_semaphore, #tpu.memory_space<semaphore_mem>>)
      %dma_start3A_117 = arith.constant 0 : i32
      %dma_start3A_118 = arith.constant 7 : i32
      %dma_start3A_119 = arith.constant 0 : i32
      %dma_start3A_120 = arith.constant 7 : i32
      %dma_start3A_121 = arith.constant 0 : i32
      %dma_start3A_122 = arith.constant 0 : i32
      %dma_start3A_123 = tpu.memref_slice %arg11[%dma_start3A_119, %dma_start3A_120, %dma_start3A_121, %dma_start3A_122] : memref<8x8x128x4xf32, #tpu.memory_space<vmem>> -> memref<1x1x128x4xf32, #tpu.memory_space<vmem>>
      %dma_start3A_124 = tpu.memref_squeeze %dma_start3A_123 : memref<1x1x128x4xf32, #tpu.memory_space<vmem>> -> memref<128x4xf32, #tpu.memory_space<vmem>>
      %dma_start3A_125 = arith.constant 0 : i32
      %dma_start3A_126 = tpu.memref_slice %arg10[%dma_start3A_117, %dma_start3A_118, %dma_start3A_125] : memref<8x8x128xi32, #tpu.memory_space<vmem>> -> memref<1x1x128xi32, #tpu.memory_space<vmem>>
      %dma_start3A_127 = tpu.memref_squeeze %dma_start3A_126 : memref<1x1x128xi32, #tpu.memory_space<vmem>> -> memref<128xi32, #tpu.memory_space<vmem>>
      %dma_start3A_128 = arith.constant 0 : i32
      %dma_start3A_129 = arith.constant 0 : i32
      %dma_start3A_130 = tpu.memref_slice %arg2[%dma_start3A_128, %dma_start3A_129] : memref<1769472x4xf32, #tpu.memory_space<hbm>> -> memref<1769472x4xf32, #tpu.memory_space<hbm>>
      tpu.enqueue_indirect_dma source(%dma_start3A_130 : memref<1769472x4xf32, #tpu.memory_space<hbm>>) target(%dma_start3A_124 : memref<128x4xf32, #tpu.memory_space<vmem>>) offsets(%dma_start3A_127 : memref<128xi32, #tpu.memory_space<vmem>>) semaphore(%arg13 : memref<!tpu.dma_semaphore, #tpu.memory_space<semaphore_mem>>)
      %dma_start3A_131 = arith.constant 1 : i32
      %dma_start3A_132 = arith.constant 0 : i32
      %dma_start3A_133 = arith.constant 1 : i32
      %dma_start3A_134 = arith.constant 0 : i32
      %dma_start3A_135 = arith.constant 0 : i32
      %dma_start3A_136 = arith.constant 0 : i32
      %dma_start3A_137 = tpu.memref_slice %arg11[%dma_start3A_133, %dma_start3A_134, %dma_start3A_135, %dma_start3A_136] : memref<8x8x128x4xf32, #tpu.memory_space<vmem>> -> memref<1x1x128x4xf32, #tpu.memory_space<vmem>>
      %dma_start3A_138 = tpu.memref_squeeze %dma_start3A_137 : memref<1x1x128x4xf32, #tpu.memory_space<vmem>> -> memref<128x4xf32, #tpu.memory_space<vmem>>
      %dma_start3A_139 = arith.constant 0 : i32
      %dma_start3A_140 = tpu.memref_slice %arg10[%dma_start3A_131, %dma_start3A_132, %dma_start3A_139] : memref<8x8x128xi32, #tpu.memory_space<vmem>> -> memref<1x1x128xi32, #tpu.memory_space<vmem>>
      %dma_start3A_141 = tpu.memref_squeeze %dma_start3A_140 : memref<1x1x128xi32, #tpu.memory_space<vmem>> -> memref<128xi32, #tpu.memory_space<vmem>>
      %dma_start3A_142 = arith.constant 0 : i32
      %dma_start3A_143 = arith.constant 0 : i32
      %dma_start3A_144 = tpu.memref_slice %arg2[%dma_start3A_142, %dma_start3A_143] : memref<1769472x4xf32, #tpu.memory_space<hbm>> -> memref<1769472x4xf32, #tpu.memory_space<hbm>>
      tpu.enqueue_indirect_dma source(%dma_start3A_144 : memref<1769472x4xf32, #tpu.memory_space<hbm>>) target(%dma_start3A_138 : memref<128x4xf32, #tpu.memory_space<vmem>>) offsets(%dma_start3A_141 : memref<128xi32, #tpu.memory_space<vmem>>) semaphore(%arg13 : memref<!tpu.dma_semaphore, #tpu.memory_space<semaphore_mem>>)
      %dma_start3A_145 = arith.constant 1 : i32
      %dma_start3A_146 = arith.constant 1 : i32
      %dma_start3A_147 = arith.constant 1 : i32
      %dma_start3A_148 = arith.constant 1 : i32
      %dma_start3A_149 = arith.constant 0 : i32
      %dma_start3A_150 = arith.constant 0 : i32
      %dma_start3A_151 = tpu.memref_slice %arg11[%dma_start3A_147, %dma_start3A_148, %dma_start3A_149, %dma_start3A_150] : memref<8x8x128x4xf32, #tpu.memory_space<vmem>> -> memref<1x1x128x4xf32, #tpu.memory_space<vmem>>
      %dma_start3A_152 = tpu.memref_squeeze %dma_start3A_151 : memref<1x1x128x4xf32, #tpu.memory_space<vmem>> -> memref<128x4xf32, #tpu.memory_space<vmem>>
      %dma_start3A_153 = arith.constant 0 : i32
      %dma_start3A_154 = tpu.memref_slice %arg10[%dma_start3A_145, %dma_start3A_146, %dma_start3A_153] : memref<8x8x128xi32, #tpu.memory_space<vmem>> -> memref<1x1x128xi32, #tpu.memory_space<vmem>>
      %dma_start3A_155 = tpu.memref_squeeze %dma_start3A_154 : memref<1x1x128xi32, #tpu.memory_space<vmem>> -> memref<128xi32, #tpu.memory_space<vmem>>
      %dma_start3A_156 = arith.constant 0 : i32
      %dma_start3A_157 = arith.constant 0 : i32
      %dma_start3A_158 = tpu.memref_slice %arg2[%dma_start3A_156, %dma_start3A_157] : memref<1769472x4xf32, #tpu.memory_space<hbm>> -> memref<1769472x4xf32, #tpu.memory_space<hbm>>
      tpu.enqueue_indirect_dma source(%dma_start3A_158 : memref<1769472x4xf32, #tpu.memory_space<hbm>>) target(%dma_start3A_152 : memref<128x4xf32, #tpu.memory_space<vmem>>) offsets(%dma_start3A_155 : memref<128xi32, #tpu.memory_space<vmem>>) semaphore(%arg13 : memref<!tpu.dma_semaphore, #tpu.memory_space<semaphore_mem>>)
      %dma_start3A_159 = arith.constant 1 : i32
      %dma_start3A_160 = arith.constant 2 : i32
      %dma_start3A_161 = arith.constant 1 : i32
      %dma_start3A_162 = arith.constant 2 : i32
      %dma_start3A_163 = arith.constant 0 : i32
      %dma_start3A_164 = arith.constant 0 : i32
      %dma_start3A_165 = tpu.memref_slice %arg11[%dma_start3A_161, %dma_start3A_162, %dma_start3A_163, %dma_start3A_164] : memref<8x8x128x4xf32, #tpu.memory_space<vmem>> -> memref<1x1x128x4xf32, #tpu.memory_space<vmem>>
      %dma_start3A_166 = tpu.memref_squeeze %dma_start3A_165 : memref<1x1x128x4xf32, #tpu.memory_space<vmem>> -> memref<128x4xf32, #tpu.memory_space<vmem>>
      %dma_start3A_167 = arith.constant 0 : i32
      %dma_start3A_168 = tpu.memref_slice %arg10[%dma_start3A_159, %dma_start3A_160, %dma_start3A_167] : memref<8x8x128xi32, #tpu.memory_space<vmem>> -> memref<1x1x128xi32, #tpu.memory_space<vmem>>
      %dma_start3A_169 = tpu.memref_squeeze %dma_start3A_168 : memref<1x1x128xi32, #tpu.memory_space<vmem>> -> memref<128xi32, #tpu.memory_space<vmem>>
      %dma_start3A_170 = arith.constant 0 : i32
      %dma_start3A_171 = arith.constant 0 : i32
      %dma_start3A_172 = tpu.memref_slice %arg2[%dma_start3A_170, %dma_start3A_171] : memref<1769472x4xf32, #tpu.memory_space<hbm>> -> memref<1769472x4xf32, #tpu.memory_space<hbm>>
      tpu.enqueue_indirect_dma source(%dma_start3A_172 : memref<1769472x4xf32, #tpu.memory_space<hbm>>) target(%dma_start3A_166 : memref<128x4xf32, #tpu.memory_space<vmem>>) offsets(%dma_start3A_169 : memref<128xi32, #tpu.memory_space<vmem>>) semaphore(%arg13 : memref<!tpu.dma_semaphore, #tpu.memory_space<semaphore_mem>>)
      %dma_start3A_173 = arith.constant 1 : i32
      %dma_start3A_174 = arith.constant 3 : i32
      %dma_start3A_175 = arith.constant 1 : i32
      %dma_start3A_176 = arith.constant 3 : i32
      %dma_start3A_177 = arith.constant 0 : i32
      %dma_start3A_178 = arith.constant 0 : i32
      %dma_start3A_179 = tpu.memref_slice %arg11[%dma_start3A_175, %dma_start3A_176, %dma_start3A_177, %dma_start3A_178] : memref<8x8x128x4xf32, #tpu.memory_space<vmem>> -> memref<1x1x128x4xf32, #tpu.memory_space<vmem>>
      %dma_start3A_180 = tpu.memref_squeeze %dma_start3A_179 : memref<1x1x128x4xf32, #tpu.memory_space<vmem>> -> memref<128x4xf32, #tpu.memory_space<vmem>>
      %dma_start3A_181 = arith.constant 0 : i32
      %dma_start3A_182 = tpu.memref_slice %arg10[%dma_start3A_173, %dma_start3A_174, %dma_start3A_181] : memref<8x8x128xi32, #tpu.memory_space<vmem>> -> memref<1x1x128xi32, #tpu.memory_space<vmem>>
      %dma_start3A_183 = tpu.memref_squeeze %dma_start3A_182 : memref<1x1x128xi32, #tpu.memory_space<vmem>> -> memref<128xi32, #tpu.memory_space<vmem>>
      %dma_start3A_184 = arith.constant 0 : i32
      %dma_start3A_185 = arith.constant 0 : i32
      %dma_start3A_186 = tpu.memref_slice %arg2[%dma_start3A_184, %dma_start3A_185] : memref<1769472x4xf32, #tpu.memory_space<hbm>> -> memref<1769472x4xf32, #tpu.memory_space<hbm>>
      tpu.enqueue_indirect_dma source(%dma_start3A_186 : memref<1769472x4xf32, #tpu.memory_space<hbm>>) target(%dma_start3A_180 : memref<128x4xf32, #tpu.memory_space<vmem>>) offsets(%dma_start3A_183 : memref<128xi32, #tpu.memory_space<vmem>>) semaphore(%arg13 : memref<!tpu.dma_semaphore, #tpu.memory_space<semaphore_mem>>)
      %dma_start3A_187 = arith.constant 1 : i32
      %dma_start3A_188 = arith.constant 4 : i32
      %dma_start3A_189 = arith.constant 1 : i32
      %dma_start3A_190 = arith.constant 4 : i32
      %dma_start3A_191 = arith.constant 0 : i32
      %dma_start3A_192 = arith.constant 0 : i32
      %dma_start3A_193 = tpu.memref_slice %arg11[%dma_start3A_189, %dma_start3A_190, %dma_start3A_191, %dma_start3A_192] : memref<8x8x128x4xf32, #tpu.memory_space<vmem>> -> memref<1x1x128x4xf32, #tpu.memory_space<vmem>>
      %dma_start3A_194 = tpu.memref_squeeze %dma_start3A_193 : memref<1x1x128x4xf32, #tpu.memory_space<vmem>> -> memref<128x4xf32, #tpu.memory_space<vmem>>
      %dma_start3A_195 = arith.constant 0 : i32
      %dma_start3A_196 = tpu.memref_slice %arg10[%dma_start3A_187, %dma_start3A_188, %dma_start3A_195] : memref<8x8x128xi32, #tpu.memory_space<vmem>> -> memref<1x1x128xi32, #tpu.memory_space<vmem>>
      %dma_start3A_197 = tpu.memref_squeeze %dma_start3A_196 : memref<1x1x128xi32, #tpu.memory_space<vmem>> -> memref<128xi32, #tpu.memory_space<vmem>>
      %dma_start3A_198 = arith.constant 0 : i32
      %dma_start3A_199 = arith.constant 0 : i32
      %dma_start3A_200 = tpu.memref_slice %arg2[%dma_start3A_198, %dma_start3A_199] : memref<1769472x4xf32, #tpu.memory_space<hbm>> -> memref<1769472x4xf32, #tpu.memory_space<hbm>>
      tpu.enqueue_indirect_dma source(%dma_start3A_200 : memref<1769472x4xf32, #tpu.memory_space<hbm>>) target(%dma_start3A_194 : memref<128x4xf32, #tpu.memory_space<vmem>>) offsets(%dma_start3A_197 : memref<128xi32, #tpu.memory_space<vmem>>) semaphore(%arg13 : memref<!tpu.dma_semaphore, #tpu.memory_space<semaphore_mem>>)
      %dma_start3A_201 = arith.constant 1 : i32
      %dma_start3A_202 = arith.constant 5 : i32
      %dma_start3A_203 = arith.constant 1 : i32
      %dma_start3A_204 = arith.constant 5 : i32
      %dma_start3A_205 = arith.constant 0 : i32
      %dma_start3A_206 = arith.constant 0 : i32
      %dma_start3A_207 = tpu.memref_slice %arg11[%dma_start3A_203, %dma_start3A_204, %dma_start3A_205, %dma_start3A_206] : memref<8x8x128x4xf32, #tpu.memory_space<vmem>> -> memref<1x1x128x4xf32, #tpu.memory_space<vmem>>
      %dma_start3A_208 = tpu.memref_squeeze %dma_start3A_207 : memref<1x1x128x4xf32, #tpu.memory_space<vmem>> -> memref<128x4xf32, #tpu.memory_space<vmem>>
      %dma_start3A_209 = arith.constant 0 : i32
      %dma_start3A_210 = tpu.memref_slice %arg10[%dma_start3A_201, %dma_start3A_202, %dma_start3A_209] : memref<8x8x128xi32, #tpu.memory_space<vmem>> -> memref<1x1x128xi32, #tpu.memory_space<vmem>>
      %dma_start3A_211 = tpu.memref_squeeze %dma_start3A_210 : memref<1x1x128xi32, #tpu.memory_space<vmem>> -> memref<128xi32, #tpu.memory_space<vmem>>
      %dma_start3A_212 = arith.constant 0 : i32
      %dma_start3A_213 = arith.constant 0 : i32
      %dma_start3A_214 = tpu.memref_slice %arg2[%dma_start3A_212, %dma_start3A_213] : memref<1769472x4xf32, #tpu.memory_space<hbm>> -> memref<1769472x4xf32, #tpu.memory_space<hbm>>
      tpu.enqueue_indirect_dma source(%dma_start3A_214 : memref<1769472x4xf32, #tpu.memory_space<hbm>>) target(%dma_start3A_208 : memref<128x4xf32, #tpu.memory_space<vmem>>) offsets(%dma_start3A_211 : memref<128xi32, #tpu.memory_space<vmem>>) semaphore(%arg13 : memref<!tpu.dma_semaphore, #tpu.memory_space<semaphore_mem>>)
      %dma_start3A_215 = arith.constant 1 : i32
      %dma_start3A_216 = arith.constant 6 : i32
      %dma_start3A_217 = arith.constant 1 : i32
      %dma_start3A_218 = arith.constant 6 : i32
      %dma_start3A_219 = arith.constant 0 : i32
      %dma_start3A_220 = arith.constant 0 : i32
      %dma_start3A_221 = tpu.memref_slice %arg11[%dma_start3A_217, %dma_start3A_218, %dma_start3A_219, %dma_start3A_220] : memref<8x8x128x4xf32, #tpu.memory_space<vmem>> -> memref<1x1x128x4xf32, #tpu.memory_space<vmem>>
      %dma_start3A_222 = tpu.memref_squeeze %dma_start3A_221 : memref<1x1x128x4xf32, #tpu.memory_space<vmem>> -> memref<128x4xf32, #tpu.memory_space<vmem>>
      %dma_start3A_223 = arith.constant 0 : i32
      %dma_start3A_224 = tpu.memref_slice %arg10[%dma_start3A_215, %dma_start3A_216, %dma_start3A_223] : memref<8x8x128xi32, #tpu.memory_space<vmem>> -> memref<1x1x128xi32, #tpu.memory_space<vmem>>
      %dma_start3A_225 = tpu.memref_squeeze %dma_start3A_224 : memref<1x1x128xi32, #tpu.memory_space<vmem>> -> memref<128xi32, #tpu.memory_space<vmem>>
      %dma_start3A_226 = arith.constant 0 : i32
      %dma_start3A_227 = arith.constant 0 : i32
      %dma_start3A_228 = tpu.memref_slice %arg2[%dma_start3A_226, %dma_start3A_227] : memref<1769472x4xf32, #tpu.memory_space<hbm>> -> memref<1769472x4xf32, #tpu.memory_space<hbm>>
      tpu.enqueue_indirect_dma source(%dma_start3A_228 : memref<1769472x4xf32, #tpu.memory_space<hbm>>) target(%dma_start3A_222 : memref<128x4xf32, #tpu.memory_space<vmem>>) offsets(%dma_start3A_225 : memref<128xi32, #tpu.memory_space<vmem>>) semaphore(%arg13 : memref<!tpu.dma_semaphore, #tpu.memory_space<semaphore_mem>>)
      %dma_start3A_229 = arith.constant 1 : i32
      %dma_start3A_230 = arith.constant 7 : i32
      %dma_start3A_231 = arith.constant 1 : i32
      %dma_start3A_232 = arith.constant 7 : i32
      %dma_start3A_233 = arith.constant 0 : i32
      %dma_start3A_234 = arith.constant 0 : i32
      %dma_start3A_235 = tpu.memref_slice %arg11[%dma_start3A_231, %dma_start3A_232, %dma_start3A_233, %dma_start3A_234] : memref<8x8x128x4xf32, #tpu.memory_space<vmem>> -> memref<1x1x128x4xf32, #tpu.memory_space<vmem>>
      %dma_start3A_236 = tpu.memref_squeeze %dma_start3A_235 : memref<1x1x128x4xf32, #tpu.memory_space<vmem>> -> memref<128x4xf32, #tpu.memory_space<vmem>>
      %dma_start3A_237 = arith.constant 0 : i32
      %dma_start3A_238 = tpu.memref_slice %arg10[%dma_start3A_229, %dma_start3A_230, %dma_start3A_237] : memref<8x8x128xi32, #tpu.memory_space<vmem>> -> memref<1x1x128xi32, #tpu.memory_space<vmem>>
      %dma_start3A_239 = tpu.memref_squeeze %dma_start3A_238 : memref<1x1x128xi32, #tpu.memory_space<vmem>> -> memref<128xi32, #tpu.memory_space<vmem>>
      %dma_start3A_240 = arith.constant 0 : i32
      %dma_start3A_241 = arith.constant 0 : i32
      %dma_start3A_242 = tpu.memref_slice %arg2[%dma_start3A_240, %dma_start3A_241] : memref<1769472x4xf32, #tpu.memory_space<hbm>> -> memref<1769472x4xf32, #tpu.memory_space<hbm>>
      tpu.enqueue_indirect_dma source(%dma_start3A_242 : memref<1769472x4xf32, #tpu.memory_space<hbm>>) target(%dma_start3A_236 : memref<128x4xf32, #tpu.memory_space<vmem>>) offsets(%dma_start3A_239 : memref<128xi32, #tpu.memory_space<vmem>>) semaphore(%arg13 : memref<!tpu.dma_semaphore, #tpu.memory_space<semaphore_mem>>)
      %dma_start3A_243 = arith.constant 2 : i32
      %dma_start3A_244 = arith.constant 0 : i32
      %dma_start3A_245 = arith.constant 2 : i32
      %dma_start3A_246 = arith.constant 0 : i32
      %dma_start3A_247 = arith.constant 0 : i32
      %dma_start3A_248 = arith.constant 0 : i32
      %dma_start3A_249 = tpu.memref_slice %arg11[%dma_start3A_245, %dma_start3A_246, %dma_start3A_247, %dma_start3A_248] : memref<8x8x128x4xf32, #tpu.memory_space<vmem>> -> memref<1x1x128x4xf32, #tpu.memory_space<vmem>>
      %dma_start3A_250 = tpu.memref_squeeze %dma_start3A_249 : memref<1x1x128x4xf32, #tpu.memory_space<vmem>> -> memref<128x4xf32, #tpu.memory_space<vmem>>
      %dma_start3A_251 = arith.constant 0 : i32
      %dma_start3A_252 = tpu.memref_slice %arg10[%dma_start3A_243, %dma_start3A_244, %dma_start3A_251] : memref<8x8x128xi32, #tpu.memory_space<vmem>> -> memref<1x1x128xi32, #tpu.memory_space<vmem>>
      %dma_start3A_253 = tpu.memref_squeeze %dma_start3A_252 : memref<1x1x128xi32, #tpu.memory_space<vmem>> -> memref<128xi32, #tpu.memory_space<vmem>>
      %dma_start3A_254 = arith.constant 0 : i32
      %dma_start3A_255 = arith.constant 0 : i32
      %dma_start3A_256 = tpu.memref_slice %arg2[%dma_start3A_254, %dma_start3A_255] : memref<1769472x4xf32, #tpu.memory_space<hbm>> -> memref<1769472x4xf32, #tpu.memory_space<hbm>>
      tpu.enqueue_indirect_dma source(%dma_start3A_256 : memref<1769472x4xf32, #tpu.memory_space<hbm>>) target(%dma_start3A_250 : memref<128x4xf32, #tpu.memory_space<vmem>>) offsets(%dma_start3A_253 : memref<128xi32, #tpu.memory_space<vmem>>) semaphore(%arg13 : memref<!tpu.dma_semaphore, #tpu.memory_space<semaphore_mem>>)
      %dma_start3A_257 = arith.constant 2 : i32
      %dma_start3A_258 = arith.constant 1 : i32
      %dma_start3A_259 = arith.constant 2 : i32
      %dma_start3A_260 = arith.constant 1 : i32
      %dma_start3A_261 = arith.constant 0 : i32
      %dma_start3A_262 = arith.constant 0 : i32
      %dma_start3A_263 = tpu.memref_slice %arg11[%dma_start3A_259, %dma_start3A_260, %dma_start3A_261, %dma_start3A_262] : memref<8x8x128x4xf32, #tpu.memory_space<vmem>> -> memref<1x1x128x4xf32, #tpu.memory_space<vmem>>
      %dma_start3A_264 = tpu.memref_squeeze %dma_start3A_263 : memref<1x1x128x4xf32, #tpu.memory_space<vmem>> -> memref<128x4xf32, #tpu.memory_space<vmem>>
      %dma_start3A_265 = arith.constant 0 : i32
      %dma_start3A_266 = tpu.memref_slice %arg10[%dma_start3A_257, %dma_start3A_258, %dma_start3A_265] : memref<8x8x128xi32, #tpu.memory_space<vmem>> -> memref<1x1x128xi32, #tpu.memory_space<vmem>>
      %dma_start3A_267 = tpu.memref_squeeze %dma_start3A_266 : memref<1x1x128xi32, #tpu.memory_space<vmem>> -> memref<128xi32, #tpu.memory_space<vmem>>
      %dma_start3A_268 = arith.constant 0 : i32
      %dma_start3A_269 = arith.constant 0 : i32
      %dma_start3A_270 = tpu.memref_slice %arg2[%dma_start3A_268, %dma_start3A_269] : memref<1769472x4xf32, #tpu.memory_space<hbm>> -> memref<1769472x4xf32, #tpu.memory_space<hbm>>
      tpu.enqueue_indirect_dma source(%dma_start3A_270 : memref<1769472x4xf32, #tpu.memory_space<hbm>>) target(%dma_start3A_264 : memref<128x4xf32, #tpu.memory_space<vmem>>) offsets(%dma_start3A_267 : memref<128xi32, #tpu.memory_space<vmem>>) semaphore(%arg13 : memref<!tpu.dma_semaphore, #tpu.memory_space<semaphore_mem>>)
      %dma_start3A_271 = arith.constant 2 : i32
      %dma_start3A_272 = arith.constant 2 : i32
      %dma_start3A_273 = arith.constant 2 : i32
      %dma_start3A_274 = arith.constant 2 : i32
      %dma_start3A_275 = arith.constant 0 : i32
      %dma_start3A_276 = arith.constant 0 : i32
      %dma_start3A_277 = tpu.memref_slice %arg11[%dma_start3A_273, %dma_start3A_274, %dma_start3A_275, %dma_start3A_276] : memref<8x8x128x4xf32, #tpu.memory_space<vmem>> -> memref<1x1x128x4xf32, #tpu.memory_space<vmem>>
      %dma_start3A_278 = tpu.memref_squeeze %dma_start3A_277 : memref<1x1x128x4xf32, #tpu.memory_space<vmem>> -> memref<128x4xf32, #tpu.memory_space<vmem>>
      %dma_start3A_279 = arith.constant 0 : i32
      %dma_start3A_280 = tpu.memref_slice %arg10[%dma_start3A_271, %dma_start3A_272, %dma_start3A_279] : memref<8x8x128xi32, #tpu.memory_space<vmem>> -> memref<1x1x128xi32, #tpu.memory_space<vmem>>
      %dma_start3A_281 = tpu.memref_squeeze %dma_start3A_280 : memref<1x1x128xi32, #tpu.memory_space<vmem>> -> memref<128xi32, #tpu.memory_space<vmem>>
      %dma_start3A_282 = arith.constant 0 : i32
      %dma_start3A_283 = arith.constant 0 : i32
      %dma_start3A_284 = tpu.memref_slice %arg2[%dma_start3A_282, %dma_start3A_283] : memref<1769472x4xf32, #tpu.memory_space<hbm>> -> memref<1769472x4xf32, #tpu.memory_space<hbm>>
      tpu.enqueue_indirect_dma source(%dma_start3A_284 : memref<1769472x4xf32, #tpu.memory_space<hbm>>) target(%dma_start3A_278 : memref<128x4xf32, #tpu.memory_space<vmem>>) offsets(%dma_start3A_281 : memref<128xi32, #tpu.memory_space<vmem>>) semaphore(%arg13 : memref<!tpu.dma_semaphore, #tpu.memory_space<semaphore_mem>>)
      %dma_start3A_285 = arith.constant 2 : i32
      %dma_start3A_286 = arith.constant 3 : i32
      %dma_start3A_287 = arith.constant 2 : i32
      %dma_start3A_288 = arith.constant 3 : i32
      %dma_start3A_289 = arith.constant 0 : i32
      %dma_start3A_290 = arith.constant 0 : i32
      %dma_start3A_291 = tpu.memref_slice %arg11[%dma_start3A_287, %dma_start3A_288, %dma_start3A_289, %dma_start3A_290] : memref<8x8x128x4xf32, #tpu.memory_space<vmem>> -> memref<1x1x128x4xf32, #tpu.memory_space<vmem>>
      %dma_start3A_292 = tpu.memref_squeeze %dma_start3A_291 : memref<1x1x128x4xf32, #tpu.memory_space<vmem>> -> memref<128x4xf32, #tpu.memory_space<vmem>>
      %dma_start3A_293 = arith.constant 0 : i32
      %dma_start3A_294 = tpu.memref_slice %arg10[%dma_start3A_285, %dma_start3A_286, %dma_start3A_293] : memref<8x8x128xi32, #tpu.memory_space<vmem>> -> memref<1x1x128xi32, #tpu.memory_space<vmem>>
      %dma_start3A_295 = tpu.memref_squeeze %dma_start3A_294 : memref<1x1x128xi32, #tpu.memory_space<vmem>> -> memref<128xi32, #tpu.memory_space<vmem>>
      %dma_start3A_296 = arith.constant 0 : i32
      %dma_start3A_297 = arith.constant 0 : i32
      %dma_start3A_298 = tpu.memref_slice %arg2[%dma_start3A_296, %dma_start3A_297] : memref<1769472x4xf32, #tpu.memory_space<hbm>> -> memref<1769472x4xf32, #tpu.memory_space<hbm>>
      tpu.enqueue_indirect_dma source(%dma_start3A_298 : memref<1769472x4xf32, #tpu.memory_space<hbm>>) target(%dma_start3A_292 : memref<128x4xf32, #tpu.memory_space<vmem>>) offsets(%dma_start3A_295 : memref<128xi32, #tpu.memory_space<vmem>>) semaphore(%arg13 : memref<!tpu.dma_semaphore, #tpu.memory_space<semaphore_mem>>)
      %dma_start3A_299 = arith.constant 2 : i32
      %dma_start3A_300 = arith.constant 4 : i32
      %dma_start3A_301 = arith.constant 2 : i32
      %dma_start3A_302 = arith.constant 4 : i32
      %dma_start3A_303 = arith.constant 0 : i32
      %dma_start3A_304 = arith.constant 0 : i32
      %dma_start3A_305 = tpu.memref_slice %arg11[%dma_start3A_301, %dma_start3A_302, %dma_start3A_303, %dma_start3A_304] : memref<8x8x128x4xf32, #tpu.memory_space<vmem>> -> memref<1x1x128x4xf32, #tpu.memory_space<vmem>>
      %dma_start3A_306 = tpu.memref_squeeze %dma_start3A_305 : memref<1x1x128x4xf32, #tpu.memory_space<vmem>> -> memref<128x4xf32, #tpu.memory_space<vmem>>
      %dma_start3A_307 = arith.constant 0 : i32
      %dma_start3A_308 = tpu.memref_slice %arg10[%dma_start3A_299, %dma_start3A_300, %dma_start3A_307] : memref<8x8x128xi32, #tpu.memory_space<vmem>> -> memref<1x1x128xi32, #tpu.memory_space<vmem>>
      %dma_start3A_309 = tpu.memref_squeeze %dma_start3A_308 : memref<1x1x128xi32, #tpu.memory_space<vmem>> -> memref<128xi32, #tpu.memory_space<vmem>>
      %dma_start3A_310 = arith.constant 0 : i32
      %dma_start3A_311 = arith.constant 0 : i32
      %dma_start3A_312 = tpu.memref_slice %arg2[%dma_start3A_310, %dma_start3A_311] : memref<1769472x4xf32, #tpu.memory_space<hbm>> -> memref<1769472x4xf32, #tpu.memory_space<hbm>>
      tpu.enqueue_indirect_dma source(%dma_start3A_312 : memref<1769472x4xf32, #tpu.memory_space<hbm>>) target(%dma_start3A_306 : memref<128x4xf32, #tpu.memory_space<vmem>>) offsets(%dma_start3A_309 : memref<128xi32, #tpu.memory_space<vmem>>) semaphore(%arg13 : memref<!tpu.dma_semaphore, #tpu.memory_space<semaphore_mem>>)
      %dma_start3A_313 = arith.constant 2 : i32
      %dma_start3A_314 = arith.constant 5 : i32
      %dma_start3A_315 = arith.constant 2 : i32
      %dma_start3A_316 = arith.constant 5 : i32
      %dma_start3A_317 = arith.constant 0 : i32
      %dma_start3A_318 = arith.constant 0 : i32
      %dma_start3A_319 = tpu.memref_slice %arg11[%dma_start3A_315, %dma_start3A_316, %dma_start3A_317, %dma_start3A_318] : memref<8x8x128x4xf32, #tpu.memory_space<vmem>> -> memref<1x1x128x4xf32, #tpu.memory_space<vmem>>
      %dma_start3A_320 = tpu.memref_squeeze %dma_start3A_319 : memref<1x1x128x4xf32, #tpu.memory_space<vmem>> -> memref<128x4xf32, #tpu.memory_space<vmem>>
      %dma_start3A_321 = arith.constant 0 : i32
      %dma_start3A_322 = tpu.memref_slice %arg10[%dma_start3A_313, %dma_start3A_314, %dma_start3A_321] : memref<8x8x128xi32, #tpu.memory_space<vmem>> -> memref<1x1x128xi32, #tpu.memory_space<vmem>>
      %dma_start3A_323 = tpu.memref_squeeze %dma_start3A_322 : memref<1x1x128xi32, #tpu.memory_space<vmem>> -> memref<128xi32, #tpu.memory_space<vmem>>
      %dma_start3A_324 = arith.constant 0 : i32
      %dma_start3A_325 = arith.constant 0 : i32
      %dma_start3A_326 = tpu.memref_slice %arg2[%dma_start3A_324, %dma_start3A_325] : memref<1769472x4xf32, #tpu.memory_space<hbm>> -> memref<1769472x4xf32, #tpu.memory_space<hbm>>
      tpu.enqueue_indirect_dma source(%dma_start3A_326 : memref<1769472x4xf32, #tpu.memory_space<hbm>>) target(%dma_start3A_320 : memref<128x4xf32, #tpu.memory_space<vmem>>) offsets(%dma_start3A_323 : memref<128xi32, #tpu.memory_space<vmem>>) semaphore(%arg13 : memref<!tpu.dma_semaphore, #tpu.memory_space<semaphore_mem>>)
      %dma_start3A_327 = arith.constant 2 : i32
      %dma_start3A_328 = arith.constant 6 : i32
      %dma_start3A_329 = arith.constant 2 : i32
      %dma_start3A_330 = arith.constant 6 : i32
      %dma_start3A_331 = arith.constant 0 : i32
      %dma_start3A_332 = arith.constant 0 : i32
      %dma_start3A_333 = tpu.memref_slice %arg11[%dma_start3A_329, %dma_start3A_330, %dma_start3A_331, %dma_start3A_332] : memref<8x8x128x4xf32, #tpu.memory_space<vmem>> -> memref<1x1x128x4xf32, #tpu.memory_space<vmem>>
      %dma_start3A_334 = tpu.memref_squeeze %dma_start3A_333 : memref<1x1x128x4xf32, #tpu.memory_space<vmem>> -> memref<128x4xf32, #tpu.memory_space<vmem>>
      %dma_start3A_335 = arith.constant 0 : i32
      %dma_start3A_336 = tpu.memref_slice %arg10[%dma_start3A_327, %dma_start3A_328, %dma_start3A_335] : memref<8x8x128xi32, #tpu.memory_space<vmem>> -> memref<1x1x128xi32, #tpu.memory_space<vmem>>
      %dma_start3A_337 = tpu.memref_squeeze %dma_start3A_336 : memref<1x1x128xi32, #tpu.memory_space<vmem>> -> memref<128xi32, #tpu.memory_space<vmem>>
      %dma_start3A_338 = arith.constant 0 : i32
      %dma_start3A_339 = arith.constant 0 : i32
      %dma_start3A_340 = tpu.memref_slice %arg2[%dma_start3A_338, %dma_start3A_339] : memref<1769472x4xf32, #tpu.memory_space<hbm>> -> memref<1769472x4xf32, #tpu.memory_space<hbm>>
      tpu.enqueue_indirect_dma source(%dma_start3A_340 : memref<1769472x4xf32, #tpu.memory_space<hbm>>) target(%dma_start3A_334 : memref<128x4xf32, #tpu.memory_space<vmem>>) offsets(%dma_start3A_337 : memref<128xi32, #tpu.memory_space<vmem>>) semaphore(%arg13 : memref<!tpu.dma_semaphore, #tpu.memory_space<semaphore_mem>>)
      %dma_start3A_341 = arith.constant 2 : i32
      %dma_start3A_342 = arith.constant 7 : i32
      %dma_start3A_343 = arith.constant 2 : i32
      %dma_start3A_344 = arith.constant 7 : i32
      %dma_start3A_345 = arith.constant 0 : i32
      %dma_start3A_346 = arith.constant 0 : i32
      %dma_start3A_347 = tpu.memref_slice %arg11[%dma_start3A_343, %dma_start3A_344, %dma_start3A_345, %dma_start3A_346] : memref<8x8x128x4xf32, #tpu.memory_space<vmem>> -> memref<1x1x128x4xf32, #tpu.memory_space<vmem>>
      %dma_start3A_348 = tpu.memref_squeeze %dma_start3A_347 : memref<1x1x128x4xf32, #tpu.memory_space<vmem>> -> memref<128x4xf32, #tpu.memory_space<vmem>>
      %dma_start3A_349 = arith.constant 0 : i32
      %dma_start3A_350 = tpu.memref_slice %arg10[%dma_start3A_341, %dma_start3A_342, %dma_start3A_349] : memref<8x8x128xi32, #tpu.memory_space<vmem>> -> memref<1x1x128xi32, #tpu.memory_space<vmem>>
      %dma_start3A_351 = tpu.memref_squeeze %dma_start3A_350 : memref<1x1x128xi32, #tpu.memory_space<vmem>> -> memref<128xi32, #tpu.memory_space<vmem>>
      %dma_start3A_352 = arith.constant 0 : i32
      %dma_start3A_353 = arith.constant 0 : i32
      %dma_start3A_354 = tpu.memref_slice %arg2[%dma_start3A_352, %dma_start3A_353] : memref<1769472x4xf32, #tpu.memory_space<hbm>> -> memref<1769472x4xf32, #tpu.memory_space<hbm>>
      tpu.enqueue_indirect_dma source(%dma_start3A_354 : memref<1769472x4xf32, #tpu.memory_space<hbm>>) target(%dma_start3A_348 : memref<128x4xf32, #tpu.memory_space<vmem>>) offsets(%dma_start3A_351 : memref<128xi32, #tpu.memory_space<vmem>>) semaphore(%arg13 : memref<!tpu.dma_semaphore, #tpu.memory_space<semaphore_mem>>)
      %dma_start3A_355 = arith.constant 3 : i32
      %dma_start3A_356 = arith.constant 0 : i32
      %dma_start3A_357 = arith.constant 3 : i32
      %dma_start3A_358 = arith.constant 0 : i32
      %dma_start3A_359 = arith.constant 0 : i32
      %dma_start3A_360 = arith.constant 0 : i32
      %dma_start3A_361 = tpu.memref_slice %arg11[%dma_start3A_357, %dma_start3A_358, %dma_start3A_359, %dma_start3A_360] : memref<8x8x128x4xf32, #tpu.memory_space<vmem>> -> memref<1x1x128x4xf32, #tpu.memory_space<vmem>>
      %dma_start3A_362 = tpu.memref_squeeze %dma_start3A_361 : memref<1x1x128x4xf32, #tpu.memory_space<vmem>> -> memref<128x4xf32, #tpu.memory_space<vmem>>
      %dma_start3A_363 = arith.constant 0 : i32
      %dma_start3A_364 = tpu.memref_slice %arg10[%dma_start3A_355, %dma_start3A_356, %dma_start3A_363] : memref<8x8x128xi32, #tpu.memory_space<vmem>> -> memref<1x1x128xi32, #tpu.memory_space<vmem>>
      %dma_start3A_365 = tpu.memref_squeeze %dma_start3A_364 : memref<1x1x128xi32, #tpu.memory_space<vmem>> -> memref<128xi32, #tpu.memory_space<vmem>>
      %dma_start3A_366 = arith.constant 0 : i32
      %dma_start3A_367 = arith.constant 0 : i32
      %dma_start3A_368 = tpu.memref_slice %arg2[%dma_start3A_366, %dma_start3A_367] : memref<1769472x4xf32, #tpu.memory_space<hbm>> -> memref<1769472x4xf32, #tpu.memory_space<hbm>>
      tpu.enqueue_indirect_dma source(%dma_start3A_368 : memref<1769472x4xf32, #tpu.memory_space<hbm>>) target(%dma_start3A_362 : memref<128x4xf32, #tpu.memory_space<vmem>>) offsets(%dma_start3A_365 : memref<128xi32, #tpu.memory_space<vmem>>) semaphore(%arg13 : memref<!tpu.dma_semaphore, #tpu.memory_space<semaphore_mem>>)
      %dma_start3A_369 = arith.constant 3 : i32
      %dma_start3A_370 = arith.constant 1 : i32
      %dma_start3A_371 = arith.constant 3 : i32
      %dma_start3A_372 = arith.constant 1 : i32
      %dma_start3A_373 = arith.constant 0 : i32
      %dma_start3A_374 = arith.constant 0 : i32
      %dma_start3A_375 = tpu.memref_slice %arg11[%dma_start3A_371, %dma_start3A_372, %dma_start3A_373, %dma_start3A_374] : memref<8x8x128x4xf32, #tpu.memory_space<vmem>> -> memref<1x1x128x4xf32, #tpu.memory_space<vmem>>
      %dma_start3A_376 = tpu.memref_squeeze %dma_start3A_375 : memref<1x1x128x4xf32, #tpu.memory_space<vmem>> -> memref<128x4xf32, #tpu.memory_space<vmem>>
      %dma_start3A_377 = arith.constant 0 : i32
      %dma_start3A_378 = tpu.memref_slice %arg10[%dma_start3A_369, %dma_start3A_370, %dma_start3A_377] : memref<8x8x128xi32, #tpu.memory_space<vmem>> -> memref<1x1x128xi32, #tpu.memory_space<vmem>>
      %dma_start3A_379 = tpu.memref_squeeze %dma_start3A_378 : memref<1x1x128xi32, #tpu.memory_space<vmem>> -> memref<128xi32, #tpu.memory_space<vmem>>
      %dma_start3A_380 = arith.constant 0 : i32
      %dma_start3A_381 = arith.constant 0 : i32
      %dma_start3A_382 = tpu.memref_slice %arg2[%dma_start3A_380, %dma_start3A_381] : memref<1769472x4xf32, #tpu.memory_space<hbm>> -> memref<1769472x4xf32, #tpu.memory_space<hbm>>
      tpu.enqueue_indirect_dma source(%dma_start3A_382 : memref<1769472x4xf32, #tpu.memory_space<hbm>>) target(%dma_start3A_376 : memref<128x4xf32, #tpu.memory_space<vmem>>) offsets(%dma_start3A_379 : memref<128xi32, #tpu.memory_space<vmem>>) semaphore(%arg13 : memref<!tpu.dma_semaphore, #tpu.memory_space<semaphore_mem>>)
      %dma_start3A_383 = arith.constant 3 : i32
      %dma_start3A_384 = arith.constant 2 : i32
      %dma_start3A_385 = arith.constant 3 : i32
      %dma_start3A_386 = arith.constant 2 : i32
      %dma_start3A_387 = arith.constant 0 : i32
      %dma_start3A_388 = arith.constant 0 : i32
      %dma_start3A_389 = tpu.memref_slice %arg11[%dma_start3A_385, %dma_start3A_386, %dma_start3A_387, %dma_start3A_388] : memref<8x8x128x4xf32, #tpu.memory_space<vmem>> -> memref<1x1x128x4xf32, #tpu.memory_space<vmem>>
      %dma_start3A_390 = tpu.memref_squeeze %dma_start3A_389 : memref<1x1x128x4xf32, #tpu.memory_space<vmem>> -> memref<128x4xf32, #tpu.memory_space<vmem>>
      %dma_start3A_391 = arith.constant 0 : i32
      %dma_start3A_392 = tpu.memref_slice %arg10[%dma_start3A_383, %dma_start3A_384, %dma_start3A_391] : memref<8x8x128xi32, #tpu.memory_space<vmem>> -> memref<1x1x128xi32, #tpu.memory_space<vmem>>
      %dma_start3A_393 = tpu.memref_squeeze %dma_start3A_392 : memref<1x1x128xi32, #tpu.memory_space<vmem>> -> memref<128xi32, #tpu.memory_space<vmem>>
      %dma_start3A_394 = arith.constant 0 : i32
      %dma_start3A_395 = arith.constant 0 : i32
      %dma_start3A_396 = tpu.memref_slice %arg2[%dma_start3A_394, %dma_start3A_395] : memref<1769472x4xf32, #tpu.memory_space<hbm>> -> memref<1769472x4xf32, #tpu.memory_space<hbm>>
      tpu.enqueue_indirect_dma source(%dma_start3A_396 : memref<1769472x4xf32, #tpu.memory_space<hbm>>) target(%dma_start3A_390 : memref<128x4xf32, #tpu.memory_space<vmem>>) offsets(%dma_start3A_393 : memref<128xi32, #tpu.memory_space<vmem>>) semaphore(%arg13 : memref<!tpu.dma_semaphore, #tpu.memory_space<semaphore_mem>>)
      %dma_start3A_397 = arith.constant 3 : i32
      %dma_start3A_398 = arith.constant 3 : i32
      %dma_start3A_399 = arith.constant 3 : i32
      %dma_start3A_400 = arith.constant 3 : i32
      %dma_start3A_401 = arith.constant 0 : i32
      %dma_start3A_402 = arith.constant 0 : i32
      %dma_start3A_403 = tpu.memref_slice %arg11[%dma_start3A_399, %dma_start3A_400, %dma_start3A_401, %dma_start3A_402] : memref<8x8x128x4xf32, #tpu.memory_space<vmem>> -> memref<1x1x128x4xf32, #tpu.memory_space<vmem>>
      %dma_start3A_404 = tpu.memref_squeeze %dma_start3A_403 : memref<1x1x128x4xf32, #tpu.memory_space<vmem>> -> memref<128x4xf32, #tpu.memory_space<vmem>>
      %dma_start3A_405 = arith.constant 0 : i32
      %dma_start3A_406 = tpu.memref_slice %arg10[%dma_start3A_397, %dma_start3A_398, %dma_start3A_405] : memref<8x8x128xi32, #tpu.memory_space<vmem>> -> memref<1x1x128xi32, #tpu.memory_space<vmem>>
      %dma_start3A_407 = tpu.memref_squeeze %dma_start3A_406 : memref<1x1x128xi32, #tpu.memory_space<vmem>> -> memref<128xi32, #tpu.memory_space<vmem>>
      %dma_start3A_408 = arith.constant 0 : i32
      %dma_start3A_409 = arith.constant 0 : i32
      %dma_start3A_410 = tpu.memref_slice %arg2[%dma_start3A_408, %dma_start3A_409] : memref<1769472x4xf32, #tpu.memory_space<hbm>> -> memref<1769472x4xf32, #tpu.memory_space<hbm>>
      tpu.enqueue_indirect_dma source(%dma_start3A_410 : memref<1769472x4xf32, #tpu.memory_space<hbm>>) target(%dma_start3A_404 : memref<128x4xf32, #tpu.memory_space<vmem>>) offsets(%dma_start3A_407 : memref<128xi32, #tpu.memory_space<vmem>>) semaphore(%arg13 : memref<!tpu.dma_semaphore, #tpu.memory_space<semaphore_mem>>)
      %dma_start3A_411 = arith.constant 3 : i32
      %dma_start3A_412 = arith.constant 4 : i32
      %dma_start3A_413 = arith.constant 3 : i32
      %dma_start3A_414 = arith.constant 4 : i32
      %dma_start3A_415 = arith.constant 0 : i32
      %dma_start3A_416 = arith.constant 0 : i32
      %dma_start3A_417 = tpu.memref_slice %arg11[%dma_start3A_413, %dma_start3A_414, %dma_start3A_415, %dma_start3A_416] : memref<8x8x128x4xf32, #tpu.memory_space<vmem>> -> memref<1x1x128x4xf32, #tpu.memory_space<vmem>>
      %dma_start3A_418 = tpu.memref_squeeze %dma_start3A_417 : memref<1x1x128x4xf32, #tpu.memory_space<vmem>> -> memref<128x4xf32, #tpu.memory_space<vmem>>
      %dma_start3A_419 = arith.constant 0 : i32
      %dma_start3A_420 = tpu.memref_slice %arg10[%dma_start3A_411, %dma_start3A_412, %dma_start3A_419] : memref<8x8x128xi32, #tpu.memory_space<vmem>> -> memref<1x1x128xi32, #tpu.memory_space<vmem>>
      %dma_start3A_421 = tpu.memref_squeeze %dma_start3A_420 : memref<1x1x128xi32, #tpu.memory_space<vmem>> -> memref<128xi32, #tpu.memory_space<vmem>>
      %dma_start3A_422 = arith.constant 0 : i32
      %dma_start3A_423 = arith.constant 0 : i32
      %dma_start3A_424 = tpu.memref_slice %arg2[%dma_start3A_422, %dma_start3A_423] : memref<1769472x4xf32, #tpu.memory_space<hbm>> -> memref<1769472x4xf32, #tpu.memory_space<hbm>>
      tpu.enqueue_indirect_dma source(%dma_start3A_424 : memref<1769472x4xf32, #tpu.memory_space<hbm>>) target(%dma_start3A_418 : memref<128x4xf32, #tpu.memory_space<vmem>>) offsets(%dma_start3A_421 : memref<128xi32, #tpu.memory_space<vmem>>) semaphore(%arg13 : memref<!tpu.dma_semaphore, #tpu.memory_space<semaphore_mem>>)
      %dma_start3A_425 = arith.constant 3 : i32
      %dma_start3A_426 = arith.constant 5 : i32
      %dma_start3A_427 = arith.constant 3 : i32
      %dma_start3A_428 = arith.constant 5 : i32
      %dma_start3A_429 = arith.constant 0 : i32
      %dma_start3A_430 = arith.constant 0 : i32
      %dma_start3A_431 = tpu.memref_slice %arg11[%dma_start3A_427, %dma_start3A_428, %dma_start3A_429, %dma_start3A_430] : memref<8x8x128x4xf32, #tpu.memory_space<vmem>> -> memref<1x1x128x4xf32, #tpu.memory_space<vmem>>
      %dma_start3A_432 = tpu.memref_squeeze %dma_start3A_431 : memref<1x1x128x4xf32, #tpu.memory_space<vmem>> -> memref<128x4xf32, #tpu.memory_space<vmem>>
      %dma_start3A_433 = arith.constant 0 : i32
      %dma_start3A_434 = tpu.memref_slice %arg10[%dma_start3A_425, %dma_start3A_426, %dma_start3A_433] : memref<8x8x128xi32, #tpu.memory_space<vmem>> -> memref<1x1x128xi32, #tpu.memory_space<vmem>>
      %dma_start3A_435 = tpu.memref_squeeze %dma_start3A_434 : memref<1x1x128xi32, #tpu.memory_space<vmem>> -> memref<128xi32, #tpu.memory_space<vmem>>
      %dma_start3A_436 = arith.constant 0 : i32
      %dma_start3A_437 = arith.constant 0 : i32
      %dma_start3A_438 = tpu.memref_slice %arg2[%dma_start3A_436, %dma_start3A_437] : memref<1769472x4xf32, #tpu.memory_space<hbm>> -> memref<1769472x4xf32, #tpu.memory_space<hbm>>
      tpu.enqueue_indirect_dma source(%dma_start3A_438 : memref<1769472x4xf32, #tpu.memory_space<hbm>>) target(%dma_start3A_432 : memref<128x4xf32, #tpu.memory_space<vmem>>) offsets(%dma_start3A_435 : memref<128xi32, #tpu.memory_space<vmem>>) semaphore(%arg13 : memref<!tpu.dma_semaphore, #tpu.memory_space<semaphore_mem>>)
      %dma_start3A_439 = arith.constant 3 : i32
      %dma_start3A_440 = arith.constant 6 : i32
      %dma_start3A_441 = arith.constant 3 : i32
      %dma_start3A_442 = arith.constant 6 : i32
      %dma_start3A_443 = arith.constant 0 : i32
      %dma_start3A_444 = arith.constant 0 : i32
      %dma_start3A_445 = tpu.memref_slice %arg11[%dma_start3A_441, %dma_start3A_442, %dma_start3A_443, %dma_start3A_444] : memref<8x8x128x4xf32, #tpu.memory_space<vmem>> -> memref<1x1x128x4xf32, #tpu.memory_space<vmem>>
      %dma_start3A_446 = tpu.memref_squeeze %dma_start3A_445 : memref<1x1x128x4xf32, #tpu.memory_space<vmem>> -> memref<128x4xf32, #tpu.memory_space<vmem>>
      %dma_start3A_447 = arith.constant 0 : i32
      %dma_start3A_448 = tpu.memref_slice %arg10[%dma_start3A_439, %dma_start3A_440, %dma_start3A_447] : memref<8x8x128xi32, #tpu.memory_space<vmem>> -> memref<1x1x128xi32, #tpu.memory_space<vmem>>
      %dma_start3A_449 = tpu.memref_squeeze %dma_start3A_448 : memref<1x1x128xi32, #tpu.memory_space<vmem>> -> memref<128xi32, #tpu.memory_space<vmem>>
      %dma_start3A_450 = arith.constant 0 : i32
      %dma_start3A_451 = arith.constant 0 : i32
      %dma_start3A_452 = tpu.memref_slice %arg2[%dma_start3A_450, %dma_start3A_451] : memref<1769472x4xf32, #tpu.memory_space<hbm>> -> memref<1769472x4xf32, #tpu.memory_space<hbm>>
      tpu.enqueue_indirect_dma source(%dma_start3A_452 : memref<1769472x4xf32, #tpu.memory_space<hbm>>) target(%dma_start3A_446 : memref<128x4xf32, #tpu.memory_space<vmem>>) offsets(%dma_start3A_449 : memref<128xi32, #tpu.memory_space<vmem>>) semaphore(%arg13 : memref<!tpu.dma_semaphore, #tpu.memory_space<semaphore_mem>>)
      %dma_start3A_453 = arith.constant 3 : i32
      %dma_start3A_454 = arith.constant 7 : i32
      %dma_start3A_455 = arith.constant 3 : i32
      %dma_start3A_456 = arith.constant 7 : i32
      %dma_start3A_457 = arith.constant 0 : i32
      %dma_start3A_458 = arith.constant 0 : i32
      %dma_start3A_459 = tpu.memref_slice %arg11[%dma_start3A_455, %dma_start3A_456, %dma_start3A_457, %dma_start3A_458] : memref<8x8x128x4xf32, #tpu.memory_space<vmem>> -> memref<1x1x128x4xf32, #tpu.memory_space<vmem>>
      %dma_start3A_460 = tpu.memref_squeeze %dma_start3A_459 : memref<1x1x128x4xf32, #tpu.memory_space<vmem>> -> memref<128x4xf32, #tpu.memory_space<vmem>>
      %dma_start3A_461 = arith.constant 0 : i32
      %dma_start3A_462 = tpu.memref_slice %arg10[%dma_start3A_453, %dma_start3A_454, %dma_start3A_461] : memref<8x8x128xi32, #tpu.memory_space<vmem>> -> memref<1x1x128xi32, #tpu.memory_space<vmem>>
      %dma_start3A_463 = tpu.memref_squeeze %dma_start3A_462 : memref<1x1x128xi32, #tpu.memory_space<vmem>> -> memref<128xi32, #tpu.memory_space<vmem>>
      %dma_start3A_464 = arith.constant 0 : i32
      %dma_start3A_465 = arith.constant 0 : i32
      %dma_start3A_466 = tpu.memref_slice %arg2[%dma_start3A_464, %dma_start3A_465] : memref<1769472x4xf32, #tpu.memory_space<hbm>> -> memref<1769472x4xf32, #tpu.memory_space<hbm>>
      tpu.enqueue_indirect_dma source(%dma_start3A_466 : memref<1769472x4xf32, #tpu.memory_space<hbm>>) target(%dma_start3A_460 : memref<128x4xf32, #tpu.memory_space<vmem>>) offsets(%dma_start3A_463 : memref<128xi32, #tpu.memory_space<vmem>>) semaphore(%arg13 : memref<!tpu.dma_semaphore, #tpu.memory_space<semaphore_mem>>)
      %dma_start3A_467 = arith.constant 4 : i32
      %dma_start3A_468 = arith.constant 0 : i32
      %dma_start3A_469 = arith.constant 4 : i32
      %dma_start3A_470 = arith.constant 0 : i32
      %dma_start3A_471 = arith.constant 0 : i32
      %dma_start3A_472 = arith.constant 0 : i32
      %dma_start3A_473 = tpu.memref_slice %arg11[%dma_start3A_469, %dma_start3A_470, %dma_start3A_471, %dma_start3A_472] : memref<8x8x128x4xf32, #tpu.memory_space<vmem>> -> memref<1x1x128x4xf32, #tpu.memory_space<vmem>>
      %dma_start3A_474 = tpu.memref_squeeze %dma_start3A_473 : memref<1x1x128x4xf32, #tpu.memory_space<vmem>> -> memref<128x4xf32, #tpu.memory_space<vmem>>
      %dma_start3A_475 = arith.constant 0 : i32
      %dma_start3A_476 = tpu.memref_slice %arg10[%dma_start3A_467, %dma_start3A_468, %dma_start3A_475] : memref<8x8x128xi32, #tpu.memory_space<vmem>> -> memref<1x1x128xi32, #tpu.memory_space<vmem>>
      %dma_start3A_477 = tpu.memref_squeeze %dma_start3A_476 : memref<1x1x128xi32, #tpu.memory_space<vmem>> -> memref<128xi32, #tpu.memory_space<vmem>>
      %dma_start3A_478 = arith.constant 0 : i32
      %dma_start3A_479 = arith.constant 0 : i32
      %dma_start3A_480 = tpu.memref_slice %arg2[%dma_start3A_478, %dma_start3A_479] : memref<1769472x4xf32, #tpu.memory_space<hbm>> -> memref<1769472x4xf32, #tpu.memory_space<hbm>>
      tpu.enqueue_indirect_dma source(%dma_start3A_480 : memref<1769472x4xf32, #tpu.memory_space<hbm>>) target(%dma_start3A_474 : memref<128x4xf32, #tpu.memory_space<vmem>>) offsets(%dma_start3A_477 : memref<128xi32, #tpu.memory_space<vmem>>) semaphore(%arg13 : memref<!tpu.dma_semaphore, #tpu.memory_space<semaphore_mem>>)
      %dma_start3A_481 = arith.constant 4 : i32
      %dma_start3A_482 = arith.constant 1 : i32
      %dma_start3A_483 = arith.constant 4 : i32
      %dma_start3A_484 = arith.constant 1 : i32
      %dma_start3A_485 = arith.constant 0 : i32
      %dma_start3A_486 = arith.constant 0 : i32
      %dma_start3A_487 = tpu.memref_slice %arg11[%dma_start3A_483, %dma_start3A_484, %dma_start3A_485, %dma_start3A_486] : memref<8x8x128x4xf32, #tpu.memory_space<vmem>> -> memref<1x1x128x4xf32, #tpu.memory_space<vmem>>
      %dma_start3A_488 = tpu.memref_squeeze %dma_start3A_487 : memref<1x1x128x4xf32, #tpu.memory_space<vmem>> -> memref<128x4xf32, #tpu.memory_space<vmem>>
      %dma_start3A_489 = arith.constant 0 : i32
      %dma_start3A_490 = tpu.memref_slice %arg10[%dma_start3A_481, %dma_start3A_482, %dma_start3A_489] : memref<8x8x128xi32, #tpu.memory_space<vmem>> -> memref<1x1x128xi32, #tpu.memory_space<vmem>>
      %dma_start3A_491 = tpu.memref_squeeze %dma_start3A_490 : memref<1x1x128xi32, #tpu.memory_space<vmem>> -> memref<128xi32, #tpu.memory_space<vmem>>
      %dma_start3A_492 = arith.constant 0 : i32
      %dma_start3A_493 = arith.constant 0 : i32
      %dma_start3A_494 = tpu.memref_slice %arg2[%dma_start3A_492, %dma_start3A_493] : memref<1769472x4xf32, #tpu.memory_space<hbm>> -> memref<1769472x4xf32, #tpu.memory_space<hbm>>
      tpu.enqueue_indirect_dma source(%dma_start3A_494 : memref<1769472x4xf32, #tpu.memory_space<hbm>>) target(%dma_start3A_488 : memref<128x4xf32, #tpu.memory_space<vmem>>) offsets(%dma_start3A_491 : memref<128xi32, #tpu.memory_space<vmem>>) semaphore(%arg13 : memref<!tpu.dma_semaphore, #tpu.memory_space<semaphore_mem>>)
      %dma_start3A_495 = arith.constant 4 : i32
      %dma_start3A_496 = arith.constant 2 : i32
      %dma_start3A_497 = arith.constant 4 : i32
      %dma_start3A_498 = arith.constant 2 : i32
      %dma_start3A_499 = arith.constant 0 : i32
      %dma_start3A_500 = arith.constant 0 : i32
      %dma_start3A_501 = tpu.memref_slice %arg11[%dma_start3A_497, %dma_start3A_498, %dma_start3A_499, %dma_start3A_500] : memref<8x8x128x4xf32, #tpu.memory_space<vmem>> -> memref<1x1x128x4xf32, #tpu.memory_space<vmem>>
      %dma_start3A_502 = tpu.memref_squeeze %dma_start3A_501 : memref<1x1x128x4xf32, #tpu.memory_space<vmem>> -> memref<128x4xf32, #tpu.memory_space<vmem>>
      %dma_start3A_503 = arith.constant 0 : i32
      %dma_start3A_504 = tpu.memref_slice %arg10[%dma_start3A_495, %dma_start3A_496, %dma_start3A_503] : memref<8x8x128xi32, #tpu.memory_space<vmem>> -> memref<1x1x128xi32, #tpu.memory_space<vmem>>
      %dma_start3A_505 = tpu.memref_squeeze %dma_start3A_504 : memref<1x1x128xi32, #tpu.memory_space<vmem>> -> memref<128xi32, #tpu.memory_space<vmem>>
      %dma_start3A_506 = arith.constant 0 : i32
      %dma_start3A_507 = arith.constant 0 : i32
      %dma_start3A_508 = tpu.memref_slice %arg2[%dma_start3A_506, %dma_start3A_507] : memref<1769472x4xf32, #tpu.memory_space<hbm>> -> memref<1769472x4xf32, #tpu.memory_space<hbm>>
      tpu.enqueue_indirect_dma source(%dma_start3A_508 : memref<1769472x4xf32, #tpu.memory_space<hbm>>) target(%dma_start3A_502 : memref<128x4xf32, #tpu.memory_space<vmem>>) offsets(%dma_start3A_505 : memref<128xi32, #tpu.memory_space<vmem>>) semaphore(%arg13 : memref<!tpu.dma_semaphore, #tpu.memory_space<semaphore_mem>>)
      %dma_start3A_509 = arith.constant 4 : i32
      %dma_start3A_510 = arith.constant 3 : i32
      %dma_start3A_511 = arith.constant 4 : i32
      %dma_start3A_512 = arith.constant 3 : i32
      %dma_start3A_513 = arith.constant 0 : i32
      %dma_start3A_514 = arith.constant 0 : i32
      %dma_start3A_515 = tpu.memref_slice %arg11[%dma_start3A_511, %dma_start3A_512, %dma_start3A_513, %dma_start3A_514] : memref<8x8x128x4xf32, #tpu.memory_space<vmem>> -> memref<1x1x128x4xf32, #tpu.memory_space<vmem>>
      %dma_start3A_516 = tpu.memref_squeeze %dma_start3A_515 : memref<1x1x128x4xf32, #tpu.memory_space<vmem>> -> memref<128x4xf32, #tpu.memory_space<vmem>>
      %dma_start3A_517 = arith.constant 0 : i32
      %dma_start3A_518 = tpu.memref_slice %arg10[%dma_start3A_509, %dma_start3A_510, %dma_start3A_517] : memref<8x8x128xi32, #tpu.memory_space<vmem>> -> memref<1x1x128xi32, #tpu.memory_space<vmem>>
      %dma_start3A_519 = tpu.memref_squeeze %dma_start3A_518 : memref<1x1x128xi32, #tpu.memory_space<vmem>> -> memref<128xi32, #tpu.memory_space<vmem>>
      %dma_start3A_520 = arith.constant 0 : i32
      %dma_start3A_521 = arith.constant 0 : i32
      %dma_start3A_522 = tpu.memref_slice %arg2[%dma_start3A_520, %dma_start3A_521] : memref<1769472x4xf32, #tpu.memory_space<hbm>> -> memref<1769472x4xf32, #tpu.memory_space<hbm>>
      tpu.enqueue_indirect_dma source(%dma_start3A_522 : memref<1769472x4xf32, #tpu.memory_space<hbm>>) target(%dma_start3A_516 : memref<128x4xf32, #tpu.memory_space<vmem>>) offsets(%dma_start3A_519 : memref<128xi32, #tpu.memory_space<vmem>>) semaphore(%arg13 : memref<!tpu.dma_semaphore, #tpu.memory_space<semaphore_mem>>)
      %dma_start3A_523 = arith.constant 4 : i32
      %dma_start3A_524 = arith.constant 4 : i32
      %dma_start3A_525 = arith.constant 4 : i32
      %dma_start3A_526 = arith.constant 4 : i32
      %dma_start3A_527 = arith.constant 0 : i32
      %dma_start3A_528 = arith.constant 0 : i32
      %dma_start3A_529 = tpu.memref_slice %arg11[%dma_start3A_525, %dma_start3A_526, %dma_start3A_527, %dma_start3A_528] : memref<8x8x128x4xf32, #tpu.memory_space<vmem>> -> memref<1x1x128x4xf32, #tpu.memory_space<vmem>>
      %dma_start3A_530 = tpu.memref_squeeze %dma_start3A_529 : memref<1x1x128x4xf32, #tpu.memory_space<vmem>> -> memref<128x4xf32, #tpu.memory_space<vmem>>
      %dma_start3A_531 = arith.constant 0 : i32
      %dma_start3A_532 = tpu.memref_slice %arg10[%dma_start3A_523, %dma_start3A_524, %dma_start3A_531] : memref<8x8x128xi32, #tpu.memory_space<vmem>> -> memref<1x1x128xi32, #tpu.memory_space<vmem>>
      %dma_start3A_533 = tpu.memref_squeeze %dma_start3A_532 : memref<1x1x128xi32, #tpu.memory_space<vmem>> -> memref<128xi32, #tpu.memory_space<vmem>>
      %dma_start3A_534 = arith.constant 0 : i32
      %dma_start3A_535 = arith.constant 0 : i32
      %dma_start3A_536 = tpu.memref_slice %arg2[%dma_start3A_534, %dma_start3A_535] : memref<1769472x4xf32, #tpu.memory_space<hbm>> -> memref<1769472x4xf32, #tpu.memory_space<hbm>>
      tpu.enqueue_indirect_dma source(%dma_start3A_536 : memref<1769472x4xf32, #tpu.memory_space<hbm>>) target(%dma_start3A_530 : memref<128x4xf32, #tpu.memory_space<vmem>>) offsets(%dma_start3A_533 : memref<128xi32, #tpu.memory_space<vmem>>) semaphore(%arg13 : memref<!tpu.dma_semaphore, #tpu.memory_space<semaphore_mem>>)
      %dma_start3A_537 = arith.constant 4 : i32
      %dma_start3A_538 = arith.constant 5 : i32
      %dma_start3A_539 = arith.constant 4 : i32
      %dma_start3A_540 = arith.constant 5 : i32
      %dma_start3A_541 = arith.constant 0 : i32
      %dma_start3A_542 = arith.constant 0 : i32
      %dma_start3A_543 = tpu.memref_slice %arg11[%dma_start3A_539, %dma_start3A_540, %dma_start3A_541, %dma_start3A_542] : memref<8x8x128x4xf32, #tpu.memory_space<vmem>> -> memref<1x1x128x4xf32, #tpu.memory_space<vmem>>
      %dma_start3A_544 = tpu.memref_squeeze %dma_start3A_543 : memref<1x1x128x4xf32, #tpu.memory_space<vmem>> -> memref<128x4xf32, #tpu.memory_space<vmem>>
      %dma_start3A_545 = arith.constant 0 : i32
      %dma_start3A_546 = tpu.memref_slice %arg10[%dma_start3A_537, %dma_start3A_538, %dma_start3A_545] : memref<8x8x128xi32, #tpu.memory_space<vmem>> -> memref<1x1x128xi32, #tpu.memory_space<vmem>>
      %dma_start3A_547 = tpu.memref_squeeze %dma_start3A_546 : memref<1x1x128xi32, #tpu.memory_space<vmem>> -> memref<128xi32, #tpu.memory_space<vmem>>
      %dma_start3A_548 = arith.constant 0 : i32
      %dma_start3A_549 = arith.constant 0 : i32
      %dma_start3A_550 = tpu.memref_slice %arg2[%dma_start3A_548, %dma_start3A_549] : memref<1769472x4xf32, #tpu.memory_space<hbm>> -> memref<1769472x4xf32, #tpu.memory_space<hbm>>
      tpu.enqueue_indirect_dma source(%dma_start3A_550 : memref<1769472x4xf32, #tpu.memory_space<hbm>>) target(%dma_start3A_544 : memref<128x4xf32, #tpu.memory_space<vmem>>) offsets(%dma_start3A_547 : memref<128xi32, #tpu.memory_space<vmem>>) semaphore(%arg13 : memref<!tpu.dma_semaphore, #tpu.memory_space<semaphore_mem>>)
      %dma_start3A_551 = arith.constant 4 : i32
      %dma_start3A_552 = arith.constant 6 : i32
      %dma_start3A_553 = arith.constant 4 : i32
      %dma_start3A_554 = arith.constant 6 : i32
      %dma_start3A_555 = arith.constant 0 : i32
      %dma_start3A_556 = arith.constant 0 : i32
      %dma_start3A_557 = tpu.memref_slice %arg11[%dma_start3A_553, %dma_start3A_554, %dma_start3A_555, %dma_start3A_556] : memref<8x8x128x4xf32, #tpu.memory_space<vmem>> -> memref<1x1x128x4xf32, #tpu.memory_space<vmem>>
      %dma_start3A_558 = tpu.memref_squeeze %dma_start3A_557 : memref<1x1x128x4xf32, #tpu.memory_space<vmem>> -> memref<128x4xf32, #tpu.memory_space<vmem>>
      %dma_start3A_559 = arith.constant 0 : i32
      %dma_start3A_560 = tpu.memref_slice %arg10[%dma_start3A_551, %dma_start3A_552, %dma_start3A_559] : memref<8x8x128xi32, #tpu.memory_space<vmem>> -> memref<1x1x128xi32, #tpu.memory_space<vmem>>
      %dma_start3A_561 = tpu.memref_squeeze %dma_start3A_560 : memref<1x1x128xi32, #tpu.memory_space<vmem>> -> memref<128xi32, #tpu.memory_space<vmem>>
      %dma_start3A_562 = arith.constant 0 : i32
      %dma_start3A_563 = arith.constant 0 : i32
      %dma_start3A_564 = tpu.memref_slice %arg2[%dma_start3A_562, %dma_start3A_563] : memref<1769472x4xf32, #tpu.memory_space<hbm>> -> memref<1769472x4xf32, #tpu.memory_space<hbm>>
      tpu.enqueue_indirect_dma source(%dma_start3A_564 : memref<1769472x4xf32, #tpu.memory_space<hbm>>) target(%dma_start3A_558 : memref<128x4xf32, #tpu.memory_space<vmem>>) offsets(%dma_start3A_561 : memref<128xi32, #tpu.memory_space<vmem>>) semaphore(%arg13 : memref<!tpu.dma_semaphore, #tpu.memory_space<semaphore_mem>>)
      %dma_start3A_565 = arith.constant 4 : i32
      %dma_start3A_566 = arith.constant 7 : i32
      %dma_start3A_567 = arith.constant 4 : i32
      %dma_start3A_568 = arith.constant 7 : i32
      %dma_start3A_569 = arith.constant 0 : i32
      %dma_start3A_570 = arith.constant 0 : i32
      %dma_start3A_571 = tpu.memref_slice %arg11[%dma_start3A_567, %dma_start3A_568, %dma_start3A_569, %dma_start3A_570] : memref<8x8x128x4xf32, #tpu.memory_space<vmem>> -> memref<1x1x128x4xf32, #tpu.memory_space<vmem>>
      %dma_start3A_572 = tpu.memref_squeeze %dma_start3A_571 : memref<1x1x128x4xf32, #tpu.memory_space<vmem>> -> memref<128x4xf32, #tpu.memory_space<vmem>>
      %dma_start3A_573 = arith.constant 0 : i32
      %dma_start3A_574 = tpu.memref_slice %arg10[%dma_start3A_565, %dma_start3A_566, %dma_start3A_573] : memref<8x8x128xi32, #tpu.memory_space<vmem>> -> memref<1x1x128xi32, #tpu.memory_space<vmem>>
      %dma_start3A_575 = tpu.memref_squeeze %dma_start3A_574 : memref<1x1x128xi32, #tpu.memory_space<vmem>> -> memref<128xi32, #tpu.memory_space<vmem>>
      %dma_start3A_576 = arith.constant 0 : i32
      %dma_start3A_577 = arith.constant 0 : i32
      %dma_start3A_578 = tpu.memref_slice %arg2[%dma_start3A_576, %dma_start3A_577] : memref<1769472x4xf32, #tpu.memory_space<hbm>> -> memref<1769472x4xf32, #tpu.memory_space<hbm>>
      tpu.enqueue_indirect_dma source(%dma_start3A_578 : memref<1769472x4xf32, #tpu.memory_space<hbm>>) target(%dma_start3A_572 : memref<128x4xf32, #tpu.memory_space<vmem>>) offsets(%dma_start3A_575 : memref<128xi32, #tpu.memory_space<vmem>>) semaphore(%arg13 : memref<!tpu.dma_semaphore, #tpu.memory_space<semaphore_mem>>)
      %dma_start3A_579 = arith.constant 5 : i32
      %dma_start3A_580 = arith.constant 0 : i32
      %dma_start3A_581 = arith.constant 5 : i32
      %dma_start3A_582 = arith.constant 0 : i32
      %dma_start3A_583 = arith.constant 0 : i32
      %dma_start3A_584 = arith.constant 0 : i32
      %dma_start3A_585 = tpu.memref_slice %arg11[%dma_start3A_581, %dma_start3A_582, %dma_start3A_583, %dma_start3A_584] : memref<8x8x128x4xf32, #tpu.memory_space<vmem>> -> memref<1x1x128x4xf32, #tpu.memory_space<vmem>>
      %dma_start3A_586 = tpu.memref_squeeze %dma_start3A_585 : memref<1x1x128x4xf32, #tpu.memory_space<vmem>> -> memref<128x4xf32, #tpu.memory_space<vmem>>
      %dma_start3A_587 = arith.constant 0 : i32
      %dma_start3A_588 = tpu.memref_slice %arg10[%dma_start3A_579, %dma_start3A_580, %dma_start3A_587] : memref<8x8x128xi32, #tpu.memory_space<vmem>> -> memref<1x1x128xi32, #tpu.memory_space<vmem>>
      %dma_start3A_589 = tpu.memref_squeeze %dma_start3A_588 : memref<1x1x128xi32, #tpu.memory_space<vmem>> -> memref<128xi32, #tpu.memory_space<vmem>>
      %dma_start3A_590 = arith.constant 0 : i32
      %dma_start3A_591 = arith.constant 0 : i32
      %dma_start3A_592 = tpu.memref_slice %arg2[%dma_start3A_590, %dma_start3A_591] : memref<1769472x4xf32, #tpu.memory_space<hbm>> -> memref<1769472x4xf32, #tpu.memory_space<hbm>>
      tpu.enqueue_indirect_dma source(%dma_start3A_592 : memref<1769472x4xf32, #tpu.memory_space<hbm>>) target(%dma_start3A_586 : memref<128x4xf32, #tpu.memory_space<vmem>>) offsets(%dma_start3A_589 : memref<128xi32, #tpu.memory_space<vmem>>) semaphore(%arg13 : memref<!tpu.dma_semaphore, #tpu.memory_space<semaphore_mem>>)
      %dma_start3A_593 = arith.constant 5 : i32
      %dma_start3A_594 = arith.constant 1 : i32
      %dma_start3A_595 = arith.constant 5 : i32
      %dma_start3A_596 = arith.constant 1 : i32
      %dma_start3A_597 = arith.constant 0 : i32
      %dma_start3A_598 = arith.constant 0 : i32
      %dma_start3A_599 = tpu.memref_slice %arg11[%dma_start3A_595, %dma_start3A_596, %dma_start3A_597, %dma_start3A_598] : memref<8x8x128x4xf32, #tpu.memory_space<vmem>> -> memref<1x1x128x4xf32, #tpu.memory_space<vmem>>
      %dma_start3A_600 = tpu.memref_squeeze %dma_start3A_599 : memref<1x1x128x4xf32, #tpu.memory_space<vmem>> -> memref<128x4xf32, #tpu.memory_space<vmem>>
      %dma_start3A_601 = arith.constant 0 : i32
      %dma_start3A_602 = tpu.memref_slice %arg10[%dma_start3A_593, %dma_start3A_594, %dma_start3A_601] : memref<8x8x128xi32, #tpu.memory_space<vmem>> -> memref<1x1x128xi32, #tpu.memory_space<vmem>>
      %dma_start3A_603 = tpu.memref_squeeze %dma_start3A_602 : memref<1x1x128xi32, #tpu.memory_space<vmem>> -> memref<128xi32, #tpu.memory_space<vmem>>
      %dma_start3A_604 = arith.constant 0 : i32
      %dma_start3A_605 = arith.constant 0 : i32
      %dma_start3A_606 = tpu.memref_slice %arg2[%dma_start3A_604, %dma_start3A_605] : memref<1769472x4xf32, #tpu.memory_space<hbm>> -> memref<1769472x4xf32, #tpu.memory_space<hbm>>
      tpu.enqueue_indirect_dma source(%dma_start3A_606 : memref<1769472x4xf32, #tpu.memory_space<hbm>>) target(%dma_start3A_600 : memref<128x4xf32, #tpu.memory_space<vmem>>) offsets(%dma_start3A_603 : memref<128xi32, #tpu.memory_space<vmem>>) semaphore(%arg13 : memref<!tpu.dma_semaphore, #tpu.memory_space<semaphore_mem>>)
      %dma_start3A_607 = arith.constant 5 : i32
      %dma_start3A_608 = arith.constant 2 : i32
      %dma_start3A_609 = arith.constant 5 : i32
      %dma_start3A_610 = arith.constant 2 : i32
      %dma_start3A_611 = arith.constant 0 : i32
      %dma_start3A_612 = arith.constant 0 : i32
      %dma_start3A_613 = tpu.memref_slice %arg11[%dma_start3A_609, %dma_start3A_610, %dma_start3A_611, %dma_start3A_612] : memref<8x8x128x4xf32, #tpu.memory_space<vmem>> -> memref<1x1x128x4xf32, #tpu.memory_space<vmem>>
      %dma_start3A_614 = tpu.memref_squeeze %dma_start3A_613 : memref<1x1x128x4xf32, #tpu.memory_space<vmem>> -> memref<128x4xf32, #tpu.memory_space<vmem>>
      %dma_start3A_615 = arith.constant 0 : i32
      %dma_start3A_616 = tpu.memref_slice %arg10[%dma_start3A_607, %dma_start3A_608, %dma_start3A_615] : memref<8x8x128xi32, #tpu.memory_space<vmem>> -> memref<1x1x128xi32, #tpu.memory_space<vmem>>
      %dma_start3A_617 = tpu.memref_squeeze %dma_start3A_616 : memref<1x1x128xi32, #tpu.memory_space<vmem>> -> memref<128xi32, #tpu.memory_space<vmem>>
      %dma_start3A_618 = arith.constant 0 : i32
      %dma_start3A_619 = arith.constant 0 : i32
      %dma_start3A_620 = tpu.memref_slice %arg2[%dma_start3A_618, %dma_start3A_619] : memref<1769472x4xf32, #tpu.memory_space<hbm>> -> memref<1769472x4xf32, #tpu.memory_space<hbm>>
      tpu.enqueue_indirect_dma source(%dma_start3A_620 : memref<1769472x4xf32, #tpu.memory_space<hbm>>) target(%dma_start3A_614 : memref<128x4xf32, #tpu.memory_space<vmem>>) offsets(%dma_start3A_617 : memref<128xi32, #tpu.memory_space<vmem>>) semaphore(%arg13 : memref<!tpu.dma_semaphore, #tpu.memory_space<semaphore_mem>>)
      %dma_start3A_621 = arith.constant 5 : i32
      %dma_start3A_622 = arith.constant 3 : i32
      %dma_start3A_623 = arith.constant 5 : i32
      %dma_start3A_624 = arith.constant 3 : i32
      %dma_start3A_625 = arith.constant 0 : i32
      %dma_start3A_626 = arith.constant 0 : i32
      %dma_start3A_627 = tpu.memref_slice %arg11[%dma_start3A_623, %dma_start3A_624, %dma_start3A_625, %dma_start3A_626] : memref<8x8x128x4xf32, #tpu.memory_space<vmem>> -> memref<1x1x128x4xf32, #tpu.memory_space<vmem>>
      %dma_start3A_628 = tpu.memref_squeeze %dma_start3A_627 : memref<1x1x128x4xf32, #tpu.memory_space<vmem>> -> memref<128x4xf32, #tpu.memory_space<vmem>>
      %dma_start3A_629 = arith.constant 0 : i32
      %dma_start3A_630 = tpu.memref_slice %arg10[%dma_start3A_621, %dma_start3A_622, %dma_start3A_629] : memref<8x8x128xi32, #tpu.memory_space<vmem>> -> memref<1x1x128xi32, #tpu.memory_space<vmem>>
      %dma_start3A_631 = tpu.memref_squeeze %dma_start3A_630 : memref<1x1x128xi32, #tpu.memory_space<vmem>> -> memref<128xi32, #tpu.memory_space<vmem>>
      %dma_start3A_632 = arith.constant 0 : i32
      %dma_start3A_633 = arith.constant 0 : i32
      %dma_start3A_634 = tpu.memref_slice %arg2[%dma_start3A_632, %dma_start3A_633] : memref<1769472x4xf32, #tpu.memory_space<hbm>> -> memref<1769472x4xf32, #tpu.memory_space<hbm>>
      tpu.enqueue_indirect_dma source(%dma_start3A_634 : memref<1769472x4xf32, #tpu.memory_space<hbm>>) target(%dma_start3A_628 : memref<128x4xf32, #tpu.memory_space<vmem>>) offsets(%dma_start3A_631 : memref<128xi32, #tpu.memory_space<vmem>>) semaphore(%arg13 : memref<!tpu.dma_semaphore, #tpu.memory_space<semaphore_mem>>)
      %dma_start3A_635 = arith.constant 5 : i32
      %dma_start3A_636 = arith.constant 4 : i32
      %dma_start3A_637 = arith.constant 5 : i32
      %dma_start3A_638 = arith.constant 4 : i32
      %dma_start3A_639 = arith.constant 0 : i32
      %dma_start3A_640 = arith.constant 0 : i32
      %dma_start3A_641 = tpu.memref_slice %arg11[%dma_start3A_637, %dma_start3A_638, %dma_start3A_639, %dma_start3A_640] : memref<8x8x128x4xf32, #tpu.memory_space<vmem>> -> memref<1x1x128x4xf32, #tpu.memory_space<vmem>>
      %dma_start3A_642 = tpu.memref_squeeze %dma_start3A_641 : memref<1x1x128x4xf32, #tpu.memory_space<vmem>> -> memref<128x4xf32, #tpu.memory_space<vmem>>
      %dma_start3A_643 = arith.constant 0 : i32
      %dma_start3A_644 = tpu.memref_slice %arg10[%dma_start3A_635, %dma_start3A_636, %dma_start3A_643] : memref<8x8x128xi32, #tpu.memory_space<vmem>> -> memref<1x1x128xi32, #tpu.memory_space<vmem>>
      %dma_start3A_645 = tpu.memref_squeeze %dma_start3A_644 : memref<1x1x128xi32, #tpu.memory_space<vmem>> -> memref<128xi32, #tpu.memory_space<vmem>>
      %dma_start3A_646 = arith.constant 0 : i32
      %dma_start3A_647 = arith.constant 0 : i32
      %dma_start3A_648 = tpu.memref_slice %arg2[%dma_start3A_646, %dma_start3A_647] : memref<1769472x4xf32, #tpu.memory_space<hbm>> -> memref<1769472x4xf32, #tpu.memory_space<hbm>>
      tpu.enqueue_indirect_dma source(%dma_start3A_648 : memref<1769472x4xf32, #tpu.memory_space<hbm>>) target(%dma_start3A_642 : memref<128x4xf32, #tpu.memory_space<vmem>>) offsets(%dma_start3A_645 : memref<128xi32, #tpu.memory_space<vmem>>) semaphore(%arg13 : memref<!tpu.dma_semaphore, #tpu.memory_space<semaphore_mem>>)
      %dma_start3A_649 = arith.constant 5 : i32
      %dma_start3A_650 = arith.constant 5 : i32
      %dma_start3A_651 = arith.constant 5 : i32
      %dma_start3A_652 = arith.constant 5 : i32
      %dma_start3A_653 = arith.constant 0 : i32
      %dma_start3A_654 = arith.constant 0 : i32
      %dma_start3A_655 = tpu.memref_slice %arg11[%dma_start3A_651, %dma_start3A_652, %dma_start3A_653, %dma_start3A_654] : memref<8x8x128x4xf32, #tpu.memory_space<vmem>> -> memref<1x1x128x4xf32, #tpu.memory_space<vmem>>
      %dma_start3A_656 = tpu.memref_squeeze %dma_start3A_655 : memref<1x1x128x4xf32, #tpu.memory_space<vmem>> -> memref<128x4xf32, #tpu.memory_space<vmem>>
      %dma_start3A_657 = arith.constant 0 : i32
      %dma_start3A_658 = tpu.memref_slice %arg10[%dma_start3A_649, %dma_start3A_650, %dma_start3A_657] : memref<8x8x128xi32, #tpu.memory_space<vmem>> -> memref<1x1x128xi32, #tpu.memory_space<vmem>>
      %dma_start3A_659 = tpu.memref_squeeze %dma_start3A_658 : memref<1x1x128xi32, #tpu.memory_space<vmem>> -> memref<128xi32, #tpu.memory_space<vmem>>
      %dma_start3A_660 = arith.constant 0 : i32
      %dma_start3A_661 = arith.constant 0 : i32
      %dma_start3A_662 = tpu.memref_slice %arg2[%dma_start3A_660, %dma_start3A_661] : memref<1769472x4xf32, #tpu.memory_space<hbm>> -> memref<1769472x4xf32, #tpu.memory_space<hbm>>
      tpu.enqueue_indirect_dma source(%dma_start3A_662 : memref<1769472x4xf32, #tpu.memory_space<hbm>>) target(%dma_start3A_656 : memref<128x4xf32, #tpu.memory_space<vmem>>) offsets(%dma_start3A_659 : memref<128xi32, #tpu.memory_space<vmem>>) semaphore(%arg13 : memref<!tpu.dma_semaphore, #tpu.memory_space<semaphore_mem>>)
      %dma_start3A_663 = arith.constant 5 : i32
      %dma_start3A_664 = arith.constant 6 : i32
      %dma_start3A_665 = arith.constant 5 : i32
      %dma_start3A_666 = arith.constant 6 : i32
      %dma_start3A_667 = arith.constant 0 : i32
      %dma_start3A_668 = arith.constant 0 : i32
      %dma_start3A_669 = tpu.memref_slice %arg11[%dma_start3A_665, %dma_start3A_666, %dma_start3A_667, %dma_start3A_668] : memref<8x8x128x4xf32, #tpu.memory_space<vmem>> -> memref<1x1x128x4xf32, #tpu.memory_space<vmem>>
      %dma_start3A_670 = tpu.memref_squeeze %dma_start3A_669 : memref<1x1x128x4xf32, #tpu.memory_space<vmem>> -> memref<128x4xf32, #tpu.memory_space<vmem>>
      %dma_start3A_671 = arith.constant 0 : i32
      %dma_start3A_672 = tpu.memref_slice %arg10[%dma_start3A_663, %dma_start3A_664, %dma_start3A_671] : memref<8x8x128xi32, #tpu.memory_space<vmem>> -> memref<1x1x128xi32, #tpu.memory_space<vmem>>
      %dma_start3A_673 = tpu.memref_squeeze %dma_start3A_672 : memref<1x1x128xi32, #tpu.memory_space<vmem>> -> memref<128xi32, #tpu.memory_space<vmem>>
      %dma_start3A_674 = arith.constant 0 : i32
      %dma_start3A_675 = arith.constant 0 : i32
      %dma_start3A_676 = tpu.memref_slice %arg2[%dma_start3A_674, %dma_start3A_675] : memref<1769472x4xf32, #tpu.memory_space<hbm>> -> memref<1769472x4xf32, #tpu.memory_space<hbm>>
      tpu.enqueue_indirect_dma source(%dma_start3A_676 : memref<1769472x4xf32, #tpu.memory_space<hbm>>) target(%dma_start3A_670 : memref<128x4xf32, #tpu.memory_space<vmem>>) offsets(%dma_start3A_673 : memref<128xi32, #tpu.memory_space<vmem>>) semaphore(%arg13 : memref<!tpu.dma_semaphore, #tpu.memory_space<semaphore_mem>>)
      %dma_start3A_677 = arith.constant 5 : i32
      %dma_start3A_678 = arith.constant 7 : i32
      %dma_start3A_679 = arith.constant 5 : i32
      %dma_start3A_680 = arith.constant 7 : i32
      %dma_start3A_681 = arith.constant 0 : i32
      %dma_start3A_682 = arith.constant 0 : i32
      %dma_start3A_683 = tpu.memref_slice %arg11[%dma_start3A_679, %dma_start3A_680, %dma_start3A_681, %dma_start3A_682] : memref<8x8x128x4xf32, #tpu.memory_space<vmem>> -> memref<1x1x128x4xf32, #tpu.memory_space<vmem>>
      %dma_start3A_684 = tpu.memref_squeeze %dma_start3A_683 : memref<1x1x128x4xf32, #tpu.memory_space<vmem>> -> memref<128x4xf32, #tpu.memory_space<vmem>>
      %dma_start3A_685 = arith.constant 0 : i32
      %dma_start3A_686 = tpu.memref_slice %arg10[%dma_start3A_677, %dma_start3A_678, %dma_start3A_685] : memref<8x8x128xi32, #tpu.memory_space<vmem>> -> memref<1x1x128xi32, #tpu.memory_space<vmem>>
      %dma_start3A_687 = tpu.memref_squeeze %dma_start3A_686 : memref<1x1x128xi32, #tpu.memory_space<vmem>> -> memref<128xi32, #tpu.memory_space<vmem>>
      %dma_start3A_688 = arith.constant 0 : i32
      %dma_start3A_689 = arith.constant 0 : i32
      %dma_start3A_690 = tpu.memref_slice %arg2[%dma_start3A_688, %dma_start3A_689] : memref<1769472x4xf32, #tpu.memory_space<hbm>> -> memref<1769472x4xf32, #tpu.memory_space<hbm>>
      tpu.enqueue_indirect_dma source(%dma_start3A_690 : memref<1769472x4xf32, #tpu.memory_space<hbm>>) target(%dma_start3A_684 : memref<128x4xf32, #tpu.memory_space<vmem>>) offsets(%dma_start3A_687 : memref<128xi32, #tpu.memory_space<vmem>>) semaphore(%arg13 : memref<!tpu.dma_semaphore, #tpu.memory_space<semaphore_mem>>)
      %dma_start3A_691 = arith.constant 6 : i32
      %dma_start3A_692 = arith.constant 0 : i32
      %dma_start3A_693 = arith.constant 6 : i32
      %dma_start3A_694 = arith.constant 0 : i32
      %dma_start3A_695 = arith.constant 0 : i32
      %dma_start3A_696 = arith.constant 0 : i32
      %dma_start3A_697 = tpu.memref_slice %arg11[%dma_start3A_693, %dma_start3A_694, %dma_start3A_695, %dma_start3A_696] : memref<8x8x128x4xf32, #tpu.memory_space<vmem>> -> memref<1x1x128x4xf32, #tpu.memory_space<vmem>>
      %dma_start3A_698 = tpu.memref_squeeze %dma_start3A_697 : memref<1x1x128x4xf32, #tpu.memory_space<vmem>> -> memref<128x4xf32, #tpu.memory_space<vmem>>
      %dma_start3A_699 = arith.constant 0 : i32
      %dma_start3A_700 = tpu.memref_slice %arg10[%dma_start3A_691, %dma_start3A_692, %dma_start3A_699] : memref<8x8x128xi32, #tpu.memory_space<vmem>> -> memref<1x1x128xi32, #tpu.memory_space<vmem>>
      %dma_start3A_701 = tpu.memref_squeeze %dma_start3A_700 : memref<1x1x128xi32, #tpu.memory_space<vmem>> -> memref<128xi32, #tpu.memory_space<vmem>>
      %dma_start3A_702 = arith.constant 0 : i32
      %dma_start3A_703 = arith.constant 0 : i32
      %dma_start3A_704 = tpu.memref_slice %arg2[%dma_start3A_702, %dma_start3A_703] : memref<1769472x4xf32, #tpu.memory_space<hbm>> -> memref<1769472x4xf32, #tpu.memory_space<hbm>>
      tpu.enqueue_indirect_dma source(%dma_start3A_704 : memref<1769472x4xf32, #tpu.memory_space<hbm>>) target(%dma_start3A_698 : memref<128x4xf32, #tpu.memory_space<vmem>>) offsets(%dma_start3A_701 : memref<128xi32, #tpu.memory_space<vmem>>) semaphore(%arg13 : memref<!tpu.dma_semaphore, #tpu.memory_space<semaphore_mem>>)
      %dma_start3A_705 = arith.constant 6 : i32
      %dma_start3A_706 = arith.constant 1 : i32
      %dma_start3A_707 = arith.constant 6 : i32
      %dma_start3A_708 = arith.constant 1 : i32
      %dma_start3A_709 = arith.constant 0 : i32
      %dma_start3A_710 = arith.constant 0 : i32
      %dma_start3A_711 = tpu.memref_slice %arg11[%dma_start3A_707, %dma_start3A_708, %dma_start3A_709, %dma_start3A_710] : memref<8x8x128x4xf32, #tpu.memory_space<vmem>> -> memref<1x1x128x4xf32, #tpu.memory_space<vmem>>
      %dma_start3A_712 = tpu.memref_squeeze %dma_start3A_711 : memref<1x1x128x4xf32, #tpu.memory_space<vmem>> -> memref<128x4xf32, #tpu.memory_space<vmem>>
      %dma_start3A_713 = arith.constant 0 : i32
      %dma_start3A_714 = tpu.memref_slice %arg10[%dma_start3A_705, %dma_start3A_706, %dma_start3A_713] : memref<8x8x128xi32, #tpu.memory_space<vmem>> -> memref<1x1x128xi32, #tpu.memory_space<vmem>>
      %dma_start3A_715 = tpu.memref_squeeze %dma_start3A_714 : memref<1x1x128xi32, #tpu.memory_space<vmem>> -> memref<128xi32, #tpu.memory_space<vmem>>
      %dma_start3A_716 = arith.constant 0 : i32
      %dma_start3A_717 = arith.constant 0 : i32
      %dma_start3A_718 = tpu.memref_slice %arg2[%dma_start3A_716, %dma_start3A_717] : memref<1769472x4xf32, #tpu.memory_space<hbm>> -> memref<1769472x4xf32, #tpu.memory_space<hbm>>
      tpu.enqueue_indirect_dma source(%dma_start3A_718 : memref<1769472x4xf32, #tpu.memory_space<hbm>>) target(%dma_start3A_712 : memref<128x4xf32, #tpu.memory_space<vmem>>) offsets(%dma_start3A_715 : memref<128xi32, #tpu.memory_space<vmem>>) semaphore(%arg13 : memref<!tpu.dma_semaphore, #tpu.memory_space<semaphore_mem>>)
      %dma_start3A_719 = arith.constant 6 : i32
      %dma_start3A_720 = arith.constant 2 : i32
      %dma_start3A_721 = arith.constant 6 : i32
      %dma_start3A_722 = arith.constant 2 : i32
      %dma_start3A_723 = arith.constant 0 : i32
      %dma_start3A_724 = arith.constant 0 : i32
      %dma_start3A_725 = tpu.memref_slice %arg11[%dma_start3A_721, %dma_start3A_722, %dma_start3A_723, %dma_start3A_724] : memref<8x8x128x4xf32, #tpu.memory_space<vmem>> -> memref<1x1x128x4xf32, #tpu.memory_space<vmem>>
      %dma_start3A_726 = tpu.memref_squeeze %dma_start3A_725 : memref<1x1x128x4xf32, #tpu.memory_space<vmem>> -> memref<128x4xf32, #tpu.memory_space<vmem>>
      %dma_start3A_727 = arith.constant 0 : i32
      %dma_start3A_728 = tpu.memref_slice %arg10[%dma_start3A_719, %dma_start3A_720, %dma_start3A_727] : memref<8x8x128xi32, #tpu.memory_space<vmem>> -> memref<1x1x128xi32, #tpu.memory_space<vmem>>
      %dma_start3A_729 = tpu.memref_squeeze %dma_start3A_728 : memref<1x1x128xi32, #tpu.memory_space<vmem>> -> memref<128xi32, #tpu.memory_space<vmem>>
      %dma_start3A_730 = arith.constant 0 : i32
      %dma_start3A_731 = arith.constant 0 : i32
      %dma_start3A_732 = tpu.memref_slice %arg2[%dma_start3A_730, %dma_start3A_731] : memref<1769472x4xf32, #tpu.memory_space<hbm>> -> memref<1769472x4xf32, #tpu.memory_space<hbm>>
      tpu.enqueue_indirect_dma source(%dma_start3A_732 : memref<1769472x4xf32, #tpu.memory_space<hbm>>) target(%dma_start3A_726 : memref<128x4xf32, #tpu.memory_space<vmem>>) offsets(%dma_start3A_729 : memref<128xi32, #tpu.memory_space<vmem>>) semaphore(%arg13 : memref<!tpu.dma_semaphore, #tpu.memory_space<semaphore_mem>>)
      %dma_start3A_733 = arith.constant 6 : i32
      %dma_start3A_734 = arith.constant 3 : i32
      %dma_start3A_735 = arith.constant 6 : i32
      %dma_start3A_736 = arith.constant 3 : i32
      %dma_start3A_737 = arith.constant 0 : i32
      %dma_start3A_738 = arith.constant 0 : i32
      %dma_start3A_739 = tpu.memref_slice %arg11[%dma_start3A_735, %dma_start3A_736, %dma_start3A_737, %dma_start3A_738] : memref<8x8x128x4xf32, #tpu.memory_space<vmem>> -> memref<1x1x128x4xf32, #tpu.memory_space<vmem>>
      %dma_start3A_740 = tpu.memref_squeeze %dma_start3A_739 : memref<1x1x128x4xf32, #tpu.memory_space<vmem>> -> memref<128x4xf32, #tpu.memory_space<vmem>>
      %dma_start3A_741 = arith.constant 0 : i32
      %dma_start3A_742 = tpu.memref_slice %arg10[%dma_start3A_733, %dma_start3A_734, %dma_start3A_741] : memref<8x8x128xi32, #tpu.memory_space<vmem>> -> memref<1x1x128xi32, #tpu.memory_space<vmem>>
      %dma_start3A_743 = tpu.memref_squeeze %dma_start3A_742 : memref<1x1x128xi32, #tpu.memory_space<vmem>> -> memref<128xi32, #tpu.memory_space<vmem>>
      %dma_start3A_744 = arith.constant 0 : i32
      %dma_start3A_745 = arith.constant 0 : i32
      %dma_start3A_746 = tpu.memref_slice %arg2[%dma_start3A_744, %dma_start3A_745] : memref<1769472x4xf32, #tpu.memory_space<hbm>> -> memref<1769472x4xf32, #tpu.memory_space<hbm>>
      tpu.enqueue_indirect_dma source(%dma_start3A_746 : memref<1769472x4xf32, #tpu.memory_space<hbm>>) target(%dma_start3A_740 : memref<128x4xf32, #tpu.memory_space<vmem>>) offsets(%dma_start3A_743 : memref<128xi32, #tpu.memory_space<vmem>>) semaphore(%arg13 : memref<!tpu.dma_semaphore, #tpu.memory_space<semaphore_mem>>)
      %dma_start3A_747 = arith.constant 6 : i32
      %dma_start3A_748 = arith.constant 4 : i32
      %dma_start3A_749 = arith.constant 6 : i32
      %dma_start3A_750 = arith.constant 4 : i32
      %dma_start3A_751 = arith.constant 0 : i32
      %dma_start3A_752 = arith.constant 0 : i32
      %dma_start3A_753 = tpu.memref_slice %arg11[%dma_start3A_749, %dma_start3A_750, %dma_start3A_751, %dma_start3A_752] : memref<8x8x128x4xf32, #tpu.memory_space<vmem>> -> memref<1x1x128x4xf32, #tpu.memory_space<vmem>>
      %dma_start3A_754 = tpu.memref_squeeze %dma_start3A_753 : memref<1x1x128x4xf32, #tpu.memory_space<vmem>> -> memref<128x4xf32, #tpu.memory_space<vmem>>
      %dma_start3A_755 = arith.constant 0 : i32
      %dma_start3A_756 = tpu.memref_slice %arg10[%dma_start3A_747, %dma_start3A_748, %dma_start3A_755] : memref<8x8x128xi32, #tpu.memory_space<vmem>> -> memref<1x1x128xi32, #tpu.memory_space<vmem>>
      %dma_start3A_757 = tpu.memref_squeeze %dma_start3A_756 : memref<1x1x128xi32, #tpu.memory_space<vmem>> -> memref<128xi32, #tpu.memory_space<vmem>>
      %dma_start3A_758 = arith.constant 0 : i32
      %dma_start3A_759 = arith.constant 0 : i32
      %dma_start3A_760 = tpu.memref_slice %arg2[%dma_start3A_758, %dma_start3A_759] : memref<1769472x4xf32, #tpu.memory_space<hbm>> -> memref<1769472x4xf32, #tpu.memory_space<hbm>>
      tpu.enqueue_indirect_dma source(%dma_start3A_760 : memref<1769472x4xf32, #tpu.memory_space<hbm>>) target(%dma_start3A_754 : memref<128x4xf32, #tpu.memory_space<vmem>>) offsets(%dma_start3A_757 : memref<128xi32, #tpu.memory_space<vmem>>) semaphore(%arg13 : memref<!tpu.dma_semaphore, #tpu.memory_space<semaphore_mem>>)
      %dma_start3A_761 = arith.constant 6 : i32
      %dma_start3A_762 = arith.constant 5 : i32
      %dma_start3A_763 = arith.constant 6 : i32
      %dma_start3A_764 = arith.constant 5 : i32
      %dma_start3A_765 = arith.constant 0 : i32
      %dma_start3A_766 = arith.constant 0 : i32
      %dma_start3A_767 = tpu.memref_slice %arg11[%dma_start3A_763, %dma_start3A_764, %dma_start3A_765, %dma_start3A_766] : memref<8x8x128x4xf32, #tpu.memory_space<vmem>> -> memref<1x1x128x4xf32, #tpu.memory_space<vmem>>
      %dma_start3A_768 = tpu.memref_squeeze %dma_start3A_767 : memref<1x1x128x4xf32, #tpu.memory_space<vmem>> -> memref<128x4xf32, #tpu.memory_space<vmem>>
      %dma_start3A_769 = arith.constant 0 : i32
      %dma_start3A_770 = tpu.memref_slice %arg10[%dma_start3A_761, %dma_start3A_762, %dma_start3A_769] : memref<8x8x128xi32, #tpu.memory_space<vmem>> -> memref<1x1x128xi32, #tpu.memory_space<vmem>>
      %dma_start3A_771 = tpu.memref_squeeze %dma_start3A_770 : memref<1x1x128xi32, #tpu.memory_space<vmem>> -> memref<128xi32, #tpu.memory_space<vmem>>
      %dma_start3A_772 = arith.constant 0 : i32
      %dma_start3A_773 = arith.constant 0 : i32
      %dma_start3A_774 = tpu.memref_slice %arg2[%dma_start3A_772, %dma_start3A_773] : memref<1769472x4xf32, #tpu.memory_space<hbm>> -> memref<1769472x4xf32, #tpu.memory_space<hbm>>
      tpu.enqueue_indirect_dma source(%dma_start3A_774 : memref<1769472x4xf32, #tpu.memory_space<hbm>>) target(%dma_start3A_768 : memref<128x4xf32, #tpu.memory_space<vmem>>) offsets(%dma_start3A_771 : memref<128xi32, #tpu.memory_space<vmem>>) semaphore(%arg13 : memref<!tpu.dma_semaphore, #tpu.memory_space<semaphore_mem>>)
      %dma_start3A_775 = arith.constant 6 : i32
      %dma_start3A_776 = arith.constant 6 : i32
      %dma_start3A_777 = arith.constant 6 : i32
      %dma_start3A_778 = arith.constant 6 : i32
      %dma_start3A_779 = arith.constant 0 : i32
      %dma_start3A_780 = arith.constant 0 : i32
      %dma_start3A_781 = tpu.memref_slice %arg11[%dma_start3A_777, %dma_start3A_778, %dma_start3A_779, %dma_start3A_780] : memref<8x8x128x4xf32, #tpu.memory_space<vmem>> -> memref<1x1x128x4xf32, #tpu.memory_space<vmem>>
      %dma_start3A_782 = tpu.memref_squeeze %dma_start3A_781 : memref<1x1x128x4xf32, #tpu.memory_space<vmem>> -> memref<128x4xf32, #tpu.memory_space<vmem>>
      %dma_start3A_783 = arith.constant 0 : i32
      %dma_start3A_784 = tpu.memref_slice %arg10[%dma_start3A_775, %dma_start3A_776, %dma_start3A_783] : memref<8x8x128xi32, #tpu.memory_space<vmem>> -> memref<1x1x128xi32, #tpu.memory_space<vmem>>
      %dma_start3A_785 = tpu.memref_squeeze %dma_start3A_784 : memref<1x1x128xi32, #tpu.memory_space<vmem>> -> memref<128xi32, #tpu.memory_space<vmem>>
      %dma_start3A_786 = arith.constant 0 : i32
      %dma_start3A_787 = arith.constant 0 : i32
      %dma_start3A_788 = tpu.memref_slice %arg2[%dma_start3A_786, %dma_start3A_787] : memref<1769472x4xf32, #tpu.memory_space<hbm>> -> memref<1769472x4xf32, #tpu.memory_space<hbm>>
      tpu.enqueue_indirect_dma source(%dma_start3A_788 : memref<1769472x4xf32, #tpu.memory_space<hbm>>) target(%dma_start3A_782 : memref<128x4xf32, #tpu.memory_space<vmem>>) offsets(%dma_start3A_785 : memref<128xi32, #tpu.memory_space<vmem>>) semaphore(%arg13 : memref<!tpu.dma_semaphore, #tpu.memory_space<semaphore_mem>>)
      %dma_start3A_789 = arith.constant 6 : i32
      %dma_start3A_790 = arith.constant 7 : i32
      %dma_start3A_791 = arith.constant 6 : i32
      %dma_start3A_792 = arith.constant 7 : i32
      %dma_start3A_793 = arith.constant 0 : i32
      %dma_start3A_794 = arith.constant 0 : i32
      %dma_start3A_795 = tpu.memref_slice %arg11[%dma_start3A_791, %dma_start3A_792, %dma_start3A_793, %dma_start3A_794] : memref<8x8x128x4xf32, #tpu.memory_space<vmem>> -> memref<1x1x128x4xf32, #tpu.memory_space<vmem>>
      %dma_start3A_796 = tpu.memref_squeeze %dma_start3A_795 : memref<1x1x128x4xf32, #tpu.memory_space<vmem>> -> memref<128x4xf32, #tpu.memory_space<vmem>>
      %dma_start3A_797 = arith.constant 0 : i32
      %dma_start3A_798 = tpu.memref_slice %arg10[%dma_start3A_789, %dma_start3A_790, %dma_start3A_797] : memref<8x8x128xi32, #tpu.memory_space<vmem>> -> memref<1x1x128xi32, #tpu.memory_space<vmem>>
      %dma_start3A_799 = tpu.memref_squeeze %dma_start3A_798 : memref<1x1x128xi32, #tpu.memory_space<vmem>> -> memref<128xi32, #tpu.memory_space<vmem>>
      %dma_start3A_800 = arith.constant 0 : i32
      %dma_start3A_801 = arith.constant 0 : i32
      %dma_start3A_802 = tpu.memref_slice %arg2[%dma_start3A_800, %dma_start3A_801] : memref<1769472x4xf32, #tpu.memory_space<hbm>> -> memref<1769472x4xf32, #tpu.memory_space<hbm>>
      tpu.enqueue_indirect_dma source(%dma_start3A_802 : memref<1769472x4xf32, #tpu.memory_space<hbm>>) target(%dma_start3A_796 : memref<128x4xf32, #tpu.memory_space<vmem>>) offsets(%dma_start3A_799 : memref<128xi32, #tpu.memory_space<vmem>>) semaphore(%arg13 : memref<!tpu.dma_semaphore, #tpu.memory_space<semaphore_mem>>)
      %dma_start3A_803 = arith.constant 7 : i32
      %dma_start3A_804 = arith.constant 0 : i32
      %dma_start3A_805 = arith.constant 7 : i32
      %dma_start3A_806 = arith.constant 0 : i32
      %dma_start3A_807 = arith.constant 0 : i32
      %dma_start3A_808 = arith.constant 0 : i32
      %dma_start3A_809 = tpu.memref_slice %arg11[%dma_start3A_805, %dma_start3A_806, %dma_start3A_807, %dma_start3A_808] : memref<8x8x128x4xf32, #tpu.memory_space<vmem>> -> memref<1x1x128x4xf32, #tpu.memory_space<vmem>>
      %dma_start3A_810 = tpu.memref_squeeze %dma_start3A_809 : memref<1x1x128x4xf32, #tpu.memory_space<vmem>> -> memref<128x4xf32, #tpu.memory_space<vmem>>
      %dma_start3A_811 = arith.constant 0 : i32
      %dma_start3A_812 = tpu.memref_slice %arg10[%dma_start3A_803, %dma_start3A_804, %dma_start3A_811] : memref<8x8x128xi32, #tpu.memory_space<vmem>> -> memref<1x1x128xi32, #tpu.memory_space<vmem>>
      %dma_start3A_813 = tpu.memref_squeeze %dma_start3A_812 : memref<1x1x128xi32, #tpu.memory_space<vmem>> -> memref<128xi32, #tpu.memory_space<vmem>>
      %dma_start3A_814 = arith.constant 0 : i32
      %dma_start3A_815 = arith.constant 0 : i32
      %dma_start3A_816 = tpu.memref_slice %arg2[%dma_start3A_814, %dma_start3A_815] : memref<1769472x4xf32, #tpu.memory_space<hbm>> -> memref<1769472x4xf32, #tpu.memory_space<hbm>>
      tpu.enqueue_indirect_dma source(%dma_start3A_816 : memref<1769472x4xf32, #tpu.memory_space<hbm>>) target(%dma_start3A_810 : memref<128x4xf32, #tpu.memory_space<vmem>>) offsets(%dma_start3A_813 : memref<128xi32, #tpu.memory_space<vmem>>) semaphore(%arg13 : memref<!tpu.dma_semaphore, #tpu.memory_space<semaphore_mem>>)
      %dma_start3A_817 = arith.constant 7 : i32
      %dma_start3A_818 = arith.constant 1 : i32
      %dma_start3A_819 = arith.constant 7 : i32
      %dma_start3A_820 = arith.constant 1 : i32
      %dma_start3A_821 = arith.constant 0 : i32
      %dma_start3A_822 = arith.constant 0 : i32
      %dma_start3A_823 = tpu.memref_slice %arg11[%dma_start3A_819, %dma_start3A_820, %dma_start3A_821, %dma_start3A_822] : memref<8x8x128x4xf32, #tpu.memory_space<vmem>> -> memref<1x1x128x4xf32, #tpu.memory_space<vmem>>
      %dma_start3A_824 = tpu.memref_squeeze %dma_start3A_823 : memref<1x1x128x4xf32, #tpu.memory_space<vmem>> -> memref<128x4xf32, #tpu.memory_space<vmem>>
      %dma_start3A_825 = arith.constant 0 : i32
      %dma_start3A_826 = tpu.memref_slice %arg10[%dma_start3A_817, %dma_start3A_818, %dma_start3A_825] : memref<8x8x128xi32, #tpu.memory_space<vmem>> -> memref<1x1x128xi32, #tpu.memory_space<vmem>>
      %dma_start3A_827 = tpu.memref_squeeze %dma_start3A_826 : memref<1x1x128xi32, #tpu.memory_space<vmem>> -> memref<128xi32, #tpu.memory_space<vmem>>
      %dma_start3A_828 = arith.constant 0 : i32
      %dma_start3A_829 = arith.constant 0 : i32
      %dma_start3A_830 = tpu.memref_slice %arg2[%dma_start3A_828, %dma_start3A_829] : memref<1769472x4xf32, #tpu.memory_space<hbm>> -> memref<1769472x4xf32, #tpu.memory_space<hbm>>
      tpu.enqueue_indirect_dma source(%dma_start3A_830 : memref<1769472x4xf32, #tpu.memory_space<hbm>>) target(%dma_start3A_824 : memref<128x4xf32, #tpu.memory_space<vmem>>) offsets(%dma_start3A_827 : memref<128xi32, #tpu.memory_space<vmem>>) semaphore(%arg13 : memref<!tpu.dma_semaphore, #tpu.memory_space<semaphore_mem>>)
      %dma_start3A_831 = arith.constant 7 : i32
      %dma_start3A_832 = arith.constant 2 : i32
      %dma_start3A_833 = arith.constant 7 : i32
      %dma_start3A_834 = arith.constant 2 : i32
      %dma_start3A_835 = arith.constant 0 : i32
      %dma_start3A_836 = arith.constant 0 : i32
      %dma_start3A_837 = tpu.memref_slice %arg11[%dma_start3A_833, %dma_start3A_834, %dma_start3A_835, %dma_start3A_836] : memref<8x8x128x4xf32, #tpu.memory_space<vmem>> -> memref<1x1x128x4xf32, #tpu.memory_space<vmem>>
      %dma_start3A_838 = tpu.memref_squeeze %dma_start3A_837 : memref<1x1x128x4xf32, #tpu.memory_space<vmem>> -> memref<128x4xf32, #tpu.memory_space<vmem>>
      %dma_start3A_839 = arith.constant 0 : i32
      %dma_start3A_840 = tpu.memref_slice %arg10[%dma_start3A_831, %dma_start3A_832, %dma_start3A_839] : memref<8x8x128xi32, #tpu.memory_space<vmem>> -> memref<1x1x128xi32, #tpu.memory_space<vmem>>
      %dma_start3A_841 = tpu.memref_squeeze %dma_start3A_840 : memref<1x1x128xi32, #tpu.memory_space<vmem>> -> memref<128xi32, #tpu.memory_space<vmem>>
      %dma_start3A_842 = arith.constant 0 : i32
      %dma_start3A_843 = arith.constant 0 : i32
      %dma_start3A_844 = tpu.memref_slice %arg2[%dma_start3A_842, %dma_start3A_843] : memref<1769472x4xf32, #tpu.memory_space<hbm>> -> memref<1769472x4xf32, #tpu.memory_space<hbm>>
      tpu.enqueue_indirect_dma source(%dma_start3A_844 : memref<1769472x4xf32, #tpu.memory_space<hbm>>) target(%dma_start3A_838 : memref<128x4xf32, #tpu.memory_space<vmem>>) offsets(%dma_start3A_841 : memref<128xi32, #tpu.memory_space<vmem>>) semaphore(%arg13 : memref<!tpu.dma_semaphore, #tpu.memory_space<semaphore_mem>>)
      %dma_start3A_845 = arith.constant 7 : i32
      %dma_start3A_846 = arith.constant 3 : i32
      %dma_start3A_847 = arith.constant 7 : i32
      %dma_start3A_848 = arith.constant 3 : i32
      %dma_start3A_849 = arith.constant 0 : i32
      %dma_start3A_850 = arith.constant 0 : i32
      %dma_start3A_851 = tpu.memref_slice %arg11[%dma_start3A_847, %dma_start3A_848, %dma_start3A_849, %dma_start3A_850] : memref<8x8x128x4xf32, #tpu.memory_space<vmem>> -> memref<1x1x128x4xf32, #tpu.memory_space<vmem>>
      %dma_start3A_852 = tpu.memref_squeeze %dma_start3A_851 : memref<1x1x128x4xf32, #tpu.memory_space<vmem>> -> memref<128x4xf32, #tpu.memory_space<vmem>>
      %dma_start3A_853 = arith.constant 0 : i32
      %dma_start3A_854 = tpu.memref_slice %arg10[%dma_start3A_845, %dma_start3A_846, %dma_start3A_853] : memref<8x8x128xi32, #tpu.memory_space<vmem>> -> memref<1x1x128xi32, #tpu.memory_space<vmem>>
      %dma_start3A_855 = tpu.memref_squeeze %dma_start3A_854 : memref<1x1x128xi32, #tpu.memory_space<vmem>> -> memref<128xi32, #tpu.memory_space<vmem>>
      %dma_start3A_856 = arith.constant 0 : i32
      %dma_start3A_857 = arith.constant 0 : i32
      %dma_start3A_858 = tpu.memref_slice %arg2[%dma_start3A_856, %dma_start3A_857] : memref<1769472x4xf32, #tpu.memory_space<hbm>> -> memref<1769472x4xf32, #tpu.memory_space<hbm>>
      tpu.enqueue_indirect_dma source(%dma_start3A_858 : memref<1769472x4xf32, #tpu.memory_space<hbm>>) target(%dma_start3A_852 : memref<128x4xf32, #tpu.memory_space<vmem>>) offsets(%dma_start3A_855 : memref<128xi32, #tpu.memory_space<vmem>>) semaphore(%arg13 : memref<!tpu.dma_semaphore, #tpu.memory_space<semaphore_mem>>)
      %dma_start3A_859 = arith.constant 7 : i32
      %dma_start3A_860 = arith.constant 4 : i32
      %dma_start3A_861 = arith.constant 7 : i32
      %dma_start3A_862 = arith.constant 4 : i32
      %dma_start3A_863 = arith.constant 0 : i32
      %dma_start3A_864 = arith.constant 0 : i32
      %dma_start3A_865 = tpu.memref_slice %arg11[%dma_start3A_861, %dma_start3A_862, %dma_start3A_863, %dma_start3A_864] : memref<8x8x128x4xf32, #tpu.memory_space<vmem>> -> memref<1x1x128x4xf32, #tpu.memory_space<vmem>>
      %dma_start3A_866 = tpu.memref_squeeze %dma_start3A_865 : memref<1x1x128x4xf32, #tpu.memory_space<vmem>> -> memref<128x4xf32, #tpu.memory_space<vmem>>
      %dma_start3A_867 = arith.constant 0 : i32
      %dma_start3A_868 = tpu.memref_slice %arg10[%dma_start3A_859, %dma_start3A_860, %dma_start3A_867] : memref<8x8x128xi32, #tpu.memory_space<vmem>> -> memref<1x1x128xi32, #tpu.memory_space<vmem>>
      %dma_start3A_869 = tpu.memref_squeeze %dma_start3A_868 : memref<1x1x128xi32, #tpu.memory_space<vmem>> -> memref<128xi32, #tpu.memory_space<vmem>>
      %dma_start3A_870 = arith.constant 0 : i32
      %dma_start3A_871 = arith.constant 0 : i32
      %dma_start3A_872 = tpu.memref_slice %arg2[%dma_start3A_870, %dma_start3A_871] : memref<1769472x4xf32, #tpu.memory_space<hbm>> -> memref<1769472x4xf32, #tpu.memory_space<hbm>>
      tpu.enqueue_indirect_dma source(%dma_start3A_872 : memref<1769472x4xf32, #tpu.memory_space<hbm>>) target(%dma_start3A_866 : memref<128x4xf32, #tpu.memory_space<vmem>>) offsets(%dma_start3A_869 : memref<128xi32, #tpu.memory_space<vmem>>) semaphore(%arg13 : memref<!tpu.dma_semaphore, #tpu.memory_space<semaphore_mem>>)
      %dma_start3A_873 = arith.constant 7 : i32
      %dma_start3A_874 = arith.constant 5 : i32
      %dma_start3A_875 = arith.constant 7 : i32
      %dma_start3A_876 = arith.constant 5 : i32
      %dma_start3A_877 = arith.constant 0 : i32
      %dma_start3A_878 = arith.constant 0 : i32
      %dma_start3A_879 = tpu.memref_slice %arg11[%dma_start3A_875, %dma_start3A_876, %dma_start3A_877, %dma_start3A_878] : memref<8x8x128x4xf32, #tpu.memory_space<vmem>> -> memref<1x1x128x4xf32, #tpu.memory_space<vmem>>
      %dma_start3A_880 = tpu.memref_squeeze %dma_start3A_879 : memref<1x1x128x4xf32, #tpu.memory_space<vmem>> -> memref<128x4xf32, #tpu.memory_space<vmem>>
      %dma_start3A_881 = arith.constant 0 : i32
      %dma_start3A_882 = tpu.memref_slice %arg10[%dma_start3A_873, %dma_start3A_874, %dma_start3A_881] : memref<8x8x128xi32, #tpu.memory_space<vmem>> -> memref<1x1x128xi32, #tpu.memory_space<vmem>>
      %dma_start3A_883 = tpu.memref_squeeze %dma_start3A_882 : memref<1x1x128xi32, #tpu.memory_space<vmem>> -> memref<128xi32, #tpu.memory_space<vmem>>
      %dma_start3A_884 = arith.constant 0 : i32
      %dma_start3A_885 = arith.constant 0 : i32
      %dma_start3A_886 = tpu.memref_slice %arg2[%dma_start3A_884, %dma_start3A_885] : memref<1769472x4xf32, #tpu.memory_space<hbm>> -> memref<1769472x4xf32, #tpu.memory_space<hbm>>
      tpu.enqueue_indirect_dma source(%dma_start3A_886 : memref<1769472x4xf32, #tpu.memory_space<hbm>>) target(%dma_start3A_880 : memref<128x4xf32, #tpu.memory_space<vmem>>) offsets(%dma_start3A_883 : memref<128xi32, #tpu.memory_space<vmem>>) semaphore(%arg13 : memref<!tpu.dma_semaphore, #tpu.memory_space<semaphore_mem>>)
      %dma_start3A_887 = arith.constant 7 : i32
      %dma_start3A_888 = arith.constant 6 : i32
      %dma_start3A_889 = arith.constant 7 : i32
      %dma_start3A_890 = arith.constant 6 : i32
      %dma_start3A_891 = arith.constant 0 : i32
      %dma_start3A_892 = arith.constant 0 : i32
      %dma_start3A_893 = tpu.memref_slice %arg11[%dma_start3A_889, %dma_start3A_890, %dma_start3A_891, %dma_start3A_892] : memref<8x8x128x4xf32, #tpu.memory_space<vmem>> -> memref<1x1x128x4xf32, #tpu.memory_space<vmem>>
      %dma_start3A_894 = tpu.memref_squeeze %dma_start3A_893 : memref<1x1x128x4xf32, #tpu.memory_space<vmem>> -> memref<128x4xf32, #tpu.memory_space<vmem>>
      %dma_start3A_895 = arith.constant 0 : i32
      %dma_start3A_896 = tpu.memref_slice %arg10[%dma_start3A_887, %dma_start3A_888, %dma_start3A_895] : memref<8x8x128xi32, #tpu.memory_space<vmem>> -> memref<1x1x128xi32, #tpu.memory_space<vmem>>
      %dma_start3A_897 = tpu.memref_squeeze %dma_start3A_896 : memref<1x1x128xi32, #tpu.memory_space<vmem>> -> memref<128xi32, #tpu.memory_space<vmem>>
      %dma_start3A_898 = arith.constant 0 : i32
      %dma_start3A_899 = arith.constant 0 : i32
      %dma_start3A_900 = tpu.memref_slice %arg2[%dma_start3A_898, %dma_start3A_899] : memref<1769472x4xf32, #tpu.memory_space<hbm>> -> memref<1769472x4xf32, #tpu.memory_space<hbm>>
      tpu.enqueue_indirect_dma source(%dma_start3A_900 : memref<1769472x4xf32, #tpu.memory_space<hbm>>) target(%dma_start3A_894 : memref<128x4xf32, #tpu.memory_space<vmem>>) offsets(%dma_start3A_897 : memref<128xi32, #tpu.memory_space<vmem>>) semaphore(%arg13 : memref<!tpu.dma_semaphore, #tpu.memory_space<semaphore_mem>>)
      %dma_start3A_901 = arith.constant 7 : i32
      %dma_start3A_902 = arith.constant 7 : i32
      %dma_start3A_903 = arith.constant 7 : i32
      %dma_start3A_904 = arith.constant 7 : i32
      %dma_start3A_905 = arith.constant 0 : i32
      %dma_start3A_906 = arith.constant 0 : i32
      %dma_start3A_907 = tpu.memref_slice %arg11[%dma_start3A_903, %dma_start3A_904, %dma_start3A_905, %dma_start3A_906] : memref<8x8x128x4xf32, #tpu.memory_space<vmem>> -> memref<1x1x128x4xf32, #tpu.memory_space<vmem>>
      %dma_start3A_908 = tpu.memref_squeeze %dma_start3A_907 : memref<1x1x128x4xf32, #tpu.memory_space<vmem>> -> memref<128x4xf32, #tpu.memory_space<vmem>>
      %dma_start3A_909 = arith.constant 0 : i32
      %dma_start3A_910 = tpu.memref_slice %arg10[%dma_start3A_901, %dma_start3A_902, %dma_start3A_909] : memref<8x8x128xi32, #tpu.memory_space<vmem>> -> memref<1x1x128xi32, #tpu.memory_space<vmem>>
      %dma_start3A_911 = tpu.memref_squeeze %dma_start3A_910 : memref<1x1x128xi32, #tpu.memory_space<vmem>> -> memref<128xi32, #tpu.memory_space<vmem>>
      %dma_start3A_912 = arith.constant 0 : i32
      %dma_start3A_913 = arith.constant 0 : i32
      %dma_start3A_914 = tpu.memref_slice %arg2[%dma_start3A_912, %dma_start3A_913] : memref<1769472x4xf32, #tpu.memory_space<hbm>> -> memref<1769472x4xf32, #tpu.memory_space<hbm>>
      tpu.enqueue_indirect_dma source(%dma_start3A_914 : memref<1769472x4xf32, #tpu.memory_space<hbm>>) target(%dma_start3A_908 : memref<128x4xf32, #tpu.memory_space<vmem>>) offsets(%dma_start3A_911 : memref<128xi32, #tpu.memory_space<vmem>>) semaphore(%arg13 : memref<!tpu.dma_semaphore, #tpu.memory_space<semaphore_mem>>)
      %dma_wait3A = arith.constant 0 : i32
      %dma_wait3A_915 = arith.constant 0 : i32
      %dma_wait3A_916 = arith.constant 0 : i32
      %dma_wait3A_917 = arith.constant 0 : i32
      %dma_wait3A_918 = arith.constant 0 : i32
      %dma_wait3A_919 = arith.constant 0 : i32
      %dma_wait3A_920 = tpu.memref_slice %arg11[%dma_wait3A_916, %dma_wait3A_917, %dma_wait3A_918, %dma_wait3A_919] : memref<8x8x128x4xf32, #tpu.memory_space<vmem>> -> memref<1x1x128x4xf32, #tpu.memory_space<vmem>>
      %dma_wait3A_921 = tpu.memref_squeeze %dma_wait3A_920 : memref<1x1x128x4xf32, #tpu.memory_space<vmem>> -> memref<128x4xf32, #tpu.memory_space<vmem>>
      %dma_wait3A_922 = arith.constant 0 : i32
      %dma_wait3A_923 = tpu.memref_slice %arg10[%dma_wait3A, %dma_wait3A_915, %dma_wait3A_922] : memref<8x8x128xi32, #tpu.memory_space<vmem>> -> memref<1x1x128xi32, #tpu.memory_space<vmem>>
      %dma_wait3A_924 = tpu.memref_squeeze %dma_wait3A_923 : memref<1x1x128xi32, #tpu.memory_space<vmem>> -> memref<128xi32, #tpu.memory_space<vmem>>
      %dma_wait3A_925 = arith.constant 0 : i32
      %dma_wait3A_926 = arith.constant 0 : i32
      %dma_wait3A_927 = tpu.memref_slice %arg2[%dma_wait3A_925, %dma_wait3A_926] : memref<1769472x4xf32, #tpu.memory_space<hbm>> -> memref<1769472x4xf32, #tpu.memory_space<hbm>>
      tpu.wait_indirect_dma semaphore(%arg13 : memref<!tpu.dma_semaphore, #tpu.memory_space<semaphore_mem>>) src(%dma_wait3A_927 : memref<1769472x4xf32, #tpu.memory_space<hbm>>) dst(%dma_wait3A_921 : memref<128x4xf32, #tpu.memory_space<vmem>>)
      %dma_wait3A_928 = arith.constant 0 : i32
      %dma_wait3A_929 = arith.constant 1 : i32
      %dma_wait3A_930 = arith.constant 0 : i32
      %dma_wait3A_931 = arith.constant 1 : i32
      %dma_wait3A_932 = arith.constant 0 : i32
      %dma_wait3A_933 = arith.constant 0 : i32
      %dma_wait3A_934 = tpu.memref_slice %arg11[%dma_wait3A_930, %dma_wait3A_931, %dma_wait3A_932, %dma_wait3A_933] : memref<8x8x128x4xf32, #tpu.memory_space<vmem>> -> memref<1x1x128x4xf32, #tpu.memory_space<vmem>>
      %dma_wait3A_935 = tpu.memref_squeeze %dma_wait3A_934 : memref<1x1x128x4xf32, #tpu.memory_space<vmem>> -> memref<128x4xf32, #tpu.memory_space<vmem>>
      %dma_wait3A_936 = arith.constant 0 : i32
      %dma_wait3A_937 = tpu.memref_slice %arg10[%dma_wait3A_928, %dma_wait3A_929, %dma_wait3A_936] : memref<8x8x128xi32, #tpu.memory_space<vmem>> -> memref<1x1x128xi32, #tpu.memory_space<vmem>>
      %dma_wait3A_938 = tpu.memref_squeeze %dma_wait3A_937 : memref<1x1x128xi32, #tpu.memory_space<vmem>> -> memref<128xi32, #tpu.memory_space<vmem>>
      %dma_wait3A_939 = arith.constant 0 : i32
      %dma_wait3A_940 = arith.constant 0 : i32
      %dma_wait3A_941 = tpu.memref_slice %arg2[%dma_wait3A_939, %dma_wait3A_940] : memref<1769472x4xf32, #tpu.memory_space<hbm>> -> memref<1769472x4xf32, #tpu.memory_space<hbm>>
      tpu.wait_indirect_dma semaphore(%arg13 : memref<!tpu.dma_semaphore, #tpu.memory_space<semaphore_mem>>) src(%dma_wait3A_941 : memref<1769472x4xf32, #tpu.memory_space<hbm>>) dst(%dma_wait3A_935 : memref<128x4xf32, #tpu.memory_space<vmem>>)
      %dma_wait3A_942 = arith.constant 0 : i32
      %dma_wait3A_943 = arith.constant 2 : i32
      %dma_wait3A_944 = arith.constant 0 : i32
      %dma_wait3A_945 = arith.constant 2 : i32
      %dma_wait3A_946 = arith.constant 0 : i32
      %dma_wait3A_947 = arith.constant 0 : i32
      %dma_wait3A_948 = tpu.memref_slice %arg11[%dma_wait3A_944, %dma_wait3A_945, %dma_wait3A_946, %dma_wait3A_947] : memref<8x8x128x4xf32, #tpu.memory_space<vmem>> -> memref<1x1x128x4xf32, #tpu.memory_space<vmem>>
      %dma_wait3A_949 = tpu.memref_squeeze %dma_wait3A_948 : memref<1x1x128x4xf32, #tpu.memory_space<vmem>> -> memref<128x4xf32, #tpu.memory_space<vmem>>
      %dma_wait3A_950 = arith.constant 0 : i32
      %dma_wait3A_951 = tpu.memref_slice %arg10[%dma_wait3A_942, %dma_wait3A_943, %dma_wait3A_950] : memref<8x8x128xi32, #tpu.memory_space<vmem>> -> memref<1x1x128xi32, #tpu.memory_space<vmem>>
      %dma_wait3A_952 = tpu.memref_squeeze %dma_wait3A_951 : memref<1x1x128xi32, #tpu.memory_space<vmem>> -> memref<128xi32, #tpu.memory_space<vmem>>
      %dma_wait3A_953 = arith.constant 0 : i32
      %dma_wait3A_954 = arith.constant 0 : i32
      %dma_wait3A_955 = tpu.memref_slice %arg2[%dma_wait3A_953, %dma_wait3A_954] : memref<1769472x4xf32, #tpu.memory_space<hbm>> -> memref<1769472x4xf32, #tpu.memory_space<hbm>>
      tpu.wait_indirect_dma semaphore(%arg13 : memref<!tpu.dma_semaphore, #tpu.memory_space<semaphore_mem>>) src(%dma_wait3A_955 : memref<1769472x4xf32, #tpu.memory_space<hbm>>) dst(%dma_wait3A_949 : memref<128x4xf32, #tpu.memory_space<vmem>>)
      %dma_wait3A_956 = arith.constant 0 : i32
      %dma_wait3A_957 = arith.constant 3 : i32
      %dma_wait3A_958 = arith.constant 0 : i32
      %dma_wait3A_959 = arith.constant 3 : i32
      %dma_wait3A_960 = arith.constant 0 : i32
      %dma_wait3A_961 = arith.constant 0 : i32
      %dma_wait3A_962 = tpu.memref_slice %arg11[%dma_wait3A_958, %dma_wait3A_959, %dma_wait3A_960, %dma_wait3A_961] : memref<8x8x128x4xf32, #tpu.memory_space<vmem>> -> memref<1x1x128x4xf32, #tpu.memory_space<vmem>>
      %dma_wait3A_963 = tpu.memref_squeeze %dma_wait3A_962 : memref<1x1x128x4xf32, #tpu.memory_space<vmem>> -> memref<128x4xf32, #tpu.memory_space<vmem>>
      %dma_wait3A_964 = arith.constant 0 : i32
      %dma_wait3A_965 = tpu.memref_slice %arg10[%dma_wait3A_956, %dma_wait3A_957, %dma_wait3A_964] : memref<8x8x128xi32, #tpu.memory_space<vmem>> -> memref<1x1x128xi32, #tpu.memory_space<vmem>>
      %dma_wait3A_966 = tpu.memref_squeeze %dma_wait3A_965 : memref<1x1x128xi32, #tpu.memory_space<vmem>> -> memref<128xi32, #tpu.memory_space<vmem>>
      %dma_wait3A_967 = arith.constant 0 : i32
      %dma_wait3A_968 = arith.constant 0 : i32
      %dma_wait3A_969 = tpu.memref_slice %arg2[%dma_wait3A_967, %dma_wait3A_968] : memref<1769472x4xf32, #tpu.memory_space<hbm>> -> memref<1769472x4xf32, #tpu.memory_space<hbm>>
      tpu.wait_indirect_dma semaphore(%arg13 : memref<!tpu.dma_semaphore, #tpu.memory_space<semaphore_mem>>) src(%dma_wait3A_969 : memref<1769472x4xf32, #tpu.memory_space<hbm>>) dst(%dma_wait3A_963 : memref<128x4xf32, #tpu.memory_space<vmem>>)
      %dma_wait3A_970 = arith.constant 0 : i32
      %dma_wait3A_971 = arith.constant 4 : i32
      %dma_wait3A_972 = arith.constant 0 : i32
      %dma_wait3A_973 = arith.constant 4 : i32
      %dma_wait3A_974 = arith.constant 0 : i32
      %dma_wait3A_975 = arith.constant 0 : i32
      %dma_wait3A_976 = tpu.memref_slice %arg11[%dma_wait3A_972, %dma_wait3A_973, %dma_wait3A_974, %dma_wait3A_975] : memref<8x8x128x4xf32, #tpu.memory_space<vmem>> -> memref<1x1x128x4xf32, #tpu.memory_space<vmem>>
      %dma_wait3A_977 = tpu.memref_squeeze %dma_wait3A_976 : memref<1x1x128x4xf32, #tpu.memory_space<vmem>> -> memref<128x4xf32, #tpu.memory_space<vmem>>
      %dma_wait3A_978 = arith.constant 0 : i32
      %dma_wait3A_979 = tpu.memref_slice %arg10[%dma_wait3A_970, %dma_wait3A_971, %dma_wait3A_978] : memref<8x8x128xi32, #tpu.memory_space<vmem>> -> memref<1x1x128xi32, #tpu.memory_space<vmem>>
      %dma_wait3A_980 = tpu.memref_squeeze %dma_wait3A_979 : memref<1x1x128xi32, #tpu.memory_space<vmem>> -> memref<128xi32, #tpu.memory_space<vmem>>
      %dma_wait3A_981 = arith.constant 0 : i32
      %dma_wait3A_982 = arith.constant 0 : i32
      %dma_wait3A_983 = tpu.memref_slice %arg2[%dma_wait3A_981, %dma_wait3A_982] : memref<1769472x4xf32, #tpu.memory_space<hbm>> -> memref<1769472x4xf32, #tpu.memory_space<hbm>>
      tpu.wait_indirect_dma semaphore(%arg13 : memref<!tpu.dma_semaphore, #tpu.memory_space<semaphore_mem>>) src(%dma_wait3A_983 : memref<1769472x4xf32, #tpu.memory_space<hbm>>) dst(%dma_wait3A_977 : memref<128x4xf32, #tpu.memory_space<vmem>>)
      %dma_wait3A_984 = arith.constant 0 : i32
      %dma_wait3A_985 = arith.constant 5 : i32
      %dma_wait3A_986 = arith.constant 0 : i32
      %dma_wait3A_987 = arith.constant 5 : i32
      %dma_wait3A_988 = arith.constant 0 : i32
      %dma_wait3A_989 = arith.constant 0 : i32
      %dma_wait3A_990 = tpu.memref_slice %arg11[%dma_wait3A_986, %dma_wait3A_987, %dma_wait3A_988, %dma_wait3A_989] : memref<8x8x128x4xf32, #tpu.memory_space<vmem>> -> memref<1x1x128x4xf32, #tpu.memory_space<vmem>>
      %dma_wait3A_991 = tpu.memref_squeeze %dma_wait3A_990 : memref<1x1x128x4xf32, #tpu.memory_space<vmem>> -> memref<128x4xf32, #tpu.memory_space<vmem>>
      %dma_wait3A_992 = arith.constant 0 : i32
      %dma_wait3A_993 = tpu.memref_slice %arg10[%dma_wait3A_984, %dma_wait3A_985, %dma_wait3A_992] : memref<8x8x128xi32, #tpu.memory_space<vmem>> -> memref<1x1x128xi32, #tpu.memory_space<vmem>>
      %dma_wait3A_994 = tpu.memref_squeeze %dma_wait3A_993 : memref<1x1x128xi32, #tpu.memory_space<vmem>> -> memref<128xi32, #tpu.memory_space<vmem>>
      %dma_wait3A_995 = arith.constant 0 : i32
      %dma_wait3A_996 = arith.constant 0 : i32
      %dma_wait3A_997 = tpu.memref_slice %arg2[%dma_wait3A_995, %dma_wait3A_996] : memref<1769472x4xf32, #tpu.memory_space<hbm>> -> memref<1769472x4xf32, #tpu.memory_space<hbm>>
      tpu.wait_indirect_dma semaphore(%arg13 : memref<!tpu.dma_semaphore, #tpu.memory_space<semaphore_mem>>) src(%dma_wait3A_997 : memref<1769472x4xf32, #tpu.memory_space<hbm>>) dst(%dma_wait3A_991 : memref<128x4xf32, #tpu.memory_space<vmem>>)
      %dma_wait3A_998 = arith.constant 0 : i32
      %dma_wait3A_999 = arith.constant 6 : i32
      %dma_wait3A_1000 = arith.constant 0 : i32
      %dma_wait3A_1001 = arith.constant 6 : i32
      %dma_wait3A_1002 = arith.constant 0 : i32
      %dma_wait3A_1003 = arith.constant 0 : i32
      %dma_wait3A_1004 = tpu.memref_slice %arg11[%dma_wait3A_1000, %dma_wait3A_1001, %dma_wait3A_1002, %dma_wait3A_1003] : memref<8x8x128x4xf32, #tpu.memory_space<vmem>> -> memref<1x1x128x4xf32, #tpu.memory_space<vmem>>
      %dma_wait3A_1005 = tpu.memref_squeeze %dma_wait3A_1004 : memref<1x1x128x4xf32, #tpu.memory_space<vmem>> -> memref<128x4xf32, #tpu.memory_space<vmem>>
      %dma_wait3A_1006 = arith.constant 0 : i32
      %dma_wait3A_1007 = tpu.memref_slice %arg10[%dma_wait3A_998, %dma_wait3A_999, %dma_wait3A_1006] : memref<8x8x128xi32, #tpu.memory_space<vmem>> -> memref<1x1x128xi32, #tpu.memory_space<vmem>>
      %dma_wait3A_1008 = tpu.memref_squeeze %dma_wait3A_1007 : memref<1x1x128xi32, #tpu.memory_space<vmem>> -> memref<128xi32, #tpu.memory_space<vmem>>
      %dma_wait3A_1009 = arith.constant 0 : i32
      %dma_wait3A_1010 = arith.constant 0 : i32
      %dma_wait3A_1011 = tpu.memref_slice %arg2[%dma_wait3A_1009, %dma_wait3A_1010] : memref<1769472x4xf32, #tpu.memory_space<hbm>> -> memref<1769472x4xf32, #tpu.memory_space<hbm>>
      tpu.wait_indirect_dma semaphore(%arg13 : memref<!tpu.dma_semaphore, #tpu.memory_space<semaphore_mem>>) src(%dma_wait3A_1011 : memref<1769472x4xf32, #tpu.memory_space<hbm>>) dst(%dma_wait3A_1005 : memref<128x4xf32, #tpu.memory_space<vmem>>)
      %dma_wait3A_1012 = arith.constant 0 : i32
      %dma_wait3A_1013 = arith.constant 7 : i32
      %dma_wait3A_1014 = arith.constant 0 : i32
      %dma_wait3A_1015 = arith.constant 7 : i32
      %dma_wait3A_1016 = arith.constant 0 : i32
      %dma_wait3A_1017 = arith.constant 0 : i32
      %dma_wait3A_1018 = tpu.memref_slice %arg11[%dma_wait3A_1014, %dma_wait3A_1015, %dma_wait3A_1016, %dma_wait3A_1017] : memref<8x8x128x4xf32, #tpu.memory_space<vmem>> -> memref<1x1x128x4xf32, #tpu.memory_space<vmem>>
      %dma_wait3A_1019 = tpu.memref_squeeze %dma_wait3A_1018 : memref<1x1x128x4xf32, #tpu.memory_space<vmem>> -> memref<128x4xf32, #tpu.memory_space<vmem>>
      %dma_wait3A_1020 = arith.constant 0 : i32
      %dma_wait3A_1021 = tpu.memref_slice %arg10[%dma_wait3A_1012, %dma_wait3A_1013, %dma_wait3A_1020] : memref<8x8x128xi32, #tpu.memory_space<vmem>> -> memref<1x1x128xi32, #tpu.memory_space<vmem>>
      %dma_wait3A_1022 = tpu.memref_squeeze %dma_wait3A_1021 : memref<1x1x128xi32, #tpu.memory_space<vmem>> -> memref<128xi32, #tpu.memory_space<vmem>>
      %dma_wait3A_1023 = arith.constant 0 : i32
      %dma_wait3A_1024 = arith.constant 0 : i32
      %dma_wait3A_1025 = tpu.memref_slice %arg2[%dma_wait3A_1023, %dma_wait3A_1024] : memref<1769472x4xf32, #tpu.memory_space<hbm>> -> memref<1769472x4xf32, #tpu.memory_space<hbm>>
      tpu.wait_indirect_dma semaphore(%arg13 : memref<!tpu.dma_semaphore, #tpu.memory_space<semaphore_mem>>) src(%dma_wait3A_1025 : memref<1769472x4xf32, #tpu.memory_space<hbm>>) dst(%dma_wait3A_1019 : memref<128x4xf32, #tpu.memory_space<vmem>>)
      %dma_wait3A_1026 = arith.constant 1 : i32
      %dma_wait3A_1027 = arith.constant 0 : i32
      %dma_wait3A_1028 = arith.constant 1 : i32
      %dma_wait3A_1029 = arith.constant 0 : i32
      %dma_wait3A_1030 = arith.constant 0 : i32
      %dma_wait3A_1031 = arith.constant 0 : i32
      %dma_wait3A_1032 = tpu.memref_slice %arg11[%dma_wait3A_1028, %dma_wait3A_1029, %dma_wait3A_1030, %dma_wait3A_1031] : memref<8x8x128x4xf32, #tpu.memory_space<vmem>> -> memref<1x1x128x4xf32, #tpu.memory_space<vmem>>
      %dma_wait3A_1033 = tpu.memref_squeeze %dma_wait3A_1032 : memref<1x1x128x4xf32, #tpu.memory_space<vmem>> -> memref<128x4xf32, #tpu.memory_space<vmem>>
      %dma_wait3A_1034 = arith.constant 0 : i32
      %dma_wait3A_1035 = tpu.memref_slice %arg10[%dma_wait3A_1026, %dma_wait3A_1027, %dma_wait3A_1034] : memref<8x8x128xi32, #tpu.memory_space<vmem>> -> memref<1x1x128xi32, #tpu.memory_space<vmem>>
      %dma_wait3A_1036 = tpu.memref_squeeze %dma_wait3A_1035 : memref<1x1x128xi32, #tpu.memory_space<vmem>> -> memref<128xi32, #tpu.memory_space<vmem>>
      %dma_wait3A_1037 = arith.constant 0 : i32
      %dma_wait3A_1038 = arith.constant 0 : i32
      %dma_wait3A_1039 = tpu.memref_slice %arg2[%dma_wait3A_1037, %dma_wait3A_1038] : memref<1769472x4xf32, #tpu.memory_space<hbm>> -> memref<1769472x4xf32, #tpu.memory_space<hbm>>
      tpu.wait_indirect_dma semaphore(%arg13 : memref<!tpu.dma_semaphore, #tpu.memory_space<semaphore_mem>>) src(%dma_wait3A_1039 : memref<1769472x4xf32, #tpu.memory_space<hbm>>) dst(%dma_wait3A_1033 : memref<128x4xf32, #tpu.memory_space<vmem>>)
      %dma_wait3A_1040 = arith.constant 1 : i32
      %dma_wait3A_1041 = arith.constant 1 : i32
      %dma_wait3A_1042 = arith.constant 1 : i32
      %dma_wait3A_1043 = arith.constant 1 : i32
      %dma_wait3A_1044 = arith.constant 0 : i32
      %dma_wait3A_1045 = arith.constant 0 : i32
      %dma_wait3A_1046 = tpu.memref_slice %arg11[%dma_wait3A_1042, %dma_wait3A_1043, %dma_wait3A_1044, %dma_wait3A_1045] : memref<8x8x128x4xf32, #tpu.memory_space<vmem>> -> memref<1x1x128x4xf32, #tpu.memory_space<vmem>>
      %dma_wait3A_1047 = tpu.memref_squeeze %dma_wait3A_1046 : memref<1x1x128x4xf32, #tpu.memory_space<vmem>> -> memref<128x4xf32, #tpu.memory_space<vmem>>
      %dma_wait3A_1048 = arith.constant 0 : i32
      %dma_wait3A_1049 = tpu.memref_slice %arg10[%dma_wait3A_1040, %dma_wait3A_1041, %dma_wait3A_1048] : memref<8x8x128xi32, #tpu.memory_space<vmem>> -> memref<1x1x128xi32, #tpu.memory_space<vmem>>
      %dma_wait3A_1050 = tpu.memref_squeeze %dma_wait3A_1049 : memref<1x1x128xi32, #tpu.memory_space<vmem>> -> memref<128xi32, #tpu.memory_space<vmem>>
      %dma_wait3A_1051 = arith.constant 0 : i32
      %dma_wait3A_1052 = arith.constant 0 : i32
      %dma_wait3A_1053 = tpu.memref_slice %arg2[%dma_wait3A_1051, %dma_wait3A_1052] : memref<1769472x4xf32, #tpu.memory_space<hbm>> -> memref<1769472x4xf32, #tpu.memory_space<hbm>>
      tpu.wait_indirect_dma semaphore(%arg13 : memref<!tpu.dma_semaphore, #tpu.memory_space<semaphore_mem>>) src(%dma_wait3A_1053 : memref<1769472x4xf32, #tpu.memory_space<hbm>>) dst(%dma_wait3A_1047 : memref<128x4xf32, #tpu.memory_space<vmem>>)
      %dma_wait3A_1054 = arith.constant 1 : i32
      %dma_wait3A_1055 = arith.constant 2 : i32
      %dma_wait3A_1056 = arith.constant 1 : i32
      %dma_wait3A_1057 = arith.constant 2 : i32
      %dma_wait3A_1058 = arith.constant 0 : i32
      %dma_wait3A_1059 = arith.constant 0 : i32
      %dma_wait3A_1060 = tpu.memref_slice %arg11[%dma_wait3A_1056, %dma_wait3A_1057, %dma_wait3A_1058, %dma_wait3A_1059] : memref<8x8x128x4xf32, #tpu.memory_space<vmem>> -> memref<1x1x128x4xf32, #tpu.memory_space<vmem>>
      %dma_wait3A_1061 = tpu.memref_squeeze %dma_wait3A_1060 : memref<1x1x128x4xf32, #tpu.memory_space<vmem>> -> memref<128x4xf32, #tpu.memory_space<vmem>>
      %dma_wait3A_1062 = arith.constant 0 : i32
      %dma_wait3A_1063 = tpu.memref_slice %arg10[%dma_wait3A_1054, %dma_wait3A_1055, %dma_wait3A_1062] : memref<8x8x128xi32, #tpu.memory_space<vmem>> -> memref<1x1x128xi32, #tpu.memory_space<vmem>>
      %dma_wait3A_1064 = tpu.memref_squeeze %dma_wait3A_1063 : memref<1x1x128xi32, #tpu.memory_space<vmem>> -> memref<128xi32, #tpu.memory_space<vmem>>
      %dma_wait3A_1065 = arith.constant 0 : i32
      %dma_wait3A_1066 = arith.constant 0 : i32
      %dma_wait3A_1067 = tpu.memref_slice %arg2[%dma_wait3A_1065, %dma_wait3A_1066] : memref<1769472x4xf32, #tpu.memory_space<hbm>> -> memref<1769472x4xf32, #tpu.memory_space<hbm>>
      tpu.wait_indirect_dma semaphore(%arg13 : memref<!tpu.dma_semaphore, #tpu.memory_space<semaphore_mem>>) src(%dma_wait3A_1067 : memref<1769472x4xf32, #tpu.memory_space<hbm>>) dst(%dma_wait3A_1061 : memref<128x4xf32, #tpu.memory_space<vmem>>)
      %dma_wait3A_1068 = arith.constant 1 : i32
      %dma_wait3A_1069 = arith.constant 3 : i32
      %dma_wait3A_1070 = arith.constant 1 : i32
      %dma_wait3A_1071 = arith.constant 3 : i32
      %dma_wait3A_1072 = arith.constant 0 : i32
      %dma_wait3A_1073 = arith.constant 0 : i32
      %dma_wait3A_1074 = tpu.memref_slice %arg11[%dma_wait3A_1070, %dma_wait3A_1071, %dma_wait3A_1072, %dma_wait3A_1073] : memref<8x8x128x4xf32, #tpu.memory_space<vmem>> -> memref<1x1x128x4xf32, #tpu.memory_space<vmem>>
      %dma_wait3A_1075 = tpu.memref_squeeze %dma_wait3A_1074 : memref<1x1x128x4xf32, #tpu.memory_space<vmem>> -> memref<128x4xf32, #tpu.memory_space<vmem>>
      %dma_wait3A_1076 = arith.constant 0 : i32
      %dma_wait3A_1077 = tpu.memref_slice %arg10[%dma_wait3A_1068, %dma_wait3A_1069, %dma_wait3A_1076] : memref<8x8x128xi32, #tpu.memory_space<vmem>> -> memref<1x1x128xi32, #tpu.memory_space<vmem>>
      %dma_wait3A_1078 = tpu.memref_squeeze %dma_wait3A_1077 : memref<1x1x128xi32, #tpu.memory_space<vmem>> -> memref<128xi32, #tpu.memory_space<vmem>>
      %dma_wait3A_1079 = arith.constant 0 : i32
      %dma_wait3A_1080 = arith.constant 0 : i32
      %dma_wait3A_1081 = tpu.memref_slice %arg2[%dma_wait3A_1079, %dma_wait3A_1080] : memref<1769472x4xf32, #tpu.memory_space<hbm>> -> memref<1769472x4xf32, #tpu.memory_space<hbm>>
      tpu.wait_indirect_dma semaphore(%arg13 : memref<!tpu.dma_semaphore, #tpu.memory_space<semaphore_mem>>) src(%dma_wait3A_1081 : memref<1769472x4xf32, #tpu.memory_space<hbm>>) dst(%dma_wait3A_1075 : memref<128x4xf32, #tpu.memory_space<vmem>>)
      %dma_wait3A_1082 = arith.constant 1 : i32
      %dma_wait3A_1083 = arith.constant 4 : i32
      %dma_wait3A_1084 = arith.constant 1 : i32
      %dma_wait3A_1085 = arith.constant 4 : i32
      %dma_wait3A_1086 = arith.constant 0 : i32
      %dma_wait3A_1087 = arith.constant 0 : i32
      %dma_wait3A_1088 = tpu.memref_slice %arg11[%dma_wait3A_1084, %dma_wait3A_1085, %dma_wait3A_1086, %dma_wait3A_1087] : memref<8x8x128x4xf32, #tpu.memory_space<vmem>> -> memref<1x1x128x4xf32, #tpu.memory_space<vmem>>
      %dma_wait3A_1089 = tpu.memref_squeeze %dma_wait3A_1088 : memref<1x1x128x4xf32, #tpu.memory_space<vmem>> -> memref<128x4xf32, #tpu.memory_space<vmem>>
      %dma_wait3A_1090 = arith.constant 0 : i32
      %dma_wait3A_1091 = tpu.memref_slice %arg10[%dma_wait3A_1082, %dma_wait3A_1083, %dma_wait3A_1090] : memref<8x8x128xi32, #tpu.memory_space<vmem>> -> memref<1x1x128xi32, #tpu.memory_space<vmem>>
      %dma_wait3A_1092 = tpu.memref_squeeze %dma_wait3A_1091 : memref<1x1x128xi32, #tpu.memory_space<vmem>> -> memref<128xi32, #tpu.memory_space<vmem>>
      %dma_wait3A_1093 = arith.constant 0 : i32
      %dma_wait3A_1094 = arith.constant 0 : i32
      %dma_wait3A_1095 = tpu.memref_slice %arg2[%dma_wait3A_1093, %dma_wait3A_1094] : memref<1769472x4xf32, #tpu.memory_space<hbm>> -> memref<1769472x4xf32, #tpu.memory_space<hbm>>
      tpu.wait_indirect_dma semaphore(%arg13 : memref<!tpu.dma_semaphore, #tpu.memory_space<semaphore_mem>>) src(%dma_wait3A_1095 : memref<1769472x4xf32, #tpu.memory_space<hbm>>) dst(%dma_wait3A_1089 : memref<128x4xf32, #tpu.memory_space<vmem>>)
      %dma_wait3A_1096 = arith.constant 1 : i32
      %dma_wait3A_1097 = arith.constant 5 : i32
      %dma_wait3A_1098 = arith.constant 1 : i32
      %dma_wait3A_1099 = arith.constant 5 : i32
      %dma_wait3A_1100 = arith.constant 0 : i32
      %dma_wait3A_1101 = arith.constant 0 : i32
      %dma_wait3A_1102 = tpu.memref_slice %arg11[%dma_wait3A_1098, %dma_wait3A_1099, %dma_wait3A_1100, %dma_wait3A_1101] : memref<8x8x128x4xf32, #tpu.memory_space<vmem>> -> memref<1x1x128x4xf32, #tpu.memory_space<vmem>>
      %dma_wait3A_1103 = tpu.memref_squeeze %dma_wait3A_1102 : memref<1x1x128x4xf32, #tpu.memory_space<vmem>> -> memref<128x4xf32, #tpu.memory_space<vmem>>
      %dma_wait3A_1104 = arith.constant 0 : i32
      %dma_wait3A_1105 = tpu.memref_slice %arg10[%dma_wait3A_1096, %dma_wait3A_1097, %dma_wait3A_1104] : memref<8x8x128xi32, #tpu.memory_space<vmem>> -> memref<1x1x128xi32, #tpu.memory_space<vmem>>
      %dma_wait3A_1106 = tpu.memref_squeeze %dma_wait3A_1105 : memref<1x1x128xi32, #tpu.memory_space<vmem>> -> memref<128xi32, #tpu.memory_space<vmem>>
      %dma_wait3A_1107 = arith.constant 0 : i32
      %dma_wait3A_1108 = arith.constant 0 : i32
      %dma_wait3A_1109 = tpu.memref_slice %arg2[%dma_wait3A_1107, %dma_wait3A_1108] : memref<1769472x4xf32, #tpu.memory_space<hbm>> -> memref<1769472x4xf32, #tpu.memory_space<hbm>>
      tpu.wait_indirect_dma semaphore(%arg13 : memref<!tpu.dma_semaphore, #tpu.memory_space<semaphore_mem>>) src(%dma_wait3A_1109 : memref<1769472x4xf32, #tpu.memory_space<hbm>>) dst(%dma_wait3A_1103 : memref<128x4xf32, #tpu.memory_space<vmem>>)
      %dma_wait3A_1110 = arith.constant 1 : i32
      %dma_wait3A_1111 = arith.constant 6 : i32
      %dma_wait3A_1112 = arith.constant 1 : i32
      %dma_wait3A_1113 = arith.constant 6 : i32
      %dma_wait3A_1114 = arith.constant 0 : i32
      %dma_wait3A_1115 = arith.constant 0 : i32
      %dma_wait3A_1116 = tpu.memref_slice %arg11[%dma_wait3A_1112, %dma_wait3A_1113, %dma_wait3A_1114, %dma_wait3A_1115] : memref<8x8x128x4xf32, #tpu.memory_space<vmem>> -> memref<1x1x128x4xf32, #tpu.memory_space<vmem>>
      %dma_wait3A_1117 = tpu.memref_squeeze %dma_wait3A_1116 : memref<1x1x128x4xf32, #tpu.memory_space<vmem>> -> memref<128x4xf32, #tpu.memory_space<vmem>>
      %dma_wait3A_1118 = arith.constant 0 : i32
      %dma_wait3A_1119 = tpu.memref_slice %arg10[%dma_wait3A_1110, %dma_wait3A_1111, %dma_wait3A_1118] : memref<8x8x128xi32, #tpu.memory_space<vmem>> -> memref<1x1x128xi32, #tpu.memory_space<vmem>>
      %dma_wait3A_1120 = tpu.memref_squeeze %dma_wait3A_1119 : memref<1x1x128xi32, #tpu.memory_space<vmem>> -> memref<128xi32, #tpu.memory_space<vmem>>
      %dma_wait3A_1121 = arith.constant 0 : i32
      %dma_wait3A_1122 = arith.constant 0 : i32
      %dma_wait3A_1123 = tpu.memref_slice %arg2[%dma_wait3A_1121, %dma_wait3A_1122] : memref<1769472x4xf32, #tpu.memory_space<hbm>> -> memref<1769472x4xf32, #tpu.memory_space<hbm>>
      tpu.wait_indirect_dma semaphore(%arg13 : memref<!tpu.dma_semaphore, #tpu.memory_space<semaphore_mem>>) src(%dma_wait3A_1123 : memref<1769472x4xf32, #tpu.memory_space<hbm>>) dst(%dma_wait3A_1117 : memref<128x4xf32, #tpu.memory_space<vmem>>)
      %dma_wait3A_1124 = arith.constant 1 : i32
      %dma_wait3A_1125 = arith.constant 7 : i32
      %dma_wait3A_1126 = arith.constant 1 : i32
      %dma_wait3A_1127 = arith.constant 7 : i32
      %dma_wait3A_1128 = arith.constant 0 : i32
      %dma_wait3A_1129 = arith.constant 0 : i32
      %dma_wait3A_1130 = tpu.memref_slice %arg11[%dma_wait3A_1126, %dma_wait3A_1127, %dma_wait3A_1128, %dma_wait3A_1129] : memref<8x8x128x4xf32, #tpu.memory_space<vmem>> -> memref<1x1x128x4xf32, #tpu.memory_space<vmem>>
      %dma_wait3A_1131 = tpu.memref_squeeze %dma_wait3A_1130 : memref<1x1x128x4xf32, #tpu.memory_space<vmem>> -> memref<128x4xf32, #tpu.memory_space<vmem>>
      %dma_wait3A_1132 = arith.constant 0 : i32
      %dma_wait3A_1133 = tpu.memref_slice %arg10[%dma_wait3A_1124, %dma_wait3A_1125, %dma_wait3A_1132] : memref<8x8x128xi32, #tpu.memory_space<vmem>> -> memref<1x1x128xi32, #tpu.memory_space<vmem>>
      %dma_wait3A_1134 = tpu.memref_squeeze %dma_wait3A_1133 : memref<1x1x128xi32, #tpu.memory_space<vmem>> -> memref<128xi32, #tpu.memory_space<vmem>>
      %dma_wait3A_1135 = arith.constant 0 : i32
      %dma_wait3A_1136 = arith.constant 0 : i32
      %dma_wait3A_1137 = tpu.memref_slice %arg2[%dma_wait3A_1135, %dma_wait3A_1136] : memref<1769472x4xf32, #tpu.memory_space<hbm>> -> memref<1769472x4xf32, #tpu.memory_space<hbm>>
      tpu.wait_indirect_dma semaphore(%arg13 : memref<!tpu.dma_semaphore, #tpu.memory_space<semaphore_mem>>) src(%dma_wait3A_1137 : memref<1769472x4xf32, #tpu.memory_space<hbm>>) dst(%dma_wait3A_1131 : memref<128x4xf32, #tpu.memory_space<vmem>>)
      %dma_wait3A_1138 = arith.constant 2 : i32
      %dma_wait3A_1139 = arith.constant 0 : i32
      %dma_wait3A_1140 = arith.constant 2 : i32
      %dma_wait3A_1141 = arith.constant 0 : i32
      %dma_wait3A_1142 = arith.constant 0 : i32
      %dma_wait3A_1143 = arith.constant 0 : i32
      %dma_wait3A_1144 = tpu.memref_slice %arg11[%dma_wait3A_1140, %dma_wait3A_1141, %dma_wait3A_1142, %dma_wait3A_1143] : memref<8x8x128x4xf32, #tpu.memory_space<vmem>> -> memref<1x1x128x4xf32, #tpu.memory_space<vmem>>
      %dma_wait3A_1145 = tpu.memref_squeeze %dma_wait3A_1144 : memref<1x1x128x4xf32, #tpu.memory_space<vmem>> -> memref<128x4xf32, #tpu.memory_space<vmem>>
      %dma_wait3A_1146 = arith.constant 0 : i32
      %dma_wait3A_1147 = tpu.memref_slice %arg10[%dma_wait3A_1138, %dma_wait3A_1139, %dma_wait3A_1146] : memref<8x8x128xi32, #tpu.memory_space<vmem>> -> memref<1x1x128xi32, #tpu.memory_space<vmem>>
      %dma_wait3A_1148 = tpu.memref_squeeze %dma_wait3A_1147 : memref<1x1x128xi32, #tpu.memory_space<vmem>> -> memref<128xi32, #tpu.memory_space<vmem>>
      %dma_wait3A_1149 = arith.constant 0 : i32
      %dma_wait3A_1150 = arith.constant 0 : i32
      %dma_wait3A_1151 = tpu.memref_slice %arg2[%dma_wait3A_1149, %dma_wait3A_1150] : memref<1769472x4xf32, #tpu.memory_space<hbm>> -> memref<1769472x4xf32, #tpu.memory_space<hbm>>
      tpu.wait_indirect_dma semaphore(%arg13 : memref<!tpu.dma_semaphore, #tpu.memory_space<semaphore_mem>>) src(%dma_wait3A_1151 : memref<1769472x4xf32, #tpu.memory_space<hbm>>) dst(%dma_wait3A_1145 : memref<128x4xf32, #tpu.memory_space<vmem>>)
      %dma_wait3A_1152 = arith.constant 2 : i32
      %dma_wait3A_1153 = arith.constant 1 : i32
      %dma_wait3A_1154 = arith.constant 2 : i32
      %dma_wait3A_1155 = arith.constant 1 : i32
      %dma_wait3A_1156 = arith.constant 0 : i32
      %dma_wait3A_1157 = arith.constant 0 : i32
      %dma_wait3A_1158 = tpu.memref_slice %arg11[%dma_wait3A_1154, %dma_wait3A_1155, %dma_wait3A_1156, %dma_wait3A_1157] : memref<8x8x128x4xf32, #tpu.memory_space<vmem>> -> memref<1x1x128x4xf32, #tpu.memory_space<vmem>>
      %dma_wait3A_1159 = tpu.memref_squeeze %dma_wait3A_1158 : memref<1x1x128x4xf32, #tpu.memory_space<vmem>> -> memref<128x4xf32, #tpu.memory_space<vmem>>
      %dma_wait3A_1160 = arith.constant 0 : i32
      %dma_wait3A_1161 = tpu.memref_slice %arg10[%dma_wait3A_1152, %dma_wait3A_1153, %dma_wait3A_1160] : memref<8x8x128xi32, #tpu.memory_space<vmem>> -> memref<1x1x128xi32, #tpu.memory_space<vmem>>
      %dma_wait3A_1162 = tpu.memref_squeeze %dma_wait3A_1161 : memref<1x1x128xi32, #tpu.memory_space<vmem>> -> memref<128xi32, #tpu.memory_space<vmem>>
      %dma_wait3A_1163 = arith.constant 0 : i32
      %dma_wait3A_1164 = arith.constant 0 : i32
      %dma_wait3A_1165 = tpu.memref_slice %arg2[%dma_wait3A_1163, %dma_wait3A_1164] : memref<1769472x4xf32, #tpu.memory_space<hbm>> -> memref<1769472x4xf32, #tpu.memory_space<hbm>>
      tpu.wait_indirect_dma semaphore(%arg13 : memref<!tpu.dma_semaphore, #tpu.memory_space<semaphore_mem>>) src(%dma_wait3A_1165 : memref<1769472x4xf32, #tpu.memory_space<hbm>>) dst(%dma_wait3A_1159 : memref<128x4xf32, #tpu.memory_space<vmem>>)
      %dma_wait3A_1166 = arith.constant 2 : i32
      %dma_wait3A_1167 = arith.constant 2 : i32
      %dma_wait3A_1168 = arith.constant 2 : i32
      %dma_wait3A_1169 = arith.constant 2 : i32
      %dma_wait3A_1170 = arith.constant 0 : i32
      %dma_wait3A_1171 = arith.constant 0 : i32
      %dma_wait3A_1172 = tpu.memref_slice %arg11[%dma_wait3A_1168, %dma_wait3A_1169, %dma_wait3A_1170, %dma_wait3A_1171] : memref<8x8x128x4xf32, #tpu.memory_space<vmem>> -> memref<1x1x128x4xf32, #tpu.memory_space<vmem>>
      %dma_wait3A_1173 = tpu.memref_squeeze %dma_wait3A_1172 : memref<1x1x128x4xf32, #tpu.memory_space<vmem>> -> memref<128x4xf32, #tpu.memory_space<vmem>>
      %dma_wait3A_1174 = arith.constant 0 : i32
      %dma_wait3A_1175 = tpu.memref_slice %arg10[%dma_wait3A_1166, %dma_wait3A_1167, %dma_wait3A_1174] : memref<8x8x128xi32, #tpu.memory_space<vmem>> -> memref<1x1x128xi32, #tpu.memory_space<vmem>>
      %dma_wait3A_1176 = tpu.memref_squeeze %dma_wait3A_1175 : memref<1x1x128xi32, #tpu.memory_space<vmem>> -> memref<128xi32, #tpu.memory_space<vmem>>
      %dma_wait3A_1177 = arith.constant 0 : i32
      %dma_wait3A_1178 = arith.constant 0 : i32
      %dma_wait3A_1179 = tpu.memref_slice %arg2[%dma_wait3A_1177, %dma_wait3A_1178] : memref<1769472x4xf32, #tpu.memory_space<hbm>> -> memref<1769472x4xf32, #tpu.memory_space<hbm>>
      tpu.wait_indirect_dma semaphore(%arg13 : memref<!tpu.dma_semaphore, #tpu.memory_space<semaphore_mem>>) src(%dma_wait3A_1179 : memref<1769472x4xf32, #tpu.memory_space<hbm>>) dst(%dma_wait3A_1173 : memref<128x4xf32, #tpu.memory_space<vmem>>)
      %dma_wait3A_1180 = arith.constant 2 : i32
      %dma_wait3A_1181 = arith.constant 3 : i32
      %dma_wait3A_1182 = arith.constant 2 : i32
      %dma_wait3A_1183 = arith.constant 3 : i32
      %dma_wait3A_1184 = arith.constant 0 : i32
      %dma_wait3A_1185 = arith.constant 0 : i32
      %dma_wait3A_1186 = tpu.memref_slice %arg11[%dma_wait3A_1182, %dma_wait3A_1183, %dma_wait3A_1184, %dma_wait3A_1185] : memref<8x8x128x4xf32, #tpu.memory_space<vmem>> -> memref<1x1x128x4xf32, #tpu.memory_space<vmem>>
      %dma_wait3A_1187 = tpu.memref_squeeze %dma_wait3A_1186 : memref<1x1x128x4xf32, #tpu.memory_space<vmem>> -> memref<128x4xf32, #tpu.memory_space<vmem>>
      %dma_wait3A_1188 = arith.constant 0 : i32
      %dma_wait3A_1189 = tpu.memref_slice %arg10[%dma_wait3A_1180, %dma_wait3A_1181, %dma_wait3A_1188] : memref<8x8x128xi32, #tpu.memory_space<vmem>> -> memref<1x1x128xi32, #tpu.memory_space<vmem>>
      %dma_wait3A_1190 = tpu.memref_squeeze %dma_wait3A_1189 : memref<1x1x128xi32, #tpu.memory_space<vmem>> -> memref<128xi32, #tpu.memory_space<vmem>>
      %dma_wait3A_1191 = arith.constant 0 : i32
      %dma_wait3A_1192 = arith.constant 0 : i32
      %dma_wait3A_1193 = tpu.memref_slice %arg2[%dma_wait3A_1191, %dma_wait3A_1192] : memref<1769472x4xf32, #tpu.memory_space<hbm>> -> memref<1769472x4xf32, #tpu.memory_space<hbm>>
      tpu.wait_indirect_dma semaphore(%arg13 : memref<!tpu.dma_semaphore, #tpu.memory_space<semaphore_mem>>) src(%dma_wait3A_1193 : memref<1769472x4xf32, #tpu.memory_space<hbm>>) dst(%dma_wait3A_1187 : memref<128x4xf32, #tpu.memory_space<vmem>>)
      %dma_wait3A_1194 = arith.constant 2 : i32
      %dma_wait3A_1195 = arith.constant 4 : i32
      %dma_wait3A_1196 = arith.constant 2 : i32
      %dma_wait3A_1197 = arith.constant 4 : i32
      %dma_wait3A_1198 = arith.constant 0 : i32
      %dma_wait3A_1199 = arith.constant 0 : i32
      %dma_wait3A_1200 = tpu.memref_slice %arg11[%dma_wait3A_1196, %dma_wait3A_1197, %dma_wait3A_1198, %dma_wait3A_1199] : memref<8x8x128x4xf32, #tpu.memory_space<vmem>> -> memref<1x1x128x4xf32, #tpu.memory_space<vmem>>
      %dma_wait3A_1201 = tpu.memref_squeeze %dma_wait3A_1200 : memref<1x1x128x4xf32, #tpu.memory_space<vmem>> -> memref<128x4xf32, #tpu.memory_space<vmem>>
      %dma_wait3A_1202 = arith.constant 0 : i32
      %dma_wait3A_1203 = tpu.memref_slice %arg10[%dma_wait3A_1194, %dma_wait3A_1195, %dma_wait3A_1202] : memref<8x8x128xi32, #tpu.memory_space<vmem>> -> memref<1x1x128xi32, #tpu.memory_space<vmem>>
      %dma_wait3A_1204 = tpu.memref_squeeze %dma_wait3A_1203 : memref<1x1x128xi32, #tpu.memory_space<vmem>> -> memref<128xi32, #tpu.memory_space<vmem>>
      %dma_wait3A_1205 = arith.constant 0 : i32
      %dma_wait3A_1206 = arith.constant 0 : i32
      %dma_wait3A_1207 = tpu.memref_slice %arg2[%dma_wait3A_1205, %dma_wait3A_1206] : memref<1769472x4xf32, #tpu.memory_space<hbm>> -> memref<1769472x4xf32, #tpu.memory_space<hbm>>
      tpu.wait_indirect_dma semaphore(%arg13 : memref<!tpu.dma_semaphore, #tpu.memory_space<semaphore_mem>>) src(%dma_wait3A_1207 : memref<1769472x4xf32, #tpu.memory_space<hbm>>) dst(%dma_wait3A_1201 : memref<128x4xf32, #tpu.memory_space<vmem>>)
      %dma_wait3A_1208 = arith.constant 2 : i32
      %dma_wait3A_1209 = arith.constant 5 : i32
      %dma_wait3A_1210 = arith.constant 2 : i32
      %dma_wait3A_1211 = arith.constant 5 : i32
      %dma_wait3A_1212 = arith.constant 0 : i32
      %dma_wait3A_1213 = arith.constant 0 : i32
      %dma_wait3A_1214 = tpu.memref_slice %arg11[%dma_wait3A_1210, %dma_wait3A_1211, %dma_wait3A_1212, %dma_wait3A_1213] : memref<8x8x128x4xf32, #tpu.memory_space<vmem>> -> memref<1x1x128x4xf32, #tpu.memory_space<vmem>>
      %dma_wait3A_1215 = tpu.memref_squeeze %dma_wait3A_1214 : memref<1x1x128x4xf32, #tpu.memory_space<vmem>> -> memref<128x4xf32, #tpu.memory_space<vmem>>
      %dma_wait3A_1216 = arith.constant 0 : i32
      %dma_wait3A_1217 = tpu.memref_slice %arg10[%dma_wait3A_1208, %dma_wait3A_1209, %dma_wait3A_1216] : memref<8x8x128xi32, #tpu.memory_space<vmem>> -> memref<1x1x128xi32, #tpu.memory_space<vmem>>
      %dma_wait3A_1218 = tpu.memref_squeeze %dma_wait3A_1217 : memref<1x1x128xi32, #tpu.memory_space<vmem>> -> memref<128xi32, #tpu.memory_space<vmem>>
      %dma_wait3A_1219 = arith.constant 0 : i32
      %dma_wait3A_1220 = arith.constant 0 : i32
      %dma_wait3A_1221 = tpu.memref_slice %arg2[%dma_wait3A_1219, %dma_wait3A_1220] : memref<1769472x4xf32, #tpu.memory_space<hbm>> -> memref<1769472x4xf32, #tpu.memory_space<hbm>>
      tpu.wait_indirect_dma semaphore(%arg13 : memref<!tpu.dma_semaphore, #tpu.memory_space<semaphore_mem>>) src(%dma_wait3A_1221 : memref<1769472x4xf32, #tpu.memory_space<hbm>>) dst(%dma_wait3A_1215 : memref<128x4xf32, #tpu.memory_space<vmem>>)
      %dma_wait3A_1222 = arith.constant 2 : i32
      %dma_wait3A_1223 = arith.constant 6 : i32
      %dma_wait3A_1224 = arith.constant 2 : i32
      %dma_wait3A_1225 = arith.constant 6 : i32
      %dma_wait3A_1226 = arith.constant 0 : i32
      %dma_wait3A_1227 = arith.constant 0 : i32
      %dma_wait3A_1228 = tpu.memref_slice %arg11[%dma_wait3A_1224, %dma_wait3A_1225, %dma_wait3A_1226, %dma_wait3A_1227] : memref<8x8x128x4xf32, #tpu.memory_space<vmem>> -> memref<1x1x128x4xf32, #tpu.memory_space<vmem>>
      %dma_wait3A_1229 = tpu.memref_squeeze %dma_wait3A_1228 : memref<1x1x128x4xf32, #tpu.memory_space<vmem>> -> memref<128x4xf32, #tpu.memory_space<vmem>>
      %dma_wait3A_1230 = arith.constant 0 : i32
      %dma_wait3A_1231 = tpu.memref_slice %arg10[%dma_wait3A_1222, %dma_wait3A_1223, %dma_wait3A_1230] : memref<8x8x128xi32, #tpu.memory_space<vmem>> -> memref<1x1x128xi32, #tpu.memory_space<vmem>>
      %dma_wait3A_1232 = tpu.memref_squeeze %dma_wait3A_1231 : memref<1x1x128xi32, #tpu.memory_space<vmem>> -> memref<128xi32, #tpu.memory_space<vmem>>
      %dma_wait3A_1233 = arith.constant 0 : i32
      %dma_wait3A_1234 = arith.constant 0 : i32
      %dma_wait3A_1235 = tpu.memref_slice %arg2[%dma_wait3A_1233, %dma_wait3A_1234] : memref<1769472x4xf32, #tpu.memory_space<hbm>> -> memref<1769472x4xf32, #tpu.memory_space<hbm>>
      tpu.wait_indirect_dma semaphore(%arg13 : memref<!tpu.dma_semaphore, #tpu.memory_space<semaphore_mem>>) src(%dma_wait3A_1235 : memref<1769472x4xf32, #tpu.memory_space<hbm>>) dst(%dma_wait3A_1229 : memref<128x4xf32, #tpu.memory_space<vmem>>)
      %dma_wait3A_1236 = arith.constant 2 : i32
      %dma_wait3A_1237 = arith.constant 7 : i32
      %dma_wait3A_1238 = arith.constant 2 : i32
      %dma_wait3A_1239 = arith.constant 7 : i32
      %dma_wait3A_1240 = arith.constant 0 : i32
      %dma_wait3A_1241 = arith.constant 0 : i32
      %dma_wait3A_1242 = tpu.memref_slice %arg11[%dma_wait3A_1238, %dma_wait3A_1239, %dma_wait3A_1240, %dma_wait3A_1241] : memref<8x8x128x4xf32, #tpu.memory_space<vmem>> -> memref<1x1x128x4xf32, #tpu.memory_space<vmem>>
      %dma_wait3A_1243 = tpu.memref_squeeze %dma_wait3A_1242 : memref<1x1x128x4xf32, #tpu.memory_space<vmem>> -> memref<128x4xf32, #tpu.memory_space<vmem>>
      %dma_wait3A_1244 = arith.constant 0 : i32
      %dma_wait3A_1245 = tpu.memref_slice %arg10[%dma_wait3A_1236, %dma_wait3A_1237, %dma_wait3A_1244] : memref<8x8x128xi32, #tpu.memory_space<vmem>> -> memref<1x1x128xi32, #tpu.memory_space<vmem>>
      %dma_wait3A_1246 = tpu.memref_squeeze %dma_wait3A_1245 : memref<1x1x128xi32, #tpu.memory_space<vmem>> -> memref<128xi32, #tpu.memory_space<vmem>>
      %dma_wait3A_1247 = arith.constant 0 : i32
      %dma_wait3A_1248 = arith.constant 0 : i32
      %dma_wait3A_1249 = tpu.memref_slice %arg2[%dma_wait3A_1247, %dma_wait3A_1248] : memref<1769472x4xf32, #tpu.memory_space<hbm>> -> memref<1769472x4xf32, #tpu.memory_space<hbm>>
      tpu.wait_indirect_dma semaphore(%arg13 : memref<!tpu.dma_semaphore, #tpu.memory_space<semaphore_mem>>) src(%dma_wait3A_1249 : memref<1769472x4xf32, #tpu.memory_space<hbm>>) dst(%dma_wait3A_1243 : memref<128x4xf32, #tpu.memory_space<vmem>>)
      %dma_wait3A_1250 = arith.constant 3 : i32
      %dma_wait3A_1251 = arith.constant 0 : i32
      %dma_wait3A_1252 = arith.constant 3 : i32
      %dma_wait3A_1253 = arith.constant 0 : i32
      %dma_wait3A_1254 = arith.constant 0 : i32
      %dma_wait3A_1255 = arith.constant 0 : i32
      %dma_wait3A_1256 = tpu.memref_slice %arg11[%dma_wait3A_1252, %dma_wait3A_1253, %dma_wait3A_1254, %dma_wait3A_1255] : memref<8x8x128x4xf32, #tpu.memory_space<vmem>> -> memref<1x1x128x4xf32, #tpu.memory_space<vmem>>
      %dma_wait3A_1257 = tpu.memref_squeeze %dma_wait3A_1256 : memref<1x1x128x4xf32, #tpu.memory_space<vmem>> -> memref<128x4xf32, #tpu.memory_space<vmem>>
      %dma_wait3A_1258 = arith.constant 0 : i32
      %dma_wait3A_1259 = tpu.memref_slice %arg10[%dma_wait3A_1250, %dma_wait3A_1251, %dma_wait3A_1258] : memref<8x8x128xi32, #tpu.memory_space<vmem>> -> memref<1x1x128xi32, #tpu.memory_space<vmem>>
      %dma_wait3A_1260 = tpu.memref_squeeze %dma_wait3A_1259 : memref<1x1x128xi32, #tpu.memory_space<vmem>> -> memref<128xi32, #tpu.memory_space<vmem>>
      %dma_wait3A_1261 = arith.constant 0 : i32
      %dma_wait3A_1262 = arith.constant 0 : i32
      %dma_wait3A_1263 = tpu.memref_slice %arg2[%dma_wait3A_1261, %dma_wait3A_1262] : memref<1769472x4xf32, #tpu.memory_space<hbm>> -> memref<1769472x4xf32, #tpu.memory_space<hbm>>
      tpu.wait_indirect_dma semaphore(%arg13 : memref<!tpu.dma_semaphore, #tpu.memory_space<semaphore_mem>>) src(%dma_wait3A_1263 : memref<1769472x4xf32, #tpu.memory_space<hbm>>) dst(%dma_wait3A_1257 : memref<128x4xf32, #tpu.memory_space<vmem>>)
      %dma_wait3A_1264 = arith.constant 3 : i32
      %dma_wait3A_1265 = arith.constant 1 : i32
      %dma_wait3A_1266 = arith.constant 3 : i32
      %dma_wait3A_1267 = arith.constant 1 : i32
      %dma_wait3A_1268 = arith.constant 0 : i32
      %dma_wait3A_1269 = arith.constant 0 : i32
      %dma_wait3A_1270 = tpu.memref_slice %arg11[%dma_wait3A_1266, %dma_wait3A_1267, %dma_wait3A_1268, %dma_wait3A_1269] : memref<8x8x128x4xf32, #tpu.memory_space<vmem>> -> memref<1x1x128x4xf32, #tpu.memory_space<vmem>>
      %dma_wait3A_1271 = tpu.memref_squeeze %dma_wait3A_1270 : memref<1x1x128x4xf32, #tpu.memory_space<vmem>> -> memref<128x4xf32, #tpu.memory_space<vmem>>
      %dma_wait3A_1272 = arith.constant 0 : i32
      %dma_wait3A_1273 = tpu.memref_slice %arg10[%dma_wait3A_1264, %dma_wait3A_1265, %dma_wait3A_1272] : memref<8x8x128xi32, #tpu.memory_space<vmem>> -> memref<1x1x128xi32, #tpu.memory_space<vmem>>
      %dma_wait3A_1274 = tpu.memref_squeeze %dma_wait3A_1273 : memref<1x1x128xi32, #tpu.memory_space<vmem>> -> memref<128xi32, #tpu.memory_space<vmem>>
      %dma_wait3A_1275 = arith.constant 0 : i32
      %dma_wait3A_1276 = arith.constant 0 : i32
      %dma_wait3A_1277 = tpu.memref_slice %arg2[%dma_wait3A_1275, %dma_wait3A_1276] : memref<1769472x4xf32, #tpu.memory_space<hbm>> -> memref<1769472x4xf32, #tpu.memory_space<hbm>>
      tpu.wait_indirect_dma semaphore(%arg13 : memref<!tpu.dma_semaphore, #tpu.memory_space<semaphore_mem>>) src(%dma_wait3A_1277 : memref<1769472x4xf32, #tpu.memory_space<hbm>>) dst(%dma_wait3A_1271 : memref<128x4xf32, #tpu.memory_space<vmem>>)
      %dma_wait3A_1278 = arith.constant 3 : i32
      %dma_wait3A_1279 = arith.constant 2 : i32
      %dma_wait3A_1280 = arith.constant 3 : i32
      %dma_wait3A_1281 = arith.constant 2 : i32
      %dma_wait3A_1282 = arith.constant 0 : i32
      %dma_wait3A_1283 = arith.constant 0 : i32
      %dma_wait3A_1284 = tpu.memref_slice %arg11[%dma_wait3A_1280, %dma_wait3A_1281, %dma_wait3A_1282, %dma_wait3A_1283] : memref<8x8x128x4xf32, #tpu.memory_space<vmem>> -> memref<1x1x128x4xf32, #tpu.memory_space<vmem>>
      %dma_wait3A_1285 = tpu.memref_squeeze %dma_wait3A_1284 : memref<1x1x128x4xf32, #tpu.memory_space<vmem>> -> memref<128x4xf32, #tpu.memory_space<vmem>>
      %dma_wait3A_1286 = arith.constant 0 : i32
      %dma_wait3A_1287 = tpu.memref_slice %arg10[%dma_wait3A_1278, %dma_wait3A_1279, %dma_wait3A_1286] : memref<8x8x128xi32, #tpu.memory_space<vmem>> -> memref<1x1x128xi32, #tpu.memory_space<vmem>>
      %dma_wait3A_1288 = tpu.memref_squeeze %dma_wait3A_1287 : memref<1x1x128xi32, #tpu.memory_space<vmem>> -> memref<128xi32, #tpu.memory_space<vmem>>
      %dma_wait3A_1289 = arith.constant 0 : i32
      %dma_wait3A_1290 = arith.constant 0 : i32
      %dma_wait3A_1291 = tpu.memref_slice %arg2[%dma_wait3A_1289, %dma_wait3A_1290] : memref<1769472x4xf32, #tpu.memory_space<hbm>> -> memref<1769472x4xf32, #tpu.memory_space<hbm>>
      tpu.wait_indirect_dma semaphore(%arg13 : memref<!tpu.dma_semaphore, #tpu.memory_space<semaphore_mem>>) src(%dma_wait3A_1291 : memref<1769472x4xf32, #tpu.memory_space<hbm>>) dst(%dma_wait3A_1285 : memref<128x4xf32, #tpu.memory_space<vmem>>)
      %dma_wait3A_1292 = arith.constant 3 : i32
      %dma_wait3A_1293 = arith.constant 3 : i32
      %dma_wait3A_1294 = arith.constant 3 : i32
      %dma_wait3A_1295 = arith.constant 3 : i32
      %dma_wait3A_1296 = arith.constant 0 : i32
      %dma_wait3A_1297 = arith.constant 0 : i32
      %dma_wait3A_1298 = tpu.memref_slice %arg11[%dma_wait3A_1294, %dma_wait3A_1295, %dma_wait3A_1296, %dma_wait3A_1297] : memref<8x8x128x4xf32, #tpu.memory_space<vmem>> -> memref<1x1x128x4xf32, #tpu.memory_space<vmem>>
      %dma_wait3A_1299 = tpu.memref_squeeze %dma_wait3A_1298 : memref<1x1x128x4xf32, #tpu.memory_space<vmem>> -> memref<128x4xf32, #tpu.memory_space<vmem>>
      %dma_wait3A_1300 = arith.constant 0 : i32
      %dma_wait3A_1301 = tpu.memref_slice %arg10[%dma_wait3A_1292, %dma_wait3A_1293, %dma_wait3A_1300] : memref<8x8x128xi32, #tpu.memory_space<vmem>> -> memref<1x1x128xi32, #tpu.memory_space<vmem>>
      %dma_wait3A_1302 = tpu.memref_squeeze %dma_wait3A_1301 : memref<1x1x128xi32, #tpu.memory_space<vmem>> -> memref<128xi32, #tpu.memory_space<vmem>>
      %dma_wait3A_1303 = arith.constant 0 : i32
      %dma_wait3A_1304 = arith.constant 0 : i32
      %dma_wait3A_1305 = tpu.memref_slice %arg2[%dma_wait3A_1303, %dma_wait3A_1304] : memref<1769472x4xf32, #tpu.memory_space<hbm>> -> memref<1769472x4xf32, #tpu.memory_space<hbm>>
      tpu.wait_indirect_dma semaphore(%arg13 : memref<!tpu.dma_semaphore, #tpu.memory_space<semaphore_mem>>) src(%dma_wait3A_1305 : memref<1769472x4xf32, #tpu.memory_space<hbm>>) dst(%dma_wait3A_1299 : memref<128x4xf32, #tpu.memory_space<vmem>>)
      %dma_wait3A_1306 = arith.constant 3 : i32
      %dma_wait3A_1307 = arith.constant 4 : i32
      %dma_wait3A_1308 = arith.constant 3 : i32
      %dma_wait3A_1309 = arith.constant 4 : i32
      %dma_wait3A_1310 = arith.constant 0 : i32
      %dma_wait3A_1311 = arith.constant 0 : i32
      %dma_wait3A_1312 = tpu.memref_slice %arg11[%dma_wait3A_1308, %dma_wait3A_1309, %dma_wait3A_1310, %dma_wait3A_1311] : memref<8x8x128x4xf32, #tpu.memory_space<vmem>> -> memref<1x1x128x4xf32, #tpu.memory_space<vmem>>
      %dma_wait3A_1313 = tpu.memref_squeeze %dma_wait3A_1312 : memref<1x1x128x4xf32, #tpu.memory_space<vmem>> -> memref<128x4xf32, #tpu.memory_space<vmem>>
      %dma_wait3A_1314 = arith.constant 0 : i32
      %dma_wait3A_1315 = tpu.memref_slice %arg10[%dma_wait3A_1306, %dma_wait3A_1307, %dma_wait3A_1314] : memref<8x8x128xi32, #tpu.memory_space<vmem>> -> memref<1x1x128xi32, #tpu.memory_space<vmem>>
      %dma_wait3A_1316 = tpu.memref_squeeze %dma_wait3A_1315 : memref<1x1x128xi32, #tpu.memory_space<vmem>> -> memref<128xi32, #tpu.memory_space<vmem>>
      %dma_wait3A_1317 = arith.constant 0 : i32
      %dma_wait3A_1318 = arith.constant 0 : i32
      %dma_wait3A_1319 = tpu.memref_slice %arg2[%dma_wait3A_1317, %dma_wait3A_1318] : memref<1769472x4xf32, #tpu.memory_space<hbm>> -> memref<1769472x4xf32, #tpu.memory_space<hbm>>
      tpu.wait_indirect_dma semaphore(%arg13 : memref<!tpu.dma_semaphore, #tpu.memory_space<semaphore_mem>>) src(%dma_wait3A_1319 : memref<1769472x4xf32, #tpu.memory_space<hbm>>) dst(%dma_wait3A_1313 : memref<128x4xf32, #tpu.memory_space<vmem>>)
      %dma_wait3A_1320 = arith.constant 3 : i32
      %dma_wait3A_1321 = arith.constant 5 : i32
      %dma_wait3A_1322 = arith.constant 3 : i32
      %dma_wait3A_1323 = arith.constant 5 : i32
      %dma_wait3A_1324 = arith.constant 0 : i32
      %dma_wait3A_1325 = arith.constant 0 : i32
      %dma_wait3A_1326 = tpu.memref_slice %arg11[%dma_wait3A_1322, %dma_wait3A_1323, %dma_wait3A_1324, %dma_wait3A_1325] : memref<8x8x128x4xf32, #tpu.memory_space<vmem>> -> memref<1x1x128x4xf32, #tpu.memory_space<vmem>>
      %dma_wait3A_1327 = tpu.memref_squeeze %dma_wait3A_1326 : memref<1x1x128x4xf32, #tpu.memory_space<vmem>> -> memref<128x4xf32, #tpu.memory_space<vmem>>
      %dma_wait3A_1328 = arith.constant 0 : i32
      %dma_wait3A_1329 = tpu.memref_slice %arg10[%dma_wait3A_1320, %dma_wait3A_1321, %dma_wait3A_1328] : memref<8x8x128xi32, #tpu.memory_space<vmem>> -> memref<1x1x128xi32, #tpu.memory_space<vmem>>
      %dma_wait3A_1330 = tpu.memref_squeeze %dma_wait3A_1329 : memref<1x1x128xi32, #tpu.memory_space<vmem>> -> memref<128xi32, #tpu.memory_space<vmem>>
      %dma_wait3A_1331 = arith.constant 0 : i32
      %dma_wait3A_1332 = arith.constant 0 : i32
      %dma_wait3A_1333 = tpu.memref_slice %arg2[%dma_wait3A_1331, %dma_wait3A_1332] : memref<1769472x4xf32, #tpu.memory_space<hbm>> -> memref<1769472x4xf32, #tpu.memory_space<hbm>>
      tpu.wait_indirect_dma semaphore(%arg13 : memref<!tpu.dma_semaphore, #tpu.memory_space<semaphore_mem>>) src(%dma_wait3A_1333 : memref<1769472x4xf32, #tpu.memory_space<hbm>>) dst(%dma_wait3A_1327 : memref<128x4xf32, #tpu.memory_space<vmem>>)
      %dma_wait3A_1334 = arith.constant 3 : i32
      %dma_wait3A_1335 = arith.constant 6 : i32
      %dma_wait3A_1336 = arith.constant 3 : i32
      %dma_wait3A_1337 = arith.constant 6 : i32
      %dma_wait3A_1338 = arith.constant 0 : i32
      %dma_wait3A_1339 = arith.constant 0 : i32
      %dma_wait3A_1340 = tpu.memref_slice %arg11[%dma_wait3A_1336, %dma_wait3A_1337, %dma_wait3A_1338, %dma_wait3A_1339] : memref<8x8x128x4xf32, #tpu.memory_space<vmem>> -> memref<1x1x128x4xf32, #tpu.memory_space<vmem>>
      %dma_wait3A_1341 = tpu.memref_squeeze %dma_wait3A_1340 : memref<1x1x128x4xf32, #tpu.memory_space<vmem>> -> memref<128x4xf32, #tpu.memory_space<vmem>>
      %dma_wait3A_1342 = arith.constant 0 : i32
      %dma_wait3A_1343 = tpu.memref_slice %arg10[%dma_wait3A_1334, %dma_wait3A_1335, %dma_wait3A_1342] : memref<8x8x128xi32, #tpu.memory_space<vmem>> -> memref<1x1x128xi32, #tpu.memory_space<vmem>>
      %dma_wait3A_1344 = tpu.memref_squeeze %dma_wait3A_1343 : memref<1x1x128xi32, #tpu.memory_space<vmem>> -> memref<128xi32, #tpu.memory_space<vmem>>
      %dma_wait3A_1345 = arith.constant 0 : i32
      %dma_wait3A_1346 = arith.constant 0 : i32
      %dma_wait3A_1347 = tpu.memref_slice %arg2[%dma_wait3A_1345, %dma_wait3A_1346] : memref<1769472x4xf32, #tpu.memory_space<hbm>> -> memref<1769472x4xf32, #tpu.memory_space<hbm>>
      tpu.wait_indirect_dma semaphore(%arg13 : memref<!tpu.dma_semaphore, #tpu.memory_space<semaphore_mem>>) src(%dma_wait3A_1347 : memref<1769472x4xf32, #tpu.memory_space<hbm>>) dst(%dma_wait3A_1341 : memref<128x4xf32, #tpu.memory_space<vmem>>)
      %dma_wait3A_1348 = arith.constant 3 : i32
      %dma_wait3A_1349 = arith.constant 7 : i32
      %dma_wait3A_1350 = arith.constant 3 : i32
      %dma_wait3A_1351 = arith.constant 7 : i32
      %dma_wait3A_1352 = arith.constant 0 : i32
      %dma_wait3A_1353 = arith.constant 0 : i32
      %dma_wait3A_1354 = tpu.memref_slice %arg11[%dma_wait3A_1350, %dma_wait3A_1351, %dma_wait3A_1352, %dma_wait3A_1353] : memref<8x8x128x4xf32, #tpu.memory_space<vmem>> -> memref<1x1x128x4xf32, #tpu.memory_space<vmem>>
      %dma_wait3A_1355 = tpu.memref_squeeze %dma_wait3A_1354 : memref<1x1x128x4xf32, #tpu.memory_space<vmem>> -> memref<128x4xf32, #tpu.memory_space<vmem>>
      %dma_wait3A_1356 = arith.constant 0 : i32
      %dma_wait3A_1357 = tpu.memref_slice %arg10[%dma_wait3A_1348, %dma_wait3A_1349, %dma_wait3A_1356] : memref<8x8x128xi32, #tpu.memory_space<vmem>> -> memref<1x1x128xi32, #tpu.memory_space<vmem>>
      %dma_wait3A_1358 = tpu.memref_squeeze %dma_wait3A_1357 : memref<1x1x128xi32, #tpu.memory_space<vmem>> -> memref<128xi32, #tpu.memory_space<vmem>>
      %dma_wait3A_1359 = arith.constant 0 : i32
      %dma_wait3A_1360 = arith.constant 0 : i32
      %dma_wait3A_1361 = tpu.memref_slice %arg2[%dma_wait3A_1359, %dma_wait3A_1360] : memref<1769472x4xf32, #tpu.memory_space<hbm>> -> memref<1769472x4xf32, #tpu.memory_space<hbm>>
      tpu.wait_indirect_dma semaphore(%arg13 : memref<!tpu.dma_semaphore, #tpu.memory_space<semaphore_mem>>) src(%dma_wait3A_1361 : memref<1769472x4xf32, #tpu.memory_space<hbm>>) dst(%dma_wait3A_1355 : memref<128x4xf32, #tpu.memory_space<vmem>>)
      %dma_wait3A_1362 = arith.constant 4 : i32
      %dma_wait3A_1363 = arith.constant 0 : i32
      %dma_wait3A_1364 = arith.constant 4 : i32
      %dma_wait3A_1365 = arith.constant 0 : i32
      %dma_wait3A_1366 = arith.constant 0 : i32
      %dma_wait3A_1367 = arith.constant 0 : i32
      %dma_wait3A_1368 = tpu.memref_slice %arg11[%dma_wait3A_1364, %dma_wait3A_1365, %dma_wait3A_1366, %dma_wait3A_1367] : memref<8x8x128x4xf32, #tpu.memory_space<vmem>> -> memref<1x1x128x4xf32, #tpu.memory_space<vmem>>
      %dma_wait3A_1369 = tpu.memref_squeeze %dma_wait3A_1368 : memref<1x1x128x4xf32, #tpu.memory_space<vmem>> -> memref<128x4xf32, #tpu.memory_space<vmem>>
      %dma_wait3A_1370 = arith.constant 0 : i32
      %dma_wait3A_1371 = tpu.memref_slice %arg10[%dma_wait3A_1362, %dma_wait3A_1363, %dma_wait3A_1370] : memref<8x8x128xi32, #tpu.memory_space<vmem>> -> memref<1x1x128xi32, #tpu.memory_space<vmem>>
      %dma_wait3A_1372 = tpu.memref_squeeze %dma_wait3A_1371 : memref<1x1x128xi32, #tpu.memory_space<vmem>> -> memref<128xi32, #tpu.memory_space<vmem>>
      %dma_wait3A_1373 = arith.constant 0 : i32
      %dma_wait3A_1374 = arith.constant 0 : i32
      %dma_wait3A_1375 = tpu.memref_slice %arg2[%dma_wait3A_1373, %dma_wait3A_1374] : memref<1769472x4xf32, #tpu.memory_space<hbm>> -> memref<1769472x4xf32, #tpu.memory_space<hbm>>
      tpu.wait_indirect_dma semaphore(%arg13 : memref<!tpu.dma_semaphore, #tpu.memory_space<semaphore_mem>>) src(%dma_wait3A_1375 : memref<1769472x4xf32, #tpu.memory_space<hbm>>) dst(%dma_wait3A_1369 : memref<128x4xf32, #tpu.memory_space<vmem>>)
      %dma_wait3A_1376 = arith.constant 4 : i32
      %dma_wait3A_1377 = arith.constant 1 : i32
      %dma_wait3A_1378 = arith.constant 4 : i32
      %dma_wait3A_1379 = arith.constant 1 : i32
      %dma_wait3A_1380 = arith.constant 0 : i32
      %dma_wait3A_1381 = arith.constant 0 : i32
      %dma_wait3A_1382 = tpu.memref_slice %arg11[%dma_wait3A_1378, %dma_wait3A_1379, %dma_wait3A_1380, %dma_wait3A_1381] : memref<8x8x128x4xf32, #tpu.memory_space<vmem>> -> memref<1x1x128x4xf32, #tpu.memory_space<vmem>>
      %dma_wait3A_1383 = tpu.memref_squeeze %dma_wait3A_1382 : memref<1x1x128x4xf32, #tpu.memory_space<vmem>> -> memref<128x4xf32, #tpu.memory_space<vmem>>
      %dma_wait3A_1384 = arith.constant 0 : i32
      %dma_wait3A_1385 = tpu.memref_slice %arg10[%dma_wait3A_1376, %dma_wait3A_1377, %dma_wait3A_1384] : memref<8x8x128xi32, #tpu.memory_space<vmem>> -> memref<1x1x128xi32, #tpu.memory_space<vmem>>
      %dma_wait3A_1386 = tpu.memref_squeeze %dma_wait3A_1385 : memref<1x1x128xi32, #tpu.memory_space<vmem>> -> memref<128xi32, #tpu.memory_space<vmem>>
      %dma_wait3A_1387 = arith.constant 0 : i32
      %dma_wait3A_1388 = arith.constant 0 : i32
      %dma_wait3A_1389 = tpu.memref_slice %arg2[%dma_wait3A_1387, %dma_wait3A_1388] : memref<1769472x4xf32, #tpu.memory_space<hbm>> -> memref<1769472x4xf32, #tpu.memory_space<hbm>>
      tpu.wait_indirect_dma semaphore(%arg13 : memref<!tpu.dma_semaphore, #tpu.memory_space<semaphore_mem>>) src(%dma_wait3A_1389 : memref<1769472x4xf32, #tpu.memory_space<hbm>>) dst(%dma_wait3A_1383 : memref<128x4xf32, #tpu.memory_space<vmem>>)
      %dma_wait3A_1390 = arith.constant 4 : i32
      %dma_wait3A_1391 = arith.constant 2 : i32
      %dma_wait3A_1392 = arith.constant 4 : i32
      %dma_wait3A_1393 = arith.constant 2 : i32
      %dma_wait3A_1394 = arith.constant 0 : i32
      %dma_wait3A_1395 = arith.constant 0 : i32
      %dma_wait3A_1396 = tpu.memref_slice %arg11[%dma_wait3A_1392, %dma_wait3A_1393, %dma_wait3A_1394, %dma_wait3A_1395] : memref<8x8x128x4xf32, #tpu.memory_space<vmem>> -> memref<1x1x128x4xf32, #tpu.memory_space<vmem>>
      %dma_wait3A_1397 = tpu.memref_squeeze %dma_wait3A_1396 : memref<1x1x128x4xf32, #tpu.memory_space<vmem>> -> memref<128x4xf32, #tpu.memory_space<vmem>>
      %dma_wait3A_1398 = arith.constant 0 : i32
      %dma_wait3A_1399 = tpu.memref_slice %arg10[%dma_wait3A_1390, %dma_wait3A_1391, %dma_wait3A_1398] : memref<8x8x128xi32, #tpu.memory_space<vmem>> -> memref<1x1x128xi32, #tpu.memory_space<vmem>>
      %dma_wait3A_1400 = tpu.memref_squeeze %dma_wait3A_1399 : memref<1x1x128xi32, #tpu.memory_space<vmem>> -> memref<128xi32, #tpu.memory_space<vmem>>
      %dma_wait3A_1401 = arith.constant 0 : i32
      %dma_wait3A_1402 = arith.constant 0 : i32
      %dma_wait3A_1403 = tpu.memref_slice %arg2[%dma_wait3A_1401, %dma_wait3A_1402] : memref<1769472x4xf32, #tpu.memory_space<hbm>> -> memref<1769472x4xf32, #tpu.memory_space<hbm>>
      tpu.wait_indirect_dma semaphore(%arg13 : memref<!tpu.dma_semaphore, #tpu.memory_space<semaphore_mem>>) src(%dma_wait3A_1403 : memref<1769472x4xf32, #tpu.memory_space<hbm>>) dst(%dma_wait3A_1397 : memref<128x4xf32, #tpu.memory_space<vmem>>)
      %dma_wait3A_1404 = arith.constant 4 : i32
      %dma_wait3A_1405 = arith.constant 3 : i32
      %dma_wait3A_1406 = arith.constant 4 : i32
      %dma_wait3A_1407 = arith.constant 3 : i32
      %dma_wait3A_1408 = arith.constant 0 : i32
      %dma_wait3A_1409 = arith.constant 0 : i32
      %dma_wait3A_1410 = tpu.memref_slice %arg11[%dma_wait3A_1406, %dma_wait3A_1407, %dma_wait3A_1408, %dma_wait3A_1409] : memref<8x8x128x4xf32, #tpu.memory_space<vmem>> -> memref<1x1x128x4xf32, #tpu.memory_space<vmem>>
      %dma_wait3A_1411 = tpu.memref_squeeze %dma_wait3A_1410 : memref<1x1x128x4xf32, #tpu.memory_space<vmem>> -> memref<128x4xf32, #tpu.memory_space<vmem>>
      %dma_wait3A_1412 = arith.constant 0 : i32
      %dma_wait3A_1413 = tpu.memref_slice %arg10[%dma_wait3A_1404, %dma_wait3A_1405, %dma_wait3A_1412] : memref<8x8x128xi32, #tpu.memory_space<vmem>> -> memref<1x1x128xi32, #tpu.memory_space<vmem>>
      %dma_wait3A_1414 = tpu.memref_squeeze %dma_wait3A_1413 : memref<1x1x128xi32, #tpu.memory_space<vmem>> -> memref<128xi32, #tpu.memory_space<vmem>>
      %dma_wait3A_1415 = arith.constant 0 : i32
      %dma_wait3A_1416 = arith.constant 0 : i32
      %dma_wait3A_1417 = tpu.memref_slice %arg2[%dma_wait3A_1415, %dma_wait3A_1416] : memref<1769472x4xf32, #tpu.memory_space<hbm>> -> memref<1769472x4xf32, #tpu.memory_space<hbm>>
      tpu.wait_indirect_dma semaphore(%arg13 : memref<!tpu.dma_semaphore, #tpu.memory_space<semaphore_mem>>) src(%dma_wait3A_1417 : memref<1769472x4xf32, #tpu.memory_space<hbm>>) dst(%dma_wait3A_1411 : memref<128x4xf32, #tpu.memory_space<vmem>>)
      %dma_wait3A_1418 = arith.constant 4 : i32
      %dma_wait3A_1419 = arith.constant 4 : i32
      %dma_wait3A_1420 = arith.constant 4 : i32
      %dma_wait3A_1421 = arith.constant 4 : i32
      %dma_wait3A_1422 = arith.constant 0 : i32
      %dma_wait3A_1423 = arith.constant 0 : i32
      %dma_wait3A_1424 = tpu.memref_slice %arg11[%dma_wait3A_1420, %dma_wait3A_1421, %dma_wait3A_1422, %dma_wait3A_1423] : memref<8x8x128x4xf32, #tpu.memory_space<vmem>> -> memref<1x1x128x4xf32, #tpu.memory_space<vmem>>
      %dma_wait3A_1425 = tpu.memref_squeeze %dma_wait3A_1424 : memref<1x1x128x4xf32, #tpu.memory_space<vmem>> -> memref<128x4xf32, #tpu.memory_space<vmem>>
      %dma_wait3A_1426 = arith.constant 0 : i32
      %dma_wait3A_1427 = tpu.memref_slice %arg10[%dma_wait3A_1418, %dma_wait3A_1419, %dma_wait3A_1426] : memref<8x8x128xi32, #tpu.memory_space<vmem>> -> memref<1x1x128xi32, #tpu.memory_space<vmem>>
      %dma_wait3A_1428 = tpu.memref_squeeze %dma_wait3A_1427 : memref<1x1x128xi32, #tpu.memory_space<vmem>> -> memref<128xi32, #tpu.memory_space<vmem>>
      %dma_wait3A_1429 = arith.constant 0 : i32
      %dma_wait3A_1430 = arith.constant 0 : i32
      %dma_wait3A_1431 = tpu.memref_slice %arg2[%dma_wait3A_1429, %dma_wait3A_1430] : memref<1769472x4xf32, #tpu.memory_space<hbm>> -> memref<1769472x4xf32, #tpu.memory_space<hbm>>
      tpu.wait_indirect_dma semaphore(%arg13 : memref<!tpu.dma_semaphore, #tpu.memory_space<semaphore_mem>>) src(%dma_wait3A_1431 : memref<1769472x4xf32, #tpu.memory_space<hbm>>) dst(%dma_wait3A_1425 : memref<128x4xf32, #tpu.memory_space<vmem>>)
      %dma_wait3A_1432 = arith.constant 4 : i32
      %dma_wait3A_1433 = arith.constant 5 : i32
      %dma_wait3A_1434 = arith.constant 4 : i32
      %dma_wait3A_1435 = arith.constant 5 : i32
      %dma_wait3A_1436 = arith.constant 0 : i32
      %dma_wait3A_1437 = arith.constant 0 : i32
      %dma_wait3A_1438 = tpu.memref_slice %arg11[%dma_wait3A_1434, %dma_wait3A_1435, %dma_wait3A_1436, %dma_wait3A_1437] : memref<8x8x128x4xf32, #tpu.memory_space<vmem>> -> memref<1x1x128x4xf32, #tpu.memory_space<vmem>>
      %dma_wait3A_1439 = tpu.memref_squeeze %dma_wait3A_1438 : memref<1x1x128x4xf32, #tpu.memory_space<vmem>> -> memref<128x4xf32, #tpu.memory_space<vmem>>
      %dma_wait3A_1440 = arith.constant 0 : i32
      %dma_wait3A_1441 = tpu.memref_slice %arg10[%dma_wait3A_1432, %dma_wait3A_1433, %dma_wait3A_1440] : memref<8x8x128xi32, #tpu.memory_space<vmem>> -> memref<1x1x128xi32, #tpu.memory_space<vmem>>
      %dma_wait3A_1442 = tpu.memref_squeeze %dma_wait3A_1441 : memref<1x1x128xi32, #tpu.memory_space<vmem>> -> memref<128xi32, #tpu.memory_space<vmem>>
      %dma_wait3A_1443 = arith.constant 0 : i32
      %dma_wait3A_1444 = arith.constant 0 : i32
      %dma_wait3A_1445 = tpu.memref_slice %arg2[%dma_wait3A_1443, %dma_wait3A_1444] : memref<1769472x4xf32, #tpu.memory_space<hbm>> -> memref<1769472x4xf32, #tpu.memory_space<hbm>>
      tpu.wait_indirect_dma semaphore(%arg13 : memref<!tpu.dma_semaphore, #tpu.memory_space<semaphore_mem>>) src(%dma_wait3A_1445 : memref<1769472x4xf32, #tpu.memory_space<hbm>>) dst(%dma_wait3A_1439 : memref<128x4xf32, #tpu.memory_space<vmem>>)
      %dma_wait3A_1446 = arith.constant 4 : i32
      %dma_wait3A_1447 = arith.constant 6 : i32
      %dma_wait3A_1448 = arith.constant 4 : i32
      %dma_wait3A_1449 = arith.constant 6 : i32
      %dma_wait3A_1450 = arith.constant 0 : i32
      %dma_wait3A_1451 = arith.constant 0 : i32
      %dma_wait3A_1452 = tpu.memref_slice %arg11[%dma_wait3A_1448, %dma_wait3A_1449, %dma_wait3A_1450, %dma_wait3A_1451] : memref<8x8x128x4xf32, #tpu.memory_space<vmem>> -> memref<1x1x128x4xf32, #tpu.memory_space<vmem>>
      %dma_wait3A_1453 = tpu.memref_squeeze %dma_wait3A_1452 : memref<1x1x128x4xf32, #tpu.memory_space<vmem>> -> memref<128x4xf32, #tpu.memory_space<vmem>>
      %dma_wait3A_1454 = arith.constant 0 : i32
      %dma_wait3A_1455 = tpu.memref_slice %arg10[%dma_wait3A_1446, %dma_wait3A_1447, %dma_wait3A_1454] : memref<8x8x128xi32, #tpu.memory_space<vmem>> -> memref<1x1x128xi32, #tpu.memory_space<vmem>>
      %dma_wait3A_1456 = tpu.memref_squeeze %dma_wait3A_1455 : memref<1x1x128xi32, #tpu.memory_space<vmem>> -> memref<128xi32, #tpu.memory_space<vmem>>
      %dma_wait3A_1457 = arith.constant 0 : i32
      %dma_wait3A_1458 = arith.constant 0 : i32
      %dma_wait3A_1459 = tpu.memref_slice %arg2[%dma_wait3A_1457, %dma_wait3A_1458] : memref<1769472x4xf32, #tpu.memory_space<hbm>> -> memref<1769472x4xf32, #tpu.memory_space<hbm>>
      tpu.wait_indirect_dma semaphore(%arg13 : memref<!tpu.dma_semaphore, #tpu.memory_space<semaphore_mem>>) src(%dma_wait3A_1459 : memref<1769472x4xf32, #tpu.memory_space<hbm>>) dst(%dma_wait3A_1453 : memref<128x4xf32, #tpu.memory_space<vmem>>)
      %dma_wait3A_1460 = arith.constant 4 : i32
      %dma_wait3A_1461 = arith.constant 7 : i32
      %dma_wait3A_1462 = arith.constant 4 : i32
      %dma_wait3A_1463 = arith.constant 7 : i32
      %dma_wait3A_1464 = arith.constant 0 : i32
      %dma_wait3A_1465 = arith.constant 0 : i32
      %dma_wait3A_1466 = tpu.memref_slice %arg11[%dma_wait3A_1462, %dma_wait3A_1463, %dma_wait3A_1464, %dma_wait3A_1465] : memref<8x8x128x4xf32, #tpu.memory_space<vmem>> -> memref<1x1x128x4xf32, #tpu.memory_space<vmem>>
      %dma_wait3A_1467 = tpu.memref_squeeze %dma_wait3A_1466 : memref<1x1x128x4xf32, #tpu.memory_space<vmem>> -> memref<128x4xf32, #tpu.memory_space<vmem>>
      %dma_wait3A_1468 = arith.constant 0 : i32
      %dma_wait3A_1469 = tpu.memref_slice %arg10[%dma_wait3A_1460, %dma_wait3A_1461, %dma_wait3A_1468] : memref<8x8x128xi32, #tpu.memory_space<vmem>> -> memref<1x1x128xi32, #tpu.memory_space<vmem>>
      %dma_wait3A_1470 = tpu.memref_squeeze %dma_wait3A_1469 : memref<1x1x128xi32, #tpu.memory_space<vmem>> -> memref<128xi32, #tpu.memory_space<vmem>>
      %dma_wait3A_1471 = arith.constant 0 : i32
      %dma_wait3A_1472 = arith.constant 0 : i32
      %dma_wait3A_1473 = tpu.memref_slice %arg2[%dma_wait3A_1471, %dma_wait3A_1472] : memref<1769472x4xf32, #tpu.memory_space<hbm>> -> memref<1769472x4xf32, #tpu.memory_space<hbm>>
      tpu.wait_indirect_dma semaphore(%arg13 : memref<!tpu.dma_semaphore, #tpu.memory_space<semaphore_mem>>) src(%dma_wait3A_1473 : memref<1769472x4xf32, #tpu.memory_space<hbm>>) dst(%dma_wait3A_1467 : memref<128x4xf32, #tpu.memory_space<vmem>>)
      %dma_wait3A_1474 = arith.constant 5 : i32
      %dma_wait3A_1475 = arith.constant 0 : i32
      %dma_wait3A_1476 = arith.constant 5 : i32
      %dma_wait3A_1477 = arith.constant 0 : i32
      %dma_wait3A_1478 = arith.constant 0 : i32
      %dma_wait3A_1479 = arith.constant 0 : i32
      %dma_wait3A_1480 = tpu.memref_slice %arg11[%dma_wait3A_1476, %dma_wait3A_1477, %dma_wait3A_1478, %dma_wait3A_1479] : memref<8x8x128x4xf32, #tpu.memory_space<vmem>> -> memref<1x1x128x4xf32, #tpu.memory_space<vmem>>
      %dma_wait3A_1481 = tpu.memref_squeeze %dma_wait3A_1480 : memref<1x1x128x4xf32, #tpu.memory_space<vmem>> -> memref<128x4xf32, #tpu.memory_space<vmem>>
      %dma_wait3A_1482 = arith.constant 0 : i32
      %dma_wait3A_1483 = tpu.memref_slice %arg10[%dma_wait3A_1474, %dma_wait3A_1475, %dma_wait3A_1482] : memref<8x8x128xi32, #tpu.memory_space<vmem>> -> memref<1x1x128xi32, #tpu.memory_space<vmem>>
      %dma_wait3A_1484 = tpu.memref_squeeze %dma_wait3A_1483 : memref<1x1x128xi32, #tpu.memory_space<vmem>> -> memref<128xi32, #tpu.memory_space<vmem>>
      %dma_wait3A_1485 = arith.constant 0 : i32
      %dma_wait3A_1486 = arith.constant 0 : i32
      %dma_wait3A_1487 = tpu.memref_slice %arg2[%dma_wait3A_1485, %dma_wait3A_1486] : memref<1769472x4xf32, #tpu.memory_space<hbm>> -> memref<1769472x4xf32, #tpu.memory_space<hbm>>
      tpu.wait_indirect_dma semaphore(%arg13 : memref<!tpu.dma_semaphore, #tpu.memory_space<semaphore_mem>>) src(%dma_wait3A_1487 : memref<1769472x4xf32, #tpu.memory_space<hbm>>) dst(%dma_wait3A_1481 : memref<128x4xf32, #tpu.memory_space<vmem>>)
      %dma_wait3A_1488 = arith.constant 5 : i32
      %dma_wait3A_1489 = arith.constant 1 : i32
      %dma_wait3A_1490 = arith.constant 5 : i32
      %dma_wait3A_1491 = arith.constant 1 : i32
      %dma_wait3A_1492 = arith.constant 0 : i32
      %dma_wait3A_1493 = arith.constant 0 : i32
      %dma_wait3A_1494 = tpu.memref_slice %arg11[%dma_wait3A_1490, %dma_wait3A_1491, %dma_wait3A_1492, %dma_wait3A_1493] : memref<8x8x128x4xf32, #tpu.memory_space<vmem>> -> memref<1x1x128x4xf32, #tpu.memory_space<vmem>>
      %dma_wait3A_1495 = tpu.memref_squeeze %dma_wait3A_1494 : memref<1x1x128x4xf32, #tpu.memory_space<vmem>> -> memref<128x4xf32, #tpu.memory_space<vmem>>
      %dma_wait3A_1496 = arith.constant 0 : i32
      %dma_wait3A_1497 = tpu.memref_slice %arg10[%dma_wait3A_1488, %dma_wait3A_1489, %dma_wait3A_1496] : memref<8x8x128xi32, #tpu.memory_space<vmem>> -> memref<1x1x128xi32, #tpu.memory_space<vmem>>
      %dma_wait3A_1498 = tpu.memref_squeeze %dma_wait3A_1497 : memref<1x1x128xi32, #tpu.memory_space<vmem>> -> memref<128xi32, #tpu.memory_space<vmem>>
      %dma_wait3A_1499 = arith.constant 0 : i32
      %dma_wait3A_1500 = arith.constant 0 : i32
      %dma_wait3A_1501 = tpu.memref_slice %arg2[%dma_wait3A_1499, %dma_wait3A_1500] : memref<1769472x4xf32, #tpu.memory_space<hbm>> -> memref<1769472x4xf32, #tpu.memory_space<hbm>>
      tpu.wait_indirect_dma semaphore(%arg13 : memref<!tpu.dma_semaphore, #tpu.memory_space<semaphore_mem>>) src(%dma_wait3A_1501 : memref<1769472x4xf32, #tpu.memory_space<hbm>>) dst(%dma_wait3A_1495 : memref<128x4xf32, #tpu.memory_space<vmem>>)
      %dma_wait3A_1502 = arith.constant 5 : i32
      %dma_wait3A_1503 = arith.constant 2 : i32
      %dma_wait3A_1504 = arith.constant 5 : i32
      %dma_wait3A_1505 = arith.constant 2 : i32
      %dma_wait3A_1506 = arith.constant 0 : i32
      %dma_wait3A_1507 = arith.constant 0 : i32
      %dma_wait3A_1508 = tpu.memref_slice %arg11[%dma_wait3A_1504, %dma_wait3A_1505, %dma_wait3A_1506, %dma_wait3A_1507] : memref<8x8x128x4xf32, #tpu.memory_space<vmem>> -> memref<1x1x128x4xf32, #tpu.memory_space<vmem>>
      %dma_wait3A_1509 = tpu.memref_squeeze %dma_wait3A_1508 : memref<1x1x128x4xf32, #tpu.memory_space<vmem>> -> memref<128x4xf32, #tpu.memory_space<vmem>>
      %dma_wait3A_1510 = arith.constant 0 : i32
      %dma_wait3A_1511 = tpu.memref_slice %arg10[%dma_wait3A_1502, %dma_wait3A_1503, %dma_wait3A_1510] : memref<8x8x128xi32, #tpu.memory_space<vmem>> -> memref<1x1x128xi32, #tpu.memory_space<vmem>>
      %dma_wait3A_1512 = tpu.memref_squeeze %dma_wait3A_1511 : memref<1x1x128xi32, #tpu.memory_space<vmem>> -> memref<128xi32, #tpu.memory_space<vmem>>
      %dma_wait3A_1513 = arith.constant 0 : i32
      %dma_wait3A_1514 = arith.constant 0 : i32
      %dma_wait3A_1515 = tpu.memref_slice %arg2[%dma_wait3A_1513, %dma_wait3A_1514] : memref<1769472x4xf32, #tpu.memory_space<hbm>> -> memref<1769472x4xf32, #tpu.memory_space<hbm>>
      tpu.wait_indirect_dma semaphore(%arg13 : memref<!tpu.dma_semaphore, #tpu.memory_space<semaphore_mem>>) src(%dma_wait3A_1515 : memref<1769472x4xf32, #tpu.memory_space<hbm>>) dst(%dma_wait3A_1509 : memref<128x4xf32, #tpu.memory_space<vmem>>)
      %dma_wait3A_1516 = arith.constant 5 : i32
      %dma_wait3A_1517 = arith.constant 3 : i32
      %dma_wait3A_1518 = arith.constant 5 : i32
      %dma_wait3A_1519 = arith.constant 3 : i32
      %dma_wait3A_1520 = arith.constant 0 : i32
      %dma_wait3A_1521 = arith.constant 0 : i32
      %dma_wait3A_1522 = tpu.memref_slice %arg11[%dma_wait3A_1518, %dma_wait3A_1519, %dma_wait3A_1520, %dma_wait3A_1521] : memref<8x8x128x4xf32, #tpu.memory_space<vmem>> -> memref<1x1x128x4xf32, #tpu.memory_space<vmem>>
      %dma_wait3A_1523 = tpu.memref_squeeze %dma_wait3A_1522 : memref<1x1x128x4xf32, #tpu.memory_space<vmem>> -> memref<128x4xf32, #tpu.memory_space<vmem>>
      %dma_wait3A_1524 = arith.constant 0 : i32
      %dma_wait3A_1525 = tpu.memref_slice %arg10[%dma_wait3A_1516, %dma_wait3A_1517, %dma_wait3A_1524] : memref<8x8x128xi32, #tpu.memory_space<vmem>> -> memref<1x1x128xi32, #tpu.memory_space<vmem>>
      %dma_wait3A_1526 = tpu.memref_squeeze %dma_wait3A_1525 : memref<1x1x128xi32, #tpu.memory_space<vmem>> -> memref<128xi32, #tpu.memory_space<vmem>>
      %dma_wait3A_1527 = arith.constant 0 : i32
      %dma_wait3A_1528 = arith.constant 0 : i32
      %dma_wait3A_1529 = tpu.memref_slice %arg2[%dma_wait3A_1527, %dma_wait3A_1528] : memref<1769472x4xf32, #tpu.memory_space<hbm>> -> memref<1769472x4xf32, #tpu.memory_space<hbm>>
      tpu.wait_indirect_dma semaphore(%arg13 : memref<!tpu.dma_semaphore, #tpu.memory_space<semaphore_mem>>) src(%dma_wait3A_1529 : memref<1769472x4xf32, #tpu.memory_space<hbm>>) dst(%dma_wait3A_1523 : memref<128x4xf32, #tpu.memory_space<vmem>>)
      %dma_wait3A_1530 = arith.constant 5 : i32
      %dma_wait3A_1531 = arith.constant 4 : i32
      %dma_wait3A_1532 = arith.constant 5 : i32
      %dma_wait3A_1533 = arith.constant 4 : i32
      %dma_wait3A_1534 = arith.constant 0 : i32
      %dma_wait3A_1535 = arith.constant 0 : i32
      %dma_wait3A_1536 = tpu.memref_slice %arg11[%dma_wait3A_1532, %dma_wait3A_1533, %dma_wait3A_1534, %dma_wait3A_1535] : memref<8x8x128x4xf32, #tpu.memory_space<vmem>> -> memref<1x1x128x4xf32, #tpu.memory_space<vmem>>
      %dma_wait3A_1537 = tpu.memref_squeeze %dma_wait3A_1536 : memref<1x1x128x4xf32, #tpu.memory_space<vmem>> -> memref<128x4xf32, #tpu.memory_space<vmem>>
      %dma_wait3A_1538 = arith.constant 0 : i32
      %dma_wait3A_1539 = tpu.memref_slice %arg10[%dma_wait3A_1530, %dma_wait3A_1531, %dma_wait3A_1538] : memref<8x8x128xi32, #tpu.memory_space<vmem>> -> memref<1x1x128xi32, #tpu.memory_space<vmem>>
      %dma_wait3A_1540 = tpu.memref_squeeze %dma_wait3A_1539 : memref<1x1x128xi32, #tpu.memory_space<vmem>> -> memref<128xi32, #tpu.memory_space<vmem>>
      %dma_wait3A_1541 = arith.constant 0 : i32
      %dma_wait3A_1542 = arith.constant 0 : i32
      %dma_wait3A_1543 = tpu.memref_slice %arg2[%dma_wait3A_1541, %dma_wait3A_1542] : memref<1769472x4xf32, #tpu.memory_space<hbm>> -> memref<1769472x4xf32, #tpu.memory_space<hbm>>
      tpu.wait_indirect_dma semaphore(%arg13 : memref<!tpu.dma_semaphore, #tpu.memory_space<semaphore_mem>>) src(%dma_wait3A_1543 : memref<1769472x4xf32, #tpu.memory_space<hbm>>) dst(%dma_wait3A_1537 : memref<128x4xf32, #tpu.memory_space<vmem>>)
      %dma_wait3A_1544 = arith.constant 5 : i32
      %dma_wait3A_1545 = arith.constant 5 : i32
      %dma_wait3A_1546 = arith.constant 5 : i32
      %dma_wait3A_1547 = arith.constant 5 : i32
      %dma_wait3A_1548 = arith.constant 0 : i32
      %dma_wait3A_1549 = arith.constant 0 : i32
      %dma_wait3A_1550 = tpu.memref_slice %arg11[%dma_wait3A_1546, %dma_wait3A_1547, %dma_wait3A_1548, %dma_wait3A_1549] : memref<8x8x128x4xf32, #tpu.memory_space<vmem>> -> memref<1x1x128x4xf32, #tpu.memory_space<vmem>>
      %dma_wait3A_1551 = tpu.memref_squeeze %dma_wait3A_1550 : memref<1x1x128x4xf32, #tpu.memory_space<vmem>> -> memref<128x4xf32, #tpu.memory_space<vmem>>
      %dma_wait3A_1552 = arith.constant 0 : i32
      %dma_wait3A_1553 = tpu.memref_slice %arg10[%dma_wait3A_1544, %dma_wait3A_1545, %dma_wait3A_1552] : memref<8x8x128xi32, #tpu.memory_space<vmem>> -> memref<1x1x128xi32, #tpu.memory_space<vmem>>
      %dma_wait3A_1554 = tpu.memref_squeeze %dma_wait3A_1553 : memref<1x1x128xi32, #tpu.memory_space<vmem>> -> memref<128xi32, #tpu.memory_space<vmem>>
      %dma_wait3A_1555 = arith.constant 0 : i32
      %dma_wait3A_1556 = arith.constant 0 : i32
      %dma_wait3A_1557 = tpu.memref_slice %arg2[%dma_wait3A_1555, %dma_wait3A_1556] : memref<1769472x4xf32, #tpu.memory_space<hbm>> -> memref<1769472x4xf32, #tpu.memory_space<hbm>>
      tpu.wait_indirect_dma semaphore(%arg13 : memref<!tpu.dma_semaphore, #tpu.memory_space<semaphore_mem>>) src(%dma_wait3A_1557 : memref<1769472x4xf32, #tpu.memory_space<hbm>>) dst(%dma_wait3A_1551 : memref<128x4xf32, #tpu.memory_space<vmem>>)
      %dma_wait3A_1558 = arith.constant 5 : i32
      %dma_wait3A_1559 = arith.constant 6 : i32
      %dma_wait3A_1560 = arith.constant 5 : i32
      %dma_wait3A_1561 = arith.constant 6 : i32
      %dma_wait3A_1562 = arith.constant 0 : i32
      %dma_wait3A_1563 = arith.constant 0 : i32
      %dma_wait3A_1564 = tpu.memref_slice %arg11[%dma_wait3A_1560, %dma_wait3A_1561, %dma_wait3A_1562, %dma_wait3A_1563] : memref<8x8x128x4xf32, #tpu.memory_space<vmem>> -> memref<1x1x128x4xf32, #tpu.memory_space<vmem>>
      %dma_wait3A_1565 = tpu.memref_squeeze %dma_wait3A_1564 : memref<1x1x128x4xf32, #tpu.memory_space<vmem>> -> memref<128x4xf32, #tpu.memory_space<vmem>>
      %dma_wait3A_1566 = arith.constant 0 : i32
      %dma_wait3A_1567 = tpu.memref_slice %arg10[%dma_wait3A_1558, %dma_wait3A_1559, %dma_wait3A_1566] : memref<8x8x128xi32, #tpu.memory_space<vmem>> -> memref<1x1x128xi32, #tpu.memory_space<vmem>>
      %dma_wait3A_1568 = tpu.memref_squeeze %dma_wait3A_1567 : memref<1x1x128xi32, #tpu.memory_space<vmem>> -> memref<128xi32, #tpu.memory_space<vmem>>
      %dma_wait3A_1569 = arith.constant 0 : i32
      %dma_wait3A_1570 = arith.constant 0 : i32
      %dma_wait3A_1571 = tpu.memref_slice %arg2[%dma_wait3A_1569, %dma_wait3A_1570] : memref<1769472x4xf32, #tpu.memory_space<hbm>> -> memref<1769472x4xf32, #tpu.memory_space<hbm>>
      tpu.wait_indirect_dma semaphore(%arg13 : memref<!tpu.dma_semaphore, #tpu.memory_space<semaphore_mem>>) src(%dma_wait3A_1571 : memref<1769472x4xf32, #tpu.memory_space<hbm>>) dst(%dma_wait3A_1565 : memref<128x4xf32, #tpu.memory_space<vmem>>)
      %dma_wait3A_1572 = arith.constant 5 : i32
      %dma_wait3A_1573 = arith.constant 7 : i32
      %dma_wait3A_1574 = arith.constant 5 : i32
      %dma_wait3A_1575 = arith.constant 7 : i32
      %dma_wait3A_1576 = arith.constant 0 : i32
      %dma_wait3A_1577 = arith.constant 0 : i32
      %dma_wait3A_1578 = tpu.memref_slice %arg11[%dma_wait3A_1574, %dma_wait3A_1575, %dma_wait3A_1576, %dma_wait3A_1577] : memref<8x8x128x4xf32, #tpu.memory_space<vmem>> -> memref<1x1x128x4xf32, #tpu.memory_space<vmem>>
      %dma_wait3A_1579 = tpu.memref_squeeze %dma_wait3A_1578 : memref<1x1x128x4xf32, #tpu.memory_space<vmem>> -> memref<128x4xf32, #tpu.memory_space<vmem>>
      %dma_wait3A_1580 = arith.constant 0 : i32
      %dma_wait3A_1581 = tpu.memref_slice %arg10[%dma_wait3A_1572, %dma_wait3A_1573, %dma_wait3A_1580] : memref<8x8x128xi32, #tpu.memory_space<vmem>> -> memref<1x1x128xi32, #tpu.memory_space<vmem>>
      %dma_wait3A_1582 = tpu.memref_squeeze %dma_wait3A_1581 : memref<1x1x128xi32, #tpu.memory_space<vmem>> -> memref<128xi32, #tpu.memory_space<vmem>>
      %dma_wait3A_1583 = arith.constant 0 : i32
      %dma_wait3A_1584 = arith.constant 0 : i32
      %dma_wait3A_1585 = tpu.memref_slice %arg2[%dma_wait3A_1583, %dma_wait3A_1584] : memref<1769472x4xf32, #tpu.memory_space<hbm>> -> memref<1769472x4xf32, #tpu.memory_space<hbm>>
      tpu.wait_indirect_dma semaphore(%arg13 : memref<!tpu.dma_semaphore, #tpu.memory_space<semaphore_mem>>) src(%dma_wait3A_1585 : memref<1769472x4xf32, #tpu.memory_space<hbm>>) dst(%dma_wait3A_1579 : memref<128x4xf32, #tpu.memory_space<vmem>>)
      %dma_wait3A_1586 = arith.constant 6 : i32
      %dma_wait3A_1587 = arith.constant 0 : i32
      %dma_wait3A_1588 = arith.constant 6 : i32
      %dma_wait3A_1589 = arith.constant 0 : i32
      %dma_wait3A_1590 = arith.constant 0 : i32
      %dma_wait3A_1591 = arith.constant 0 : i32
      %dma_wait3A_1592 = tpu.memref_slice %arg11[%dma_wait3A_1588, %dma_wait3A_1589, %dma_wait3A_1590, %dma_wait3A_1591] : memref<8x8x128x4xf32, #tpu.memory_space<vmem>> -> memref<1x1x128x4xf32, #tpu.memory_space<vmem>>
      %dma_wait3A_1593 = tpu.memref_squeeze %dma_wait3A_1592 : memref<1x1x128x4xf32, #tpu.memory_space<vmem>> -> memref<128x4xf32, #tpu.memory_space<vmem>>
      %dma_wait3A_1594 = arith.constant 0 : i32
      %dma_wait3A_1595 = tpu.memref_slice %arg10[%dma_wait3A_1586, %dma_wait3A_1587, %dma_wait3A_1594] : memref<8x8x128xi32, #tpu.memory_space<vmem>> -> memref<1x1x128xi32, #tpu.memory_space<vmem>>
      %dma_wait3A_1596 = tpu.memref_squeeze %dma_wait3A_1595 : memref<1x1x128xi32, #tpu.memory_space<vmem>> -> memref<128xi32, #tpu.memory_space<vmem>>
      %dma_wait3A_1597 = arith.constant 0 : i32
      %dma_wait3A_1598 = arith.constant 0 : i32
      %dma_wait3A_1599 = tpu.memref_slice %arg2[%dma_wait3A_1597, %dma_wait3A_1598] : memref<1769472x4xf32, #tpu.memory_space<hbm>> -> memref<1769472x4xf32, #tpu.memory_space<hbm>>
      tpu.wait_indirect_dma semaphore(%arg13 : memref<!tpu.dma_semaphore, #tpu.memory_space<semaphore_mem>>) src(%dma_wait3A_1599 : memref<1769472x4xf32, #tpu.memory_space<hbm>>) dst(%dma_wait3A_1593 : memref<128x4xf32, #tpu.memory_space<vmem>>)
      %dma_wait3A_1600 = arith.constant 6 : i32
      %dma_wait3A_1601 = arith.constant 1 : i32
      %dma_wait3A_1602 = arith.constant 6 : i32
      %dma_wait3A_1603 = arith.constant 1 : i32
      %dma_wait3A_1604 = arith.constant 0 : i32
      %dma_wait3A_1605 = arith.constant 0 : i32
      %dma_wait3A_1606 = tpu.memref_slice %arg11[%dma_wait3A_1602, %dma_wait3A_1603, %dma_wait3A_1604, %dma_wait3A_1605] : memref<8x8x128x4xf32, #tpu.memory_space<vmem>> -> memref<1x1x128x4xf32, #tpu.memory_space<vmem>>
      %dma_wait3A_1607 = tpu.memref_squeeze %dma_wait3A_1606 : memref<1x1x128x4xf32, #tpu.memory_space<vmem>> -> memref<128x4xf32, #tpu.memory_space<vmem>>
      %dma_wait3A_1608 = arith.constant 0 : i32
      %dma_wait3A_1609 = tpu.memref_slice %arg10[%dma_wait3A_1600, %dma_wait3A_1601, %dma_wait3A_1608] : memref<8x8x128xi32, #tpu.memory_space<vmem>> -> memref<1x1x128xi32, #tpu.memory_space<vmem>>
      %dma_wait3A_1610 = tpu.memref_squeeze %dma_wait3A_1609 : memref<1x1x128xi32, #tpu.memory_space<vmem>> -> memref<128xi32, #tpu.memory_space<vmem>>
      %dma_wait3A_1611 = arith.constant 0 : i32
      %dma_wait3A_1612 = arith.constant 0 : i32
      %dma_wait3A_1613 = tpu.memref_slice %arg2[%dma_wait3A_1611, %dma_wait3A_1612] : memref<1769472x4xf32, #tpu.memory_space<hbm>> -> memref<1769472x4xf32, #tpu.memory_space<hbm>>
      tpu.wait_indirect_dma semaphore(%arg13 : memref<!tpu.dma_semaphore, #tpu.memory_space<semaphore_mem>>) src(%dma_wait3A_1613 : memref<1769472x4xf32, #tpu.memory_space<hbm>>) dst(%dma_wait3A_1607 : memref<128x4xf32, #tpu.memory_space<vmem>>)
      %dma_wait3A_1614 = arith.constant 6 : i32
      %dma_wait3A_1615 = arith.constant 2 : i32
      %dma_wait3A_1616 = arith.constant 6 : i32
      %dma_wait3A_1617 = arith.constant 2 : i32
      %dma_wait3A_1618 = arith.constant 0 : i32
      %dma_wait3A_1619 = arith.constant 0 : i32
      %dma_wait3A_1620 = tpu.memref_slice %arg11[%dma_wait3A_1616, %dma_wait3A_1617, %dma_wait3A_1618, %dma_wait3A_1619] : memref<8x8x128x4xf32, #tpu.memory_space<vmem>> -> memref<1x1x128x4xf32, #tpu.memory_space<vmem>>
      %dma_wait3A_1621 = tpu.memref_squeeze %dma_wait3A_1620 : memref<1x1x128x4xf32, #tpu.memory_space<vmem>> -> memref<128x4xf32, #tpu.memory_space<vmem>>
      %dma_wait3A_1622 = arith.constant 0 : i32
      %dma_wait3A_1623 = tpu.memref_slice %arg10[%dma_wait3A_1614, %dma_wait3A_1615, %dma_wait3A_1622] : memref<8x8x128xi32, #tpu.memory_space<vmem>> -> memref<1x1x128xi32, #tpu.memory_space<vmem>>
      %dma_wait3A_1624 = tpu.memref_squeeze %dma_wait3A_1623 : memref<1x1x128xi32, #tpu.memory_space<vmem>> -> memref<128xi32, #tpu.memory_space<vmem>>
      %dma_wait3A_1625 = arith.constant 0 : i32
      %dma_wait3A_1626 = arith.constant 0 : i32
      %dma_wait3A_1627 = tpu.memref_slice %arg2[%dma_wait3A_1625, %dma_wait3A_1626] : memref<1769472x4xf32, #tpu.memory_space<hbm>> -> memref<1769472x4xf32, #tpu.memory_space<hbm>>
      tpu.wait_indirect_dma semaphore(%arg13 : memref<!tpu.dma_semaphore, #tpu.memory_space<semaphore_mem>>) src(%dma_wait3A_1627 : memref<1769472x4xf32, #tpu.memory_space<hbm>>) dst(%dma_wait3A_1621 : memref<128x4xf32, #tpu.memory_space<vmem>>)
      %dma_wait3A_1628 = arith.constant 6 : i32
      %dma_wait3A_1629 = arith.constant 3 : i32
      %dma_wait3A_1630 = arith.constant 6 : i32
      %dma_wait3A_1631 = arith.constant 3 : i32
      %dma_wait3A_1632 = arith.constant 0 : i32
      %dma_wait3A_1633 = arith.constant 0 : i32
      %dma_wait3A_1634 = tpu.memref_slice %arg11[%dma_wait3A_1630, %dma_wait3A_1631, %dma_wait3A_1632, %dma_wait3A_1633] : memref<8x8x128x4xf32, #tpu.memory_space<vmem>> -> memref<1x1x128x4xf32, #tpu.memory_space<vmem>>
      %dma_wait3A_1635 = tpu.memref_squeeze %dma_wait3A_1634 : memref<1x1x128x4xf32, #tpu.memory_space<vmem>> -> memref<128x4xf32, #tpu.memory_space<vmem>>
      %dma_wait3A_1636 = arith.constant 0 : i32
      %dma_wait3A_1637 = tpu.memref_slice %arg10[%dma_wait3A_1628, %dma_wait3A_1629, %dma_wait3A_1636] : memref<8x8x128xi32, #tpu.memory_space<vmem>> -> memref<1x1x128xi32, #tpu.memory_space<vmem>>
      %dma_wait3A_1638 = tpu.memref_squeeze %dma_wait3A_1637 : memref<1x1x128xi32, #tpu.memory_space<vmem>> -> memref<128xi32, #tpu.memory_space<vmem>>
      %dma_wait3A_1639 = arith.constant 0 : i32
      %dma_wait3A_1640 = arith.constant 0 : i32
      %dma_wait3A_1641 = tpu.memref_slice %arg2[%dma_wait3A_1639, %dma_wait3A_1640] : memref<1769472x4xf32, #tpu.memory_space<hbm>> -> memref<1769472x4xf32, #tpu.memory_space<hbm>>
      tpu.wait_indirect_dma semaphore(%arg13 : memref<!tpu.dma_semaphore, #tpu.memory_space<semaphore_mem>>) src(%dma_wait3A_1641 : memref<1769472x4xf32, #tpu.memory_space<hbm>>) dst(%dma_wait3A_1635 : memref<128x4xf32, #tpu.memory_space<vmem>>)
      %dma_wait3A_1642 = arith.constant 6 : i32
      %dma_wait3A_1643 = arith.constant 4 : i32
      %dma_wait3A_1644 = arith.constant 6 : i32
      %dma_wait3A_1645 = arith.constant 4 : i32
      %dma_wait3A_1646 = arith.constant 0 : i32
      %dma_wait3A_1647 = arith.constant 0 : i32
      %dma_wait3A_1648 = tpu.memref_slice %arg11[%dma_wait3A_1644, %dma_wait3A_1645, %dma_wait3A_1646, %dma_wait3A_1647] : memref<8x8x128x4xf32, #tpu.memory_space<vmem>> -> memref<1x1x128x4xf32, #tpu.memory_space<vmem>>
      %dma_wait3A_1649 = tpu.memref_squeeze %dma_wait3A_1648 : memref<1x1x128x4xf32, #tpu.memory_space<vmem>> -> memref<128x4xf32, #tpu.memory_space<vmem>>
      %dma_wait3A_1650 = arith.constant 0 : i32
      %dma_wait3A_1651 = tpu.memref_slice %arg10[%dma_wait3A_1642, %dma_wait3A_1643, %dma_wait3A_1650] : memref<8x8x128xi32, #tpu.memory_space<vmem>> -> memref<1x1x128xi32, #tpu.memory_space<vmem>>
      %dma_wait3A_1652 = tpu.memref_squeeze %dma_wait3A_1651 : memref<1x1x128xi32, #tpu.memory_space<vmem>> -> memref<128xi32, #tpu.memory_space<vmem>>
      %dma_wait3A_1653 = arith.constant 0 : i32
      %dma_wait3A_1654 = arith.constant 0 : i32
      %dma_wait3A_1655 = tpu.memref_slice %arg2[%dma_wait3A_1653, %dma_wait3A_1654] : memref<1769472x4xf32, #tpu.memory_space<hbm>> -> memref<1769472x4xf32, #tpu.memory_space<hbm>>
      tpu.wait_indirect_dma semaphore(%arg13 : memref<!tpu.dma_semaphore, #tpu.memory_space<semaphore_mem>>) src(%dma_wait3A_1655 : memref<1769472x4xf32, #tpu.memory_space<hbm>>) dst(%dma_wait3A_1649 : memref<128x4xf32, #tpu.memory_space<vmem>>)
      %dma_wait3A_1656 = arith.constant 6 : i32
      %dma_wait3A_1657 = arith.constant 5 : i32
      %dma_wait3A_1658 = arith.constant 6 : i32
      %dma_wait3A_1659 = arith.constant 5 : i32
      %dma_wait3A_1660 = arith.constant 0 : i32
      %dma_wait3A_1661 = arith.constant 0 : i32
      %dma_wait3A_1662 = tpu.memref_slice %arg11[%dma_wait3A_1658, %dma_wait3A_1659, %dma_wait3A_1660, %dma_wait3A_1661] : memref<8x8x128x4xf32, #tpu.memory_space<vmem>> -> memref<1x1x128x4xf32, #tpu.memory_space<vmem>>
      %dma_wait3A_1663 = tpu.memref_squeeze %dma_wait3A_1662 : memref<1x1x128x4xf32, #tpu.memory_space<vmem>> -> memref<128x4xf32, #tpu.memory_space<vmem>>
      %dma_wait3A_1664 = arith.constant 0 : i32
      %dma_wait3A_1665 = tpu.memref_slice %arg10[%dma_wait3A_1656, %dma_wait3A_1657, %dma_wait3A_1664] : memref<8x8x128xi32, #tpu.memory_space<vmem>> -> memref<1x1x128xi32, #tpu.memory_space<vmem>>
      %dma_wait3A_1666 = tpu.memref_squeeze %dma_wait3A_1665 : memref<1x1x128xi32, #tpu.memory_space<vmem>> -> memref<128xi32, #tpu.memory_space<vmem>>
      %dma_wait3A_1667 = arith.constant 0 : i32
      %dma_wait3A_1668 = arith.constant 0 : i32
      %dma_wait3A_1669 = tpu.memref_slice %arg2[%dma_wait3A_1667, %dma_wait3A_1668] : memref<1769472x4xf32, #tpu.memory_space<hbm>> -> memref<1769472x4xf32, #tpu.memory_space<hbm>>
      tpu.wait_indirect_dma semaphore(%arg13 : memref<!tpu.dma_semaphore, #tpu.memory_space<semaphore_mem>>) src(%dma_wait3A_1669 : memref<1769472x4xf32, #tpu.memory_space<hbm>>) dst(%dma_wait3A_1663 : memref<128x4xf32, #tpu.memory_space<vmem>>)
      %dma_wait3A_1670 = arith.constant 6 : i32
      %dma_wait3A_1671 = arith.constant 6 : i32
      %dma_wait3A_1672 = arith.constant 6 : i32
      %dma_wait3A_1673 = arith.constant 6 : i32
      %dma_wait3A_1674 = arith.constant 0 : i32
      %dma_wait3A_1675 = arith.constant 0 : i32
      %dma_wait3A_1676 = tpu.memref_slice %arg11[%dma_wait3A_1672, %dma_wait3A_1673, %dma_wait3A_1674, %dma_wait3A_1675] : memref<8x8x128x4xf32, #tpu.memory_space<vmem>> -> memref<1x1x128x4xf32, #tpu.memory_space<vmem>>
      %dma_wait3A_1677 = tpu.memref_squeeze %dma_wait3A_1676 : memref<1x1x128x4xf32, #tpu.memory_space<vmem>> -> memref<128x4xf32, #tpu.memory_space<vmem>>
      %dma_wait3A_1678 = arith.constant 0 : i32
      %dma_wait3A_1679 = tpu.memref_slice %arg10[%dma_wait3A_1670, %dma_wait3A_1671, %dma_wait3A_1678] : memref<8x8x128xi32, #tpu.memory_space<vmem>> -> memref<1x1x128xi32, #tpu.memory_space<vmem>>
      %dma_wait3A_1680 = tpu.memref_squeeze %dma_wait3A_1679 : memref<1x1x128xi32, #tpu.memory_space<vmem>> -> memref<128xi32, #tpu.memory_space<vmem>>
      %dma_wait3A_1681 = arith.constant 0 : i32
      %dma_wait3A_1682 = arith.constant 0 : i32
      %dma_wait3A_1683 = tpu.memref_slice %arg2[%dma_wait3A_1681, %dma_wait3A_1682] : memref<1769472x4xf32, #tpu.memory_space<hbm>> -> memref<1769472x4xf32, #tpu.memory_space<hbm>>
      tpu.wait_indirect_dma semaphore(%arg13 : memref<!tpu.dma_semaphore, #tpu.memory_space<semaphore_mem>>) src(%dma_wait3A_1683 : memref<1769472x4xf32, #tpu.memory_space<hbm>>) dst(%dma_wait3A_1677 : memref<128x4xf32, #tpu.memory_space<vmem>>)
      %dma_wait3A_1684 = arith.constant 6 : i32
      %dma_wait3A_1685 = arith.constant 7 : i32
      %dma_wait3A_1686 = arith.constant 6 : i32
      %dma_wait3A_1687 = arith.constant 7 : i32
      %dma_wait3A_1688 = arith.constant 0 : i32
      %dma_wait3A_1689 = arith.constant 0 : i32
      %dma_wait3A_1690 = tpu.memref_slice %arg11[%dma_wait3A_1686, %dma_wait3A_1687, %dma_wait3A_1688, %dma_wait3A_1689] : memref<8x8x128x4xf32, #tpu.memory_space<vmem>> -> memref<1x1x128x4xf32, #tpu.memory_space<vmem>>
      %dma_wait3A_1691 = tpu.memref_squeeze %dma_wait3A_1690 : memref<1x1x128x4xf32, #tpu.memory_space<vmem>> -> memref<128x4xf32, #tpu.memory_space<vmem>>
      %dma_wait3A_1692 = arith.constant 0 : i32
      %dma_wait3A_1693 = tpu.memref_slice %arg10[%dma_wait3A_1684, %dma_wait3A_1685, %dma_wait3A_1692] : memref<8x8x128xi32, #tpu.memory_space<vmem>> -> memref<1x1x128xi32, #tpu.memory_space<vmem>>
      %dma_wait3A_1694 = tpu.memref_squeeze %dma_wait3A_1693 : memref<1x1x128xi32, #tpu.memory_space<vmem>> -> memref<128xi32, #tpu.memory_space<vmem>>
      %dma_wait3A_1695 = arith.constant 0 : i32
      %dma_wait3A_1696 = arith.constant 0 : i32
      %dma_wait3A_1697 = tpu.memref_slice %arg2[%dma_wait3A_1695, %dma_wait3A_1696] : memref<1769472x4xf32, #tpu.memory_space<hbm>> -> memref<1769472x4xf32, #tpu.memory_space<hbm>>
      tpu.wait_indirect_dma semaphore(%arg13 : memref<!tpu.dma_semaphore, #tpu.memory_space<semaphore_mem>>) src(%dma_wait3A_1697 : memref<1769472x4xf32, #tpu.memory_space<hbm>>) dst(%dma_wait3A_1691 : memref<128x4xf32, #tpu.memory_space<vmem>>)
      %dma_wait3A_1698 = arith.constant 7 : i32
      %dma_wait3A_1699 = arith.constant 0 : i32
      %dma_wait3A_1700 = arith.constant 7 : i32
      %dma_wait3A_1701 = arith.constant 0 : i32
      %dma_wait3A_1702 = arith.constant 0 : i32
      %dma_wait3A_1703 = arith.constant 0 : i32
      %dma_wait3A_1704 = tpu.memref_slice %arg11[%dma_wait3A_1700, %dma_wait3A_1701, %dma_wait3A_1702, %dma_wait3A_1703] : memref<8x8x128x4xf32, #tpu.memory_space<vmem>> -> memref<1x1x128x4xf32, #tpu.memory_space<vmem>>
      %dma_wait3A_1705 = tpu.memref_squeeze %dma_wait3A_1704 : memref<1x1x128x4xf32, #tpu.memory_space<vmem>> -> memref<128x4xf32, #tpu.memory_space<vmem>>
      %dma_wait3A_1706 = arith.constant 0 : i32
      %dma_wait3A_1707 = tpu.memref_slice %arg10[%dma_wait3A_1698, %dma_wait3A_1699, %dma_wait3A_1706] : memref<8x8x128xi32, #tpu.memory_space<vmem>> -> memref<1x1x128xi32, #tpu.memory_space<vmem>>
      %dma_wait3A_1708 = tpu.memref_squeeze %dma_wait3A_1707 : memref<1x1x128xi32, #tpu.memory_space<vmem>> -> memref<128xi32, #tpu.memory_space<vmem>>
      %dma_wait3A_1709 = arith.constant 0 : i32
      %dma_wait3A_1710 = arith.constant 0 : i32
      %dma_wait3A_1711 = tpu.memref_slice %arg2[%dma_wait3A_1709, %dma_wait3A_1710] : memref<1769472x4xf32, #tpu.memory_space<hbm>> -> memref<1769472x4xf32, #tpu.memory_space<hbm>>
      tpu.wait_indirect_dma semaphore(%arg13 : memref<!tpu.dma_semaphore, #tpu.memory_space<semaphore_mem>>) src(%dma_wait3A_1711 : memref<1769472x4xf32, #tpu.memory_space<hbm>>) dst(%dma_wait3A_1705 : memref<128x4xf32, #tpu.memory_space<vmem>>)
      %dma_wait3A_1712 = arith.constant 7 : i32
      %dma_wait3A_1713 = arith.constant 1 : i32
      %dma_wait3A_1714 = arith.constant 7 : i32
      %dma_wait3A_1715 = arith.constant 1 : i32
      %dma_wait3A_1716 = arith.constant 0 : i32
      %dma_wait3A_1717 = arith.constant 0 : i32
      %dma_wait3A_1718 = tpu.memref_slice %arg11[%dma_wait3A_1714, %dma_wait3A_1715, %dma_wait3A_1716, %dma_wait3A_1717] : memref<8x8x128x4xf32, #tpu.memory_space<vmem>> -> memref<1x1x128x4xf32, #tpu.memory_space<vmem>>
      %dma_wait3A_1719 = tpu.memref_squeeze %dma_wait3A_1718 : memref<1x1x128x4xf32, #tpu.memory_space<vmem>> -> memref<128x4xf32, #tpu.memory_space<vmem>>
      %dma_wait3A_1720 = arith.constant 0 : i32
      %dma_wait3A_1721 = tpu.memref_slice %arg10[%dma_wait3A_1712, %dma_wait3A_1713, %dma_wait3A_1720] : memref<8x8x128xi32, #tpu.memory_space<vmem>> -> memref<1x1x128xi32, #tpu.memory_space<vmem>>
      %dma_wait3A_1722 = tpu.memref_squeeze %dma_wait3A_1721 : memref<1x1x128xi32, #tpu.memory_space<vmem>> -> memref<128xi32, #tpu.memory_space<vmem>>
      %dma_wait3A_1723 = arith.constant 0 : i32
      %dma_wait3A_1724 = arith.constant 0 : i32
      %dma_wait3A_1725 = tpu.memref_slice %arg2[%dma_wait3A_1723, %dma_wait3A_1724] : memref<1769472x4xf32, #tpu.memory_space<hbm>> -> memref<1769472x4xf32, #tpu.memory_space<hbm>>
      tpu.wait_indirect_dma semaphore(%arg13 : memref<!tpu.dma_semaphore, #tpu.memory_space<semaphore_mem>>) src(%dma_wait3A_1725 : memref<1769472x4xf32, #tpu.memory_space<hbm>>) dst(%dma_wait3A_1719 : memref<128x4xf32, #tpu.memory_space<vmem>>)
      %dma_wait3A_1726 = arith.constant 7 : i32
      %dma_wait3A_1727 = arith.constant 2 : i32
      %dma_wait3A_1728 = arith.constant 7 : i32
      %dma_wait3A_1729 = arith.constant 2 : i32
      %dma_wait3A_1730 = arith.constant 0 : i32
      %dma_wait3A_1731 = arith.constant 0 : i32
      %dma_wait3A_1732 = tpu.memref_slice %arg11[%dma_wait3A_1728, %dma_wait3A_1729, %dma_wait3A_1730, %dma_wait3A_1731] : memref<8x8x128x4xf32, #tpu.memory_space<vmem>> -> memref<1x1x128x4xf32, #tpu.memory_space<vmem>>
      %dma_wait3A_1733 = tpu.memref_squeeze %dma_wait3A_1732 : memref<1x1x128x4xf32, #tpu.memory_space<vmem>> -> memref<128x4xf32, #tpu.memory_space<vmem>>
      %dma_wait3A_1734 = arith.constant 0 : i32
      %dma_wait3A_1735 = tpu.memref_slice %arg10[%dma_wait3A_1726, %dma_wait3A_1727, %dma_wait3A_1734] : memref<8x8x128xi32, #tpu.memory_space<vmem>> -> memref<1x1x128xi32, #tpu.memory_space<vmem>>
      %dma_wait3A_1736 = tpu.memref_squeeze %dma_wait3A_1735 : memref<1x1x128xi32, #tpu.memory_space<vmem>> -> memref<128xi32, #tpu.memory_space<vmem>>
      %dma_wait3A_1737 = arith.constant 0 : i32
      %dma_wait3A_1738 = arith.constant 0 : i32
      %dma_wait3A_1739 = tpu.memref_slice %arg2[%dma_wait3A_1737, %dma_wait3A_1738] : memref<1769472x4xf32, #tpu.memory_space<hbm>> -> memref<1769472x4xf32, #tpu.memory_space<hbm>>
      tpu.wait_indirect_dma semaphore(%arg13 : memref<!tpu.dma_semaphore, #tpu.memory_space<semaphore_mem>>) src(%dma_wait3A_1739 : memref<1769472x4xf32, #tpu.memory_space<hbm>>) dst(%dma_wait3A_1733 : memref<128x4xf32, #tpu.memory_space<vmem>>)
      %dma_wait3A_1740 = arith.constant 7 : i32
      %dma_wait3A_1741 = arith.constant 3 : i32
      %dma_wait3A_1742 = arith.constant 7 : i32
      %dma_wait3A_1743 = arith.constant 3 : i32
      %dma_wait3A_1744 = arith.constant 0 : i32
      %dma_wait3A_1745 = arith.constant 0 : i32
      %dma_wait3A_1746 = tpu.memref_slice %arg11[%dma_wait3A_1742, %dma_wait3A_1743, %dma_wait3A_1744, %dma_wait3A_1745] : memref<8x8x128x4xf32, #tpu.memory_space<vmem>> -> memref<1x1x128x4xf32, #tpu.memory_space<vmem>>
      %dma_wait3A_1747 = tpu.memref_squeeze %dma_wait3A_1746 : memref<1x1x128x4xf32, #tpu.memory_space<vmem>> -> memref<128x4xf32, #tpu.memory_space<vmem>>
      %dma_wait3A_1748 = arith.constant 0 : i32
      %dma_wait3A_1749 = tpu.memref_slice %arg10[%dma_wait3A_1740, %dma_wait3A_1741, %dma_wait3A_1748] : memref<8x8x128xi32, #tpu.memory_space<vmem>> -> memref<1x1x128xi32, #tpu.memory_space<vmem>>
      %dma_wait3A_1750 = tpu.memref_squeeze %dma_wait3A_1749 : memref<1x1x128xi32, #tpu.memory_space<vmem>> -> memref<128xi32, #tpu.memory_space<vmem>>
      %dma_wait3A_1751 = arith.constant 0 : i32
      %dma_wait3A_1752 = arith.constant 0 : i32
      %dma_wait3A_1753 = tpu.memref_slice %arg2[%dma_wait3A_1751, %dma_wait3A_1752] : memref<1769472x4xf32, #tpu.memory_space<hbm>> -> memref<1769472x4xf32, #tpu.memory_space<hbm>>
      tpu.wait_indirect_dma semaphore(%arg13 : memref<!tpu.dma_semaphore, #tpu.memory_space<semaphore_mem>>) src(%dma_wait3A_1753 : memref<1769472x4xf32, #tpu.memory_space<hbm>>) dst(%dma_wait3A_1747 : memref<128x4xf32, #tpu.memory_space<vmem>>)
      %dma_wait3A_1754 = arith.constant 7 : i32
      %dma_wait3A_1755 = arith.constant 4 : i32
      %dma_wait3A_1756 = arith.constant 7 : i32
      %dma_wait3A_1757 = arith.constant 4 : i32
      %dma_wait3A_1758 = arith.constant 0 : i32
      %dma_wait3A_1759 = arith.constant 0 : i32
      %dma_wait3A_1760 = tpu.memref_slice %arg11[%dma_wait3A_1756, %dma_wait3A_1757, %dma_wait3A_1758, %dma_wait3A_1759] : memref<8x8x128x4xf32, #tpu.memory_space<vmem>> -> memref<1x1x128x4xf32, #tpu.memory_space<vmem>>
      %dma_wait3A_1761 = tpu.memref_squeeze %dma_wait3A_1760 : memref<1x1x128x4xf32, #tpu.memory_space<vmem>> -> memref<128x4xf32, #tpu.memory_space<vmem>>
      %dma_wait3A_1762 = arith.constant 0 : i32
      %dma_wait3A_1763 = tpu.memref_slice %arg10[%dma_wait3A_1754, %dma_wait3A_1755, %dma_wait3A_1762] : memref<8x8x128xi32, #tpu.memory_space<vmem>> -> memref<1x1x128xi32, #tpu.memory_space<vmem>>
      %dma_wait3A_1764 = tpu.memref_squeeze %dma_wait3A_1763 : memref<1x1x128xi32, #tpu.memory_space<vmem>> -> memref<128xi32, #tpu.memory_space<vmem>>
      %dma_wait3A_1765 = arith.constant 0 : i32
      %dma_wait3A_1766 = arith.constant 0 : i32
      %dma_wait3A_1767 = tpu.memref_slice %arg2[%dma_wait3A_1765, %dma_wait3A_1766] : memref<1769472x4xf32, #tpu.memory_space<hbm>> -> memref<1769472x4xf32, #tpu.memory_space<hbm>>
      tpu.wait_indirect_dma semaphore(%arg13 : memref<!tpu.dma_semaphore, #tpu.memory_space<semaphore_mem>>) src(%dma_wait3A_1767 : memref<1769472x4xf32, #tpu.memory_space<hbm>>) dst(%dma_wait3A_1761 : memref<128x4xf32, #tpu.memory_space<vmem>>)
      %dma_wait3A_1768 = arith.constant 7 : i32
      %dma_wait3A_1769 = arith.constant 5 : i32
      %dma_wait3A_1770 = arith.constant 7 : i32
      %dma_wait3A_1771 = arith.constant 5 : i32
      %dma_wait3A_1772 = arith.constant 0 : i32
      %dma_wait3A_1773 = arith.constant 0 : i32
      %dma_wait3A_1774 = tpu.memref_slice %arg11[%dma_wait3A_1770, %dma_wait3A_1771, %dma_wait3A_1772, %dma_wait3A_1773] : memref<8x8x128x4xf32, #tpu.memory_space<vmem>> -> memref<1x1x128x4xf32, #tpu.memory_space<vmem>>
      %dma_wait3A_1775 = tpu.memref_squeeze %dma_wait3A_1774 : memref<1x1x128x4xf32, #tpu.memory_space<vmem>> -> memref<128x4xf32, #tpu.memory_space<vmem>>
      %dma_wait3A_1776 = arith.constant 0 : i32
      %dma_wait3A_1777 = tpu.memref_slice %arg10[%dma_wait3A_1768, %dma_wait3A_1769, %dma_wait3A_1776] : memref<8x8x128xi32, #tpu.memory_space<vmem>> -> memref<1x1x128xi32, #tpu.memory_space<vmem>>
      %dma_wait3A_1778 = tpu.memref_squeeze %dma_wait3A_1777 : memref<1x1x128xi32, #tpu.memory_space<vmem>> -> memref<128xi32, #tpu.memory_space<vmem>>
      %dma_wait3A_1779 = arith.constant 0 : i32
      %dma_wait3A_1780 = arith.constant 0 : i32
      %dma_wait3A_1781 = tpu.memref_slice %arg2[%dma_wait3A_1779, %dma_wait3A_1780] : memref<1769472x4xf32, #tpu.memory_space<hbm>> -> memref<1769472x4xf32, #tpu.memory_space<hbm>>
      tpu.wait_indirect_dma semaphore(%arg13 : memref<!tpu.dma_semaphore, #tpu.memory_space<semaphore_mem>>) src(%dma_wait3A_1781 : memref<1769472x4xf32, #tpu.memory_space<hbm>>) dst(%dma_wait3A_1775 : memref<128x4xf32, #tpu.memory_space<vmem>>)
      %dma_wait3A_1782 = arith.constant 7 : i32
      %dma_wait3A_1783 = arith.constant 6 : i32
      %dma_wait3A_1784 = arith.constant 7 : i32
      %dma_wait3A_1785 = arith.constant 6 : i32
      %dma_wait3A_1786 = arith.constant 0 : i32
      %dma_wait3A_1787 = arith.constant 0 : i32
      %dma_wait3A_1788 = tpu.memref_slice %arg11[%dma_wait3A_1784, %dma_wait3A_1785, %dma_wait3A_1786, %dma_wait3A_1787] : memref<8x8x128x4xf32, #tpu.memory_space<vmem>> -> memref<1x1x128x4xf32, #tpu.memory_space<vmem>>
      %dma_wait3A_1789 = tpu.memref_squeeze %dma_wait3A_1788 : memref<1x1x128x4xf32, #tpu.memory_space<vmem>> -> memref<128x4xf32, #tpu.memory_space<vmem>>
      %dma_wait3A_1790 = arith.constant 0 : i32
      %dma_wait3A_1791 = tpu.memref_slice %arg10[%dma_wait3A_1782, %dma_wait3A_1783, %dma_wait3A_1790] : memref<8x8x128xi32, #tpu.memory_space<vmem>> -> memref<1x1x128xi32, #tpu.memory_space<vmem>>
      %dma_wait3A_1792 = tpu.memref_squeeze %dma_wait3A_1791 : memref<1x1x128xi32, #tpu.memory_space<vmem>> -> memref<128xi32, #tpu.memory_space<vmem>>
      %dma_wait3A_1793 = arith.constant 0 : i32
      %dma_wait3A_1794 = arith.constant 0 : i32
      %dma_wait3A_1795 = tpu.memref_slice %arg2[%dma_wait3A_1793, %dma_wait3A_1794] : memref<1769472x4xf32, #tpu.memory_space<hbm>> -> memref<1769472x4xf32, #tpu.memory_space<hbm>>
      tpu.wait_indirect_dma semaphore(%arg13 : memref<!tpu.dma_semaphore, #tpu.memory_space<semaphore_mem>>) src(%dma_wait3A_1795 : memref<1769472x4xf32, #tpu.memory_space<hbm>>) dst(%dma_wait3A_1789 : memref<128x4xf32, #tpu.memory_space<vmem>>)
      %dma_wait3A_1796 = arith.constant 7 : i32
      %dma_wait3A_1797 = arith.constant 7 : i32
      %dma_wait3A_1798 = arith.constant 7 : i32
      %dma_wait3A_1799 = arith.constant 7 : i32
      %dma_wait3A_1800 = arith.constant 0 : i32
      %dma_wait3A_1801 = arith.constant 0 : i32
      %dma_wait3A_1802 = tpu.memref_slice %arg11[%dma_wait3A_1798, %dma_wait3A_1799, %dma_wait3A_1800, %dma_wait3A_1801] : memref<8x8x128x4xf32, #tpu.memory_space<vmem>> -> memref<1x1x128x4xf32, #tpu.memory_space<vmem>>
      %dma_wait3A_1803 = tpu.memref_squeeze %dma_wait3A_1802 : memref<1x1x128x4xf32, #tpu.memory_space<vmem>> -> memref<128x4xf32, #tpu.memory_space<vmem>>
      %dma_wait3A_1804 = arith.constant 0 : i32
      %dma_wait3A_1805 = tpu.memref_slice %arg10[%dma_wait3A_1796, %dma_wait3A_1797, %dma_wait3A_1804] : memref<8x8x128xi32, #tpu.memory_space<vmem>> -> memref<1x1x128xi32, #tpu.memory_space<vmem>>
      %dma_wait3A_1806 = tpu.memref_squeeze %dma_wait3A_1805 : memref<1x1x128xi32, #tpu.memory_space<vmem>> -> memref<128xi32, #tpu.memory_space<vmem>>
      %dma_wait3A_1807 = arith.constant 0 : i32
      %dma_wait3A_1808 = arith.constant 0 : i32
      %dma_wait3A_1809 = tpu.memref_slice %arg2[%dma_wait3A_1807, %dma_wait3A_1808] : memref<1769472x4xf32, #tpu.memory_space<hbm>> -> memref<1769472x4xf32, #tpu.memory_space<hbm>>
      tpu.wait_indirect_dma semaphore(%arg13 : memref<!tpu.dma_semaphore, #tpu.memory_space<semaphore_mem>>) src(%dma_wait3A_1809 : memref<1769472x4xf32, #tpu.memory_space<hbm>>) dst(%dma_wait3A_1803 : memref<128x4xf32, #tpu.memory_space<vmem>>)
      %iota3A = tpu.iota {dimensions = array<i32: 0>} : vector<16xi32>
      %shift_right_arithmetic3A = arith.constant 2 : i32
      %shift_right_arithmetic3A_1810 = vector.broadcast %shift_right_arithmetic3A : i32 to vector<16xi32>
      %shift_right_arithmetic3A_1811 = arith.shrsi %iota3A, %shift_right_arithmetic3A_1810 : vector<16xi32>
      %and3A = arith.constant 3 : i32
      %and3A_1812 = vector.broadcast %and3A : i32 to vector<16xi32>
      %and3A_1813 = arith.andi %iota3A, %and3A_1812 : vector<16xi32>
      %scan3A_1814 = arith.constant 0 : i32
      %scan3A_1815 = arith.constant 0 : i32
      %scan3A_1816 = arith.constant 256 : i32
      %scan3A_1817 = arith.addi %scan3A_1815, %scan3A_1816 : i32
      %scan3A_1818 = arith.constant 1 : i32
      scf.for %scan3A_1822 = %scan3A_1815 to %scan3A_1817 step %scan3A_1818  : i32 {
        %mul3A_1823 = arith.constant 4 : i32
        %mul3A_1824 = arith.muli %scan3A_1822, %mul3A_1823 : i32
        %shift_right_arithmetic3A_1825 = arith.constant 7 : i32
        %shift_right_arithmetic3A_1826 = arith.shrsi %mul3A_1824, %shift_right_arithmetic3A_1825 : i32
        %and3A_1827 = arith.constant 127 : i32
        %and3A_1828 = arith.andi %mul3A_1824, %and3A_1827 : i32
        %add3A_1829 = vector.broadcast %and3A_1828 : i32 to vector<16xi32>
        %add3A_1830 = arith.addi %shift_right_arithmetic3A_1811, %add3A_1829 : vector<16xi32>
        %add3A_1831 = vector.broadcast %mul3A_1824 : i32 to vector<16xi32>
        %add3A_1832 = arith.addi %shift_right_arithmetic3A_1811, %add3A_1831 : vector<16xi32>
        %gather3A = tpu.vector_load_idx %arg7[%add3A_1832] : memref<1024xf32, #tpu.memory_space<vmem>>[vector<16xi32>], vector<16xf32>,
        %gather3A_1833 = tpu.vector_load_idx %arg8[%add3A_1832] : memref<1024xf32, #tpu.memory_space<vmem>>[vector<16xi32>], vector<16xf32>,
        %gather3A_1834 = tpu.vector_load_idx %arg9[%add3A_1832] : memref<1024xf32, #tpu.memory_space<vmem>>[vector<16xi32>], vector<16xf32>,
        %broadcast_in_dim3A = vector.broadcast %shift_right_arithmetic3A_1826 : i32 to vector<16xi32>
        %broadcast_in_dim3A_1835 = arith.constant 0 : i32
        %broadcast_in_dim3A_1836 = vector.broadcast %broadcast_in_dim3A_1835 : i32 to vector<16xi32>
        %gather3A_1837 = tpu.vector_load_idx %arg11[%broadcast_in_dim3A_1836, %broadcast_in_dim3A, %add3A_1830, %and3A_1813] : memref<8x8x128x4xf32, #tpu.memory_space<vmem>>[vector<16xi32>, vector<16xi32>, vector<16xi32>, vector<16xi32>], vector<16xf32>,
        %broadcast_in_dim3A_1838 = arith.constant 1 : i32
        %broadcast_in_dim3A_1839 = vector.broadcast %broadcast_in_dim3A_1838 : i32 to vector<16xi32>
        %gather3A_1840 = tpu.vector_load_idx %arg11[%broadcast_in_dim3A_1839, %broadcast_in_dim3A, %add3A_1830, %and3A_1813] : memref<8x8x128x4xf32, #tpu.memory_space<vmem>>[vector<16xi32>, vector<16xi32>, vector<16xi32>, vector<16xi32>], vector<16xf32>,
        %broadcast_in_dim3A_1841 = arith.constant 2 : i32
        %broadcast_in_dim3A_1842 = vector.broadcast %broadcast_in_dim3A_1841 : i32 to vector<16xi32>
        %gather3A_1843 = tpu.vector_load_idx %arg11[%broadcast_in_dim3A_1842, %broadcast_in_dim3A, %add3A_1830, %and3A_1813] : memref<8x8x128x4xf32, #tpu.memory_space<vmem>>[vector<16xi32>, vector<16xi32>, vector<16xi32>, vector<16xi32>], vector<16xf32>,
        %broadcast_in_dim3A_1844 = arith.constant 3 : i32
        %broadcast_in_dim3A_1845 = vector.broadcast %broadcast_in_dim3A_1844 : i32 to vector<16xi32>
        %gather3A_1846 = tpu.vector_load_idx %arg11[%broadcast_in_dim3A_1845, %broadcast_in_dim3A, %add3A_1830, %and3A_1813] : memref<8x8x128x4xf32, #tpu.memory_space<vmem>>[vector<16xi32>, vector<16xi32>, vector<16xi32>, vector<16xi32>], vector<16xf32>,
        %broadcast_in_dim3A_1847 = arith.constant 4 : i32
        %broadcast_in_dim3A_1848 = vector.broadcast %broadcast_in_dim3A_1847 : i32 to vector<16xi32>
        %gather3A_1849 = tpu.vector_load_idx %arg11[%broadcast_in_dim3A_1848, %broadcast_in_dim3A, %add3A_1830, %and3A_1813] : memref<8x8x128x4xf32, #tpu.memory_space<vmem>>[vector<16xi32>, vector<16xi32>, vector<16xi32>, vector<16xi32>], vector<16xf32>,
        %broadcast_in_dim3A_1850 = arith.constant 5 : i32
        %broadcast_in_dim3A_1851 = vector.broadcast %broadcast_in_dim3A_1850 : i32 to vector<16xi32>
        %gather3A_1852 = tpu.vector_load_idx %arg11[%broadcast_in_dim3A_1851, %broadcast_in_dim3A, %add3A_1830, %and3A_1813] : memref<8x8x128x4xf32, #tpu.memory_space<vmem>>[vector<16xi32>, vector<16xi32>, vector<16xi32>, vector<16xi32>], vector<16xf32>,
        %broadcast_in_dim3A_1853 = arith.constant 6 : i32
        %broadcast_in_dim3A_1854 = vector.broadcast %broadcast_in_dim3A_1853 : i32 to vector<16xi32>
        %gather3A_1855 = tpu.vector_load_idx %arg11[%broadcast_in_dim3A_1854, %broadcast_in_dim3A, %add3A_1830, %and3A_1813] : memref<8x8x128x4xf32, #tpu.memory_space<vmem>>[vector<16xi32>, vector<16xi32>, vector<16xi32>, vector<16xi32>], vector<16xf32>,
        %broadcast_in_dim3A_1856 = arith.constant 7 : i32
        %broadcast_in_dim3A_1857 = vector.broadcast %broadcast_in_dim3A_1856 : i32 to vector<16xi32>
        %gather3A_1858 = tpu.vector_load_idx %arg11[%broadcast_in_dim3A_1857, %broadcast_in_dim3A, %add3A_1830, %and3A_1813] : memref<8x8x128x4xf32, #tpu.memory_space<vmem>>[vector<16xi32>, vector<16xi32>, vector<16xi32>, vector<16xi32>], vector<16xf32>,
        %sub3A = arith.constant 1.000000e+00 : f32
        %sub3A_1859 = vector.broadcast %sub3A : f32 to vector<16xf32>
        %sub3A_1860 = arith.subf %sub3A_1859, %gather3A : vector<16xf32>
        %sub3A_1861 = arith.constant 1.000000e+00 : f32
        %sub3A_1862 = vector.broadcast %sub3A_1861 : f32 to vector<16xf32>
        %sub3A_1863 = arith.subf %sub3A_1862, %gather3A_1833 : vector<16xf32>
        %sub3A_1864 = arith.constant 1.000000e+00 : f32
        %sub3A_1865 = vector.broadcast %sub3A_1864 : f32 to vector<16xf32>
        %sub3A_1866 = arith.subf %sub3A_1865, %gather3A_1834 : vector<16xf32>
        %mul3A_1867 = arith.mulf %gather3A_1837, %sub3A_1860 : vector<16xf32>
        %mul3A_1868 = arith.mulf %gather3A_1849, %gather3A : vector<16xf32>
        %add3A_1869 = arith.addf %mul3A_1867, %mul3A_1868 : vector<16xf32>
        %mul3A_1870 = arith.mulf %gather3A_1840, %sub3A_1860 : vector<16xf32>
        %mul3A_1871 = arith.mulf %gather3A_1852, %gather3A : vector<16xf32>
        %add3A_1872 = arith.addf %mul3A_1870, %mul3A_1871 : vector<16xf32>
        %mul3A_1873 = arith.mulf %gather3A_1843, %sub3A_1860 : vector<16xf32>
        %mul3A_1874 = arith.mulf %gather3A_1855, %gather3A : vector<16xf32>
        %add3A_1875 = arith.addf %mul3A_1873, %mul3A_1874 : vector<16xf32>
        %mul3A_1876 = arith.mulf %gather3A_1846, %sub3A_1860 : vector<16xf32>
        %mul3A_1877 = arith.mulf %gather3A_1858, %gather3A : vector<16xf32>
        %add3A_1878 = arith.addf %mul3A_1876, %mul3A_1877 : vector<16xf32>
        %mul3A_1879 = arith.mulf %add3A_1869, %sub3A_1863 : vector<16xf32>
        %mul3A_1880 = arith.mulf %add3A_1875, %gather3A_1833 : vector<16xf32>
        %add3A_1881 = arith.addf %mul3A_1879, %mul3A_1880 : vector<16xf32>
        %mul3A_1882 = arith.mulf %add3A_1872, %sub3A_1863 : vector<16xf32>
        %mul3A_1883 = arith.mulf %add3A_1878, %gather3A_1833 : vector<16xf32>
        %add3A_1884 = arith.addf %mul3A_1882, %mul3A_1883 : vector<16xf32>
        %mul3A_1885 = arith.mulf %add3A_1881, %sub3A_1866 : vector<16xf32>
        %mul3A_1886 = arith.mulf %add3A_1884, %gather3A_1834 : vector<16xf32>
        %add3A_1887 = arith.addf %mul3A_1885, %mul3A_1886 : vector<16xf32>
        %mul3A_1888 = arith.constant 16 : i32
        %mul3A_1889 = arith.muli %scan3A_1822, %mul3A_1888 : i32
        %swap3A = arith.index_cast %mul3A_1889 : i32 to index
        %swap3A_1890 = tpu.vector_load %arg12[%swap3A] {strides = array<i32>} : memref<4096xf32, #tpu.memory_space<vmem>>, vector<16xf32>,
        tpu.vector_store %arg12[%swap3A], %add3A_1887 {strides = array<i32>} : memref<4096xf32, #tpu.memory_space<vmem>>, vector<16xf32>,
      }
      %scan3A_1819 = arith.constant 256 : i32
      %mul3A_1820 = arith.constant 4 : i32
      %mul3A_1821 = arith.muli %add3A_13, %mul3A_1820 : i32
      "tpu.region"() ({
        %run_scoped3A = tpu.sem_alloc : memref<!tpu.dma_semaphore, #tpu.memory_space<semaphore_mem>>
        %dma_start3A_1822 = tpu.memref_slice %arg6[%mul3A_1821] : memref<7077888xf32, #tpu.memory_space<hbm>> -> memref<4096xf32, #tpu.memory_space<hbm>>
        %dma_start3A_1823 = tpu.memref_slice %arg6[%mul3A_1821] : memref<7077888xf32, #tpu.memory_space<hbm>> -> memref<4096xf32, #tpu.memory_space<hbm>>
        tpu.enqueue_dma source(%arg12 : memref<4096xf32, #tpu.memory_space<vmem>>) target(%dma_start3A_1823 : memref<4096xf32, #tpu.memory_space<hbm>>) target_semaphore(%run_scoped3A : memref<!tpu.dma_semaphore, #tpu.memory_space<semaphore_mem>>)
        %dma_wait3A_1824 = tpu.memref_slice %arg6[%mul3A_1821] : memref<7077888xf32, #tpu.memory_space<hbm>> -> memref<4096xf32, #tpu.memory_space<hbm>>
        %dma_wait3A_1825 = tpu.memref_slice %arg6[%mul3A_1821] : memref<7077888xf32, #tpu.memory_space<hbm>> -> memref<4096xf32, #tpu.memory_space<hbm>>
        tpu.wait_dma2 semaphore(%run_scoped3A : memref<!tpu.dma_semaphore, #tpu.memory_space<semaphore_mem>>) src(%arg12 : memref<4096xf32, #tpu.memory_space<vmem>>) dst(%dma_wait3A_1825 : memref<4096xf32, #tpu.memory_space<hbm>>)
        tpu.yield
      }) : () -> ()
    }
    %scan3A_9 = arith.constant 54 : i32
    return
  }
}

</mosaic_0001>

<sc_bundles>
// kernel: kernel.3.cloned.1.call-start
scs
__scs_entry_jumppad:
0x0: {  	(pc) =	sbr.rel $0x88, $3  }
0x1: {  	(tag) =	ssettag $0x0;
	lr =	simm.s32 $0x1  }
0x2: {  	[smem:$0x3F9F] =	sst lr;
	_ =	strace $0xD0000000  }
0x3: {  	_ = 	snop  }
0x4: {  	_ = 	snop  }
0x5: {  	_ = 	snop  }
0x6: {  	_ = 	snop  }
0x7: {  	_ = 	snop  }
__scs_overlays_trampoline_lowered:
0x8: {  	[smem:$0x3FAE] =	sst s0  }
0x9: {  	[smem:$0x3FAF] =	sst s1  }
0xa: {  	[smem:$0x3FB0] =	sst s2  }
0xb: {  	[smem:$0x3FB1] =	sst s3  }
0xc: {  	[smem:$0x3FB2] =	sst s4  }
0xd: {  	[smem:$0x3FB3] =	sst s5  }
0xe: {  	[smem:$0x3FB4] =	sst s6  }
0xf: {  	[smem:$0x3FB5] =	sst s7  }
0x10: {  	[smem:$0x3FB6] =	sst s8  }
0x11: {  	[smem:$0x3FB7] =	sst s9;
	s0 =	simm.s32 @!p0 $0x0  }
0x12: {  	s1 =	sld [smem:$0x3F9D];
	s0 =	simm.s32 @p0 $0x1  }
0x13: {  	[smem:$0x3FB8] =	sst s0;
	s0 =	simm.s32 @!p1 $0x0  }
0x14: {  	s2 =	sld [smem:$0x3F9C];
	s0 =	simm.s32 @p1 $0x1  }
0x15: {  	[smem:$0x3FB9] =	sst s0;
	s0 =	simm.s32 @!p2 $0x0  }
0x16: {  	s3 =	sld [smem:$0x3FDB];
	s0 =	simm.s32 @p2 $0x1  }
0x17: {  	s4 =	simm.s32 $0x1BF5;
	[smem:$0x3FBB] =	sst s0  }
0x18: {  	s0 =	sld [smem:$0x3F9E];
	_ =	swait.ge [sflag:s4], $0x0  }
0x19: {  	s7 =	sld [smem:$0x3F9F]  }
0x1a: {  	s8 =	sadd.s32 $0xFFFFE003, lr  }
0x1b: {  	s9 =	sadd.s32 $0xFFFFFEF7, lr;
	s5 =	simm.s32 $0xFFFFFFFF;
	p2 =	slt.u32 s8, $0xFFFFF086  }
0x1c: {  	p1 =	slt.u32 s9, $0xF7A;
	s5 =	simm.s32 @!p2 $0x0  }
0x1d: {  	s5 =	simm.s32 @p1 $0x1;
	p0 =	seq.s32 s7, s2  }
0x1e: {  	s7 =	smul.u32 @!p0 $0xF7A, s2;
	p2 =	seq.s32 @!p0 s5, $0x0  }
0x1f: {  	s9 =	smul.u32 $0xF7A, s1;
	s8 =	simm.s32 @!p0 $0x1BF5;
	p2 =	por !p2, p0  }
0x20: {  	[sflag:s8] =	ssyncset.s32 @!p0 $0xFFFFF086;
	s6 =	sadd.s32 @!p0 s3, s7;
	s7 =	simm.s32 @!p0 $0x108  }
0x21: {  	s3 =	sadd.s32 s3, s9;
	s6 =	sadd.s32 @!p0 $0x88, s6;
	s7 =	simm.s32 @p2 $0x1082  }
0x22: {  	[simem:s7], [sflag:s8] =	dma.local @!p0 [hbm:s6], $0xF7A  }
0x23: {  	s9 =	sor.u32 $0xD0000000, s2;
	s6 =	simm.s32 $0x108;
	_ =	swait.ge @!p0 [sflag:s8], $0x0  }
0x24: {  	s3 =	sadd.s32 $0x88, s3;
	s6 =	simm.s32 @!p1 $0x1082;
	[sflag:s4] =	ssyncset.s32 $0xFFFFF086  }
0x25: {  	[simem:s6], [sflag:s4] =	dma.local [hbm:s3], $0xF7A  }
0x26: {  	[smem:$0x3F9F] =	sst s1;
	(tag) =	ssettag s2;
	_ =	strace s9  }
0x27: {  	s1 =	sld [smem:$0x3FAF]  }
0x28: {  	s2 =	sld [smem:$0x3FB0]  }
0x29: {  	s4 =	sld [smem:$0x3FB2]  }
0x2a: {  	p0 =	seq.s32 s5, $0x0;
	s5 =	sld [smem:$0x3FB3]  }
0x2b: {  	s6 =	sld [smem:$0x3FB4]  }
0x2c: {  	s7 =	sld [smem:$0x3FB5]  }
0x2d: {  	s3 =	simm.s32 $0x108;
	s8 =	sld [smem:$0x3FB6]  }
0x2e: {  	s3 =	simm.s32 @!p0 $0x1082;
	s9 =	sld [smem:$0x3FB7]  }
0x2f: {  	lr =	sadd.s32 s0, s3;
	s0 =	sld [smem:$0x3FAE]  }
0x30: {  	s3 =	sld [smem:$0x3FB1]  }
0x31: {  	[smem:$0x3FBA] =	sst s10  }
0x32: {  	s10 =	sld [smem:$0x3FB8];
	_ =	sdelay $0x3  }
0x33: {  	p0 =	seq.s32 s10, $0x1;
	s10 =	sld [smem:$0x3FBA];
	_ =	sdelay $0x3  }
0x34: {  	[smem:$0x3FBA] =	sst s10  }
0x35: {  	s10 =	sld [smem:$0x3FB9];
	_ =	sdelay $0x3  }
0x36: {  	p1 =	seq.s32 s10, $0x1;
	s10 =	sld [smem:$0x3FBA];
	_ =	sdelay $0x3  }
0x37: {  	[smem:$0x3FBA] =	sst s10  }
0x38: {  	s10 =	sld [smem:$0x3FBB]  }
0x39: {  	_ = 	snop;
	(pc) =	sbr.ind lr, $3  }
0x3a: {  	_ = 	snop  }
0x3b: {  	_ = 	snop  }
0x3c: {  	p2 =	seq.s32 s10, $0x1;
	s10 =	sld [smem:$0x3FBA]  }
0x3d: {  	_ =	shalt  }
0x3e: {  	_ =	shalt  }
0x3f: {  	_ =	shalt  }
0x40: {  	_ =	shalt  }
0x41: {  	_ =	shalt  }
0x42: {  	_ =	shalt  }
0x43: {  	_ =	shalt  }
0x44: {  	_ =	shalt  }
0x45: {  	_ =	shalt  }
0x46: {  	_ =	shalt  }
0x47: {  	_ =	shalt  }
0x48: {  	_ =	shalt  }
0x49: {  	_ =	shalt  }
0x4a: {  	_ =	shalt  }
0x4b: {  	_ =	shalt  }
0x4c: {  	_ =	shalt  }
0x4d: {  	_ =	shalt  }
0x4e: {  	_ =	shalt  }
0x4f: {  	_ =	shalt  }
0x50: {  	_ =	shalt  }
0x51: {  	_ =	shalt  }
0x52: {  	_ =	shalt  }
0x53: {  	_ =	shalt  }
0x54: {  	_ =	shalt  }
0x55: {  	_ =	shalt  }
0x56: {  	_ =	shalt  }
0x57: {  	_ =	shalt  }
0x58: {  	_ =	shalt  }
0x59: {  	_ =	shalt  }
0x5a: {  	_ =	shalt  }
0x5b: {  	_ =	shalt  }
0x5c: {  	_ =	shalt  }
0x5d: {  	_ =	shalt  }
0x5e: {  	_ =	shalt  }
0x5f: {  	_ =	shalt  }
0x60: {  	_ =	shalt  }
0x61: {  	_ =	shalt  }
0x62: {  	_ =	shalt  }
0x63: {  	_ =	shalt  }
0x64: {  	_ =	shalt  }
0x65: {  	_ =	shalt  }
0x66: {  	_ =	shalt  }
0x67: {  	_ =	shalt  }
0x68: {  	_ =	shalt  }
0x69: {  	_ =	shalt  }
0x6a: {  	_ =	shalt  }
0x6b: {  	_ =	shalt  }
0x6c: {  	_ =	shalt  }
0x6d: {  	_ =	shalt  }
0x6e: {  	_ =	shalt  }
0x6f: {  	_ =	shalt  }
0x70: {  	_ =	shalt  }
0x71: {  	_ =	shalt  }
0x72: {  	_ =	shalt  }
0x73: {  	_ =	shalt  }
0x74: {  	_ =	shalt  }
0x75: {  	_ =	shalt  }
0x76: {  	_ =	shalt  }
0x77: {  	_ =	shalt  }
0x78: {  	_ =	shalt  }
0x79: {  	_ =	shalt  }
0x7a: {  	_ =	shalt  }
0x7b: {  	_ =	shalt  }
0x7c: {  	_ =	shalt  }
0x7d: {  	_ =	shalt  }
0x7e: {  	_ =	shalt  }
0x7f: {  	_ =	shalt  }
0x80: {  	_ =	shalt  }
0x81: {  	_ =	shalt  }
0x82: {  	_ =	shalt  }
0x83: {  	_ =	shalt  }
0x84: {  	_ =	shalt  }
0x85: {  	_ =	shalt  }
0x86: {  	_ =	shalt  }
0x87: {  	_ =	shalt  }
.Lfunc_end0:
.L_simem_size_0:
called_computation_lowered:
.L_overlay_start_0:
0x88: {  	s2 =	sld [smem:$0x3FD9]  }
0x89: {  	s3 =	sld [smem:$0x3FFE];
	_ =	sdelay $0x1  }
0x8a: {  	s1 =	srdreg.scid  }
0x8b: {  	s0 =	sand.u32 $0x1, s1  }
0x8c: {  	s17 =	sshll.u32 s0, $0xA;
	s2 =	sadd.s32 s3, s2  }
0x8d: {  	s2 =	sadd.s32 s2, s17  }
0x8e: {  	[smem:$0x3FC6] =	sst s2  }
0x8f: {  	_ = 	snop  }
0x90: {  	s2 =	sld [smem:$0x3FD0];
	(tm) =	ssettm $0x1  }
0x91: {  	s18 =	sld [smem:$0x3FFB];
	_ =	sdelay $0x3  }
0x92: {  	_ =	strace s18  }
0x93: {  	s3 =	sld [smem:$0x3FFC];
	_ =	sdelay $0x3  }
0x94: {  	_ =	strace s3  }
0x95: {  	s3 =	sld [smem:$0x3FFD];
	_ =	sdelay $0x3  }
0x96: {  	_ =	strace s3  }
0x97: {  	_ =	strace $0x8FFFFFFF  }
0x98: {  	s19 =	sld [smem:$0x3FDB];
	_ =	sdelay $0x1  }
0x99: {  	s4 =	simm.s32 $_scs_section_size  }
0x9a: {  	s5 =	simm.s32 $_size__tile_overlayer_lowered;
	s6 =	simm.s32 $_tile_overlayer_lowered  }
0x9b: {  	s22 =	simm.s32 $0x1BFF;
	s21 =	sshll.u32 s6, $0x1;
	s3 =	sadd.s32 s4, s19  }
0x9c: {  	s7 =	simm.s32 $0x0;
	s20 =	sshll.u32 s5, $0x1;
	s5 =	sadd.s32 s21, s3  }
0x9d: {  	[timem:s7], [sflag:s22] =	dma.local [hbm:s5], s20  }
0x9e: {  	_ =	swait.ge [sflag:s22], s20  }
0x9f: {  	s4 =	ssub.s32 $0x0, s20;
	[sflag:s22] =	ssyncset.done $0x0  }
0xa0: {  	[sflag:s22] =	ssyncadd.s32 s4;
	_ =	sdelay $0x1  }
0xa1: {  	s23 =	simm.s32 $0x1B8B  }
0xa2: {  	_ =	swait.ge [sflag:s23], $0x1  }
0xa3: {  	[sflag:s23] =	ssyncset.done $0x0  }
0xa4: {  	s25 =	simm.s32 $0x1B8E;
	s24 =	sld [smem:$0x3FFE];
	[sflag:s23] =	ssyncadd.s32 $0xFFFFFFFF  }
0xa5: {  	s26 =	simm.s32 $execute0_lowered;
	[smem:$0x3FD2] =	sst s25  }
0xa6: {  	s5 =	sshll.u32 s26, $0x1;
	_ =	strace $0x80000046;
	[dreg:$0x1] =	wrdreg $0xFFFFFFFF  }
0xa7: {  	s28 =	simm.s32 $_size_execute0_lowered;
	s3 =	sadd.s32 s3, s5;
	[dreg:$0x0] =	wrdreg $0x0  }
0xa8: {  	s5 =	sshll.u32 s28, $0x1;
	[dreg:$0x2] =	wrdreg s3  }
0xa9: {  	[dreg:$0x3] =	wrdreg s5  }
0xaa: {  	[dreg:$0x4] =	wrdreg $0xC0  }
0xab: {  	_ =	task [dreg:s7], $0x5FFFF  }
0xac: {  	[dreg:$0x1] =	wrdreg $0xFFFFFFFF  }
0xad: {  	[dreg:$0x0] =	wrdreg $0x60  }
0xae: {  	[dreg:$0x2] =	wrdreg s24  }
0xaf: {  	[dreg:$0x3] =	wrdreg s2  }
0xb0: {  	[dreg:$0x4] =	wrdreg $0x9  }
0xb1: {  	_ =	task.clear_ibuf [dreg:s7], $0x5FFFF;
	_ =	strace $0x90000046  }
0xb2: {  	s29 =	simm.s32 $0x9;
	_ =	strace $0x80000048  }
0xb3: {  	_ =	swait.ge [sflag:s29], $0x1  }
0xb4: {  	[sflag:s29] =	ssyncadd.s32 $0xFFFFFFFF  }
0xb5: {  	_ =	strace $0x90000048  }
0xb6: {  	_ =	sfence  }
0xb7: {  	s30 =	sld [smem:$0x0];
	_ =	sdelay $0x2  }
0xb8: {  	s31 =	sshll.u32 s1, $0xD;
	s1 =	sshrl.u32 s1, $0x2  }
0xb9: {  	s3 =	sand.u32 $0x4000, s31;
	s1 =	sadd.s32 s1, s30  }
0xba: {  	s0 =	sor.u32 s3, s0;
	s1 =	sshll.u32 s1, $0x11  }
0xbb: {  	s0 =	sor.u32 s1, s0  }
0xbc: {  	s0 =	sadd.s32 $0x8F2B, s0  }
0xbd: {  	[sflag:s0] =	ssyncadd.remote.s32 $0x1  }
0xbe: {  	_ =	sfence.sel $0xFFFF  }
0xbf: {  	[dreg:$0x0] =	wrdreg $0xFFFFFFFF;
	(pc) =	sbr.abs _section_cstart, $3  }
0xc0: {  	[dreg:$0x1] =	wrdreg $0xFFFFFFFF  }
0xc1: {  	_ =	task.clear_ibuf [dreg:s7], $0x2FFFF;
	_ =	strace $0x9FFFFFFF  }
0xc2: {  	(tm) =	ssettm $0x7FFFFFFF  }
0xc3: {  	_ =	shalt  }
tec
execute0_lowered:
.L_overlay_start_1:
0x0: {  	(tag) =	ssettag $0x1  }
0x1: {  	s0 =	rddreg [dreg:$0x0];
	s2 =	simm.s32 $0x0;
	s1 =	srdreg.scid  }
0x2: {  	s9 =	stileid.u32;
	s10 =	simm.s32 $0x2;
	s11 =	simm.s32 $0x80  }
0x3: {  	s13 =	simm.s32 $0x2C00;
	s24 =	simm.s32 $0x2A80;
	s28 =	simm.s32 $0x12400  }
0x4: {  	s29 =	simm.s32 $0x2B80;
	s30 =	simm.s32 $0x12800;
	s31 =	simm.s32 $0x1  }
0x5: {  	s12 =	simm.s32 $0x0;
	[smem:$0x7FF] =	sst s2;
	s4 =	sadd.s32 $0x800, s0  }
0x6: {  	s1 =	sand.u32 $0x1, s1;
	s5 =	sadd.s32 $0x21C800, s0;
	s6 =	sadd.s32 $0x1E6800, s0  }
0x7: {  	s7 =	sadd.s32 $0x1B0800, s0;
	s25 =	sshll.u32 s9, $0x1;
	p0 =	slt.u32 s9, $0x8  }
0x8: {  	v1 =	vlaneseq.u32;
	s0 =	simm.s32 $0x0;
	s9 =	simm.s32 $0x12C00;
	s3 =	ssub.s32 $0x2, s1  }
0x9: {  	v0 =	vshrl.u32 v1, $0x2;
	v1 =	vand.u32 $0x3, v1;
	_ =	strace $0x80000047;
	s1 =	sor.u32 s1, s25;
	s8 =	sshrl.u32 s3, $0x1  }
0xa: {  	s0 =	simm.s32 @!p0 $0xD8000;
	s25 =	simm.s32 $0x12000;
	v3 =	vmul.u32 $0x8, v0;
	v4 =	vor.u32 $0x2000, v1;
	v5 =	vor.u32 $0x4000, v1;
	s3 =	ssub.s32 s3, s8  }
0xb: {  	v6 =	vor.u32 $0x6000, v1;
	v7 =	vor.u32 $0x8000, v1;
	v2 =	vmov s0;
	s0 =	simm.s32 $0x400;
	s8 =	smul.u32 $0xD800, s1;
	s26 =	smax.u32 s3, $0x1  }
0xc: {  	v8 =	vor.u32 $0xA000, v1;
	v9 =	vor.u32 $0xC000, v1;
	v10 =	vor.u32 $0xE000, v1;
	s3 =	simm.s32 $0x800;
	[dreg:$0x3] =	wrdreg s26;
	s26 =	simm.s32 $0x2B00  }
.LBB2_1:
0xd: {  	[dreg:$0x4] =	wrdreg s12;
	s1 =	simm.s32 $0x0  }
.LBB2_2:
0xe: {  	s12 =	sshll.u32 s1, $0xA  }
0xf: {  	s12 =	sadd.s32 s8, s12  }
0x10: {  	s14 =	sshrl.u32 s12, $0x3  }
0x11: {  	s16 =	simm.s32 $0x0;
	s15 =	sadd.s32 s5, s14  }
0x12: {  	[tilespmem:s16], [sflag:$0x2] =	stream.linear.gather [hbm4b:s15+s16], $0x400, $0x38;
	[tilespmem:$0x13C00] =	vst v63  }
0x13: {  	_ =	swait.ge [sflag:s10], $0x400  }
0x14: {  	[sflag:s10] =	ssyncset.done $0x0  }
0x15: {  	s17 =	simm.s32 $0x400;
	s22 =	sadd.s32 s6, s14;
	[sflag:s10] =	ssyncadd.s32 $0xFFFFFC00  }
0x16: {  	[tilespmem:s17], [sflag:$0x2] =	stream.linear.gather [hbm4b:s22+s16], $0x400, $0x38;
	[tilespmem:$0x13C00] =	vst v63  }
0x17: {  	_ =	swait.ge [sflag:s10], $0x400  }
0x18: {  	[sflag:s10] =	ssyncset.done $0x0  }
0x19: {  	s23 =	simm.s32 $0x800;
	s14 =	sadd.s32 s7, s14;
	[sflag:s10] =	ssyncadd.s32 $0xFFFFFC00  }
0x1a: {  	[tilespmem:s23], [sflag:$0x2] =	stream.linear.gather [hbm4b:s14+s16], $0x400, $0x38;
	[tilespmem:$0x13C00] =	vst v63  }
0x1b: {  	_ =	swait.ge [sflag:s10], $0x400  }
0x1c: {  	[sflag:s10] =	ssyncset.done $0x0  }
0x1d: {  	[sflag:s10] =	ssyncadd.s32 $0xFFFFFC00  }
0x1e: {  	v11 =	vld [tilespmem:s16+$0x0]  }
0x1f: {  	v12 =	vld [tilespmem:s17+$0x0]  }
0x20: {  	v13 =	vld [tilespmem:s23+$0x0];
	_ =	sdelay $0x2  }
0x21: {  	v14 =	vtrunc.f32 v11  }
0x22: {  	v15 =	vtrunc.f32 v12;
	v14 =	vcvt.f32.s32 v14  }
0x23: {  	v16 =	vtrunc.f32 v13;
	v15 =	vcvt.f32.s32 v15  }
0x24: {  	v16 =	vcvt.f32.s32 v16;
	vm0 =	vlt.s32 v14, $0x5E  }
0x25: {  	vm14 =	vlt.s32 v15, $0x5E;
	v14 =	vnsel vm0, $0x5E, v14  }
0x26: {  	vm15 =	vlt.s32 v16, $0x5E;
	v15 =	vnsel vm14, $0x5E, v15;
	v17 =	vcvt.s32.f32 v14  }
0x27: {  	v16 =	vnsel vm15, $0x5E, v16;
	v18 =	vcvt.s32.f32 v15  }
0x28: {  	v63 =	vcvt.s32.f32 v16;
	v14 =	vmul.u32 $0x2400, v14;
	v11 =	vsub.f32 v11, v17  }
0x29: {  	v15 =	vmul.u32 $0x60, v15;
	v12 =	vsub.f32 v12, v18  }
0x2a: {  	[tilespmem:s16+$0x0] =	vst v11;
	v11 =	vsub.f32 v13, v63;
	v13 =	vadd.s32 v2, v14  }
0x2b: {  	[tilespmem:s17+$0x0] =	vst v12;
	v12 =	vadd.s32 v15, v13  }
0x2c: {  	s22 =	sand.u32 $0x3F0, s16;
	[tilespmem:s23+$0x0] =	vst v11;
	v13 =	vadd.s32 v16, v12  }
0x2d: {  	[tilespmem:s22+$0xC00] =	vst v13;
	v11 =	vadd.s32 $0x1, v13  }
0x2e: {  	v14 =	vadd.s32 $0x2400, v13;
	[tilespmem:s22+$0x1000] =	vst v11  }
0x2f: {  	s18 =	simm.s32 $0x10;
	s19 =	simm.s32 $0x410;
	v11 =	vadd.s32 $0x60, v13;
	[tilespmem:s22+$0x1C00] =	vst v14  }
0x30: {  	s20 =	simm.s32 $0x810;
	s21 =	simm.s32 $0x20;
	s15 =	simm.s32 $0x10;
	[tilespmem:s22+$0x1400] =	vst v11;
	v11 =	vadd.s32 $0x61, v13  }
0x31: {  	s14 =	simm.s32 $0x10;
	s16 =	simm.s32 $0x410;
	s17 =	simm.s32 $0x810;
	v12 =	vadd.s32 $0x2401, v13;
	[tilespmem:s22+$0x1800] =	vst v11;
	v11 =	vadd.s32 $0x2460, v13;
	v13 =	vadd.s32 $0x2461, v13  }
.LBB2_3:
0x32: {  	s18 =	sadd.s32 $0x10, s18;
	s19 =	sadd.s32 $0x10, s19;
	s20 =	sadd.s32 $0x10, s20;
	[tilespmem:s22+$0x2000] =	vst v12  }
0x33: {  	p0 =	sne.s32 s21, $0x3F0;
	s23 =	smov.u32 s21;
	s21 =	sadd.s32 $0x10, s21;
	[tilespmem:s22+$0x2800] =	vst v13  }
0x34: {  	[tilespmem:s22+$0x2400] =	vst v11  }
0x35: {  	v11 =	vld [tilespmem:s15+$0x0]  }
0x36: {  	v12 =	vld [tilespmem:s16+$0x0]  }
0x37: {  	v13 =	vld [tilespmem:s17+$0x0];
	_ =	sdelay $0x2  }
0x38: {  	v14 =	vtrunc.f32 v11  }
0x39: {  	v14 =	vcvt.f32.s32 v14;
	v15 =	vtrunc.f32 v12  }
0x3a: {  	v15 =	vcvt.f32.s32 v15;
	v16 =	vtrunc.f32 v13  }
0x3b: {  	vm0 =	vlt.s32 v14, $0x5E;
	v16 =	vcvt.f32.s32 v16  }
0x3c: {  	v14 =	vnsel vm0, $0x5E, v14;
	vm0 =	vlt.s32 v15, $0x5E  }
0x3d: {  	v15 =	vnsel vm0, $0x5E, v15;
	vm0 =	vlt.s32 v16, $0x5E;
	v17 =	vcvt.s32.f32 v14  }
0x3e: {  	v16 =	vnsel vm0, $0x5E, v16;
	v18 =	vcvt.s32.f32 v15;
	v15 =	vmul.u32 $0x60, v15  }
0x3f: {  	v14 =	vmul.u32 $0x2400, v14;
	v11 =	vsub.f32 v11, v17;
	v17 =	vcvt.s32.f32 v16  }
0x40: {  	v12 =	vsub.f32 v12, v18  }
0x41: {  	[tilespmem:s15+$0x0] =	vst v11;
	v11 =	vsub.f32 v13, v17;
	v13 =	vadd.s32 v2, v14;
	s15 =	smov.u32 s18  }
0x42: {  	[tilespmem:s16+$0x0] =	vst v12;
	v12 =	vadd.s32 v15, v13;
	s16 =	smov.u32 s19  }
0x43: {  	s22 =	sand.u32 $0x3F0, s14;
	s14 =	smov.u32 s23;
	[tilespmem:s17+$0x0] =	vst v11;
	v14 =	vadd.s32 v16, v12;
	s17 =	smov.u32 s20  }
.Ltmp0:
0x44: {  	[tilespmem:s22+$0xC00] =	vst v14;
	v13 =	vadd.s32 $0x1, v14;
	v12 =	vadd.s32 $0x2401, v14;
	v11 =	vadd.s32 $0x2460, v14;
	(pc) =	sbr.rel @p0 .LBB2_3-.Ltmp0, $4  }
0x45: {  	v15 =	vadd.s32 $0x60, v14;
	[tilespmem:s22+$0x1000] =	vst v13;
	v13 =	vadd.s32 $0x2461, v14  }
0x46: {  	[tilespmem:s22+$0x1400] =	vst v15;
	v15 =	vadd.s32 $0x61, v14  }
0x47: {  	v14 =	vadd.s32 $0x2400, v14;
	[tilespmem:s22+$0x1800] =	vst v15  }
0x48: {  	[tilespmem:s22+$0x1C00] =	vst v14  }
0x49: {  	[tilespmem:s22+$0x2000] =	vst v12  }
0x4a: {  	[tilespmem:s22+$0x2800] =	vst v13  }
0x4b: {  	[tilespmem:s22+$0x2400] =	vst v11  }
0x4c: {  	v11 =	vld [tilespmem:s15+$0x0]  }
0x4d: {  	v12 =	vld [tilespmem:s16+$0x0]  }
0x4e: {  	v13 =	vld [tilespmem:s17+$0x0];
	_ =	sdelay $0x2  }
0x4f: {  	v14 =	vtrunc.f32 v11  }
0x50: {  	v15 =	vtrunc.f32 v12;
	v14 =	vcvt.f32.s32 v14  }
0x51: {  	v16 =	vtrunc.f32 v13;
	v15 =	vcvt.f32.s32 v15  }
0x52: {  	v16 =	vcvt.f32.s32 v16;
	vm0 =	vlt.s32 v14, $0x5E  }
0x53: {  	vm14 =	vlt.s32 v15, $0x5E;
	v14 =	vnsel vm0, $0x5E, v14  }
0x54: {  	vm15 =	vlt.s32 v16, $0x5E;
	v15 =	vnsel vm14, $0x5E, v15;
	v17 =	vcvt.s32.f32 v14  }
0x55: {  	v16 =	vnsel vm15, $0x5E, v16;
	v18 =	vcvt.s32.f32 v15  }
0x56: {  	v14 =	vmul.u32 $0x2400, v14;
	v11 =	vsub.f32 v11, v17;
	v17 =	vcvt.s32.f32 v16  }
0x57: {  	v15 =	vmul.u32 $0x60, v15;
	v12 =	vsub.f32 v12, v18  }
0x58: {  	[tilespmem:s15+$0x0] =	vst v11;
	v11 =	vsub.f32 v13, v17;
	v13 =	vadd.s32 v2, v14  }
0x59: {  	[tilespmem:s16+$0x0] =	vst v12;
	v12 =	vadd.s32 v15, v13  }
0x5a: {  	s14 =	sand.u32 $0x3F0, s14;
	[tilespmem:s17+$0x0] =	vst v11;
	v11 =	vadd.s32 v16, v12  }
0x5b: {  	[tilespmem:s14+$0xC00] =	vst v11;
	v12 =	vadd.s32 $0x1, v11  }
0x5c: {  	v13 =	vadd.s32 $0x2401, v11;
	[tilespmem:s14+$0x1000] =	vst v12  }
0x5d: {  	v12 =	vadd.s32 $0x60, v11;
	[tilespmem:s14+$0x2000] =	vst v13  }
0x5e: {  	[tilespmem:s14+$0x1400] =	vst v12;
	v12 =	vadd.s32 $0x61, v11  }
0x5f: {  	[tilespmem:s14+$0x1800] =	vst v12;
	v12 =	vadd.s32 $0x2400, v11  }
0x60: {  	[tilespmem:s14+$0x1C00] =	vst v12;
	v12 =	vadd.s32 $0x2461, v11  }
0x61: {  	v11 =	vadd.s32 $0x2460, v11;
	[tilespmem:s14+$0x2800] =	vst v12  }
0x62: {  	s19 =	simm.s32 $0xC00;
	[tilespmem:s14+$0x2400] =	vst v11  }
0x63: {  	[tilespmem:s13], [sflag:$0x1] =	stream.indirect.gather [hbm4b:s4+s11], $0x4, s19, s11, $0xb8;
	[tilespmem:$0x13C00] =	vst v63  }
0x64: {  	s20 =	simm.s32 $0xC80;
	s21 =	simm.s32 $0x3000  }
0x65: {  	[tilespmem:s21], [sflag:$0x1] =	stream.indirect.gather [hbm4b:s4+s11], $0x4, s20, s11, $0xb8;
	[tilespmem:$0x13C00] =	vst v63  }
0x66: {  	s22 =	simm.s32 $0xD00;
	s23 =	simm.s32 $0x3400  }
0x67: {  	[tilespmem:s23], [sflag:$0x1] =	stream.indirect.gather [hbm4b:s4+s11], $0x4, s22, s11, $0xb8;
	[tilespmem:$0x13C00] =	vst v63  }
0x68: {  	s16 =	simm.s32 $0xD80;
	s17 =	simm.s32 $0x3800  }
0x69: {  	[tilespmem:s17], [sflag:$0x1] =	stream.indirect.gather [hbm4b:s4+s11], $0x4, s16, s11, $0xb8;
	[tilespmem:$0x13C00] =	vst v63  }
0x6a: {  	s18 =	simm.s32 $0xE00;
	s19 =	simm.s32 $0x3C00  }
0x6b: {  	[tilespmem:s19], [sflag:$0x1] =	stream.indirect.gather [hbm4b:s4+s11], $0x4, s18, s11, $0xb8;
	[tilespmem:$0x13C00] =	vst v63  }
0x6c: {  	s20 =	simm.s32 $0xE80;
	s21 =	simm.s32 $0x4000  }
0x6d: {  	[tilespmem:s21], [sflag:$0x1] =	stream.indirect.gather [hbm4b:s4+s11], $0x4, s20, s11, $0xb8;
	[tilespmem:$0x13C00] =	vst v63  }
0x6e: {  	s22 =	simm.s32 $0xF00;
	s23 =	simm.s32 $0x4400  }
0x6f: {  	[tilespmem:s23], [sflag:$0x1] =	stream.indirect.gather [hbm4b:s4+s11], $0x4, s22, s11, $0xb8;
	[tilespmem:$0x13C00] =	vst v63  }
0x70: {  	s16 =	simm.s32 $0xF80;
	s17 =	simm.s32 $0x4800  }
0x71: {  	[tilespmem:s17], [sflag:$0x1] =	stream.indirect.gather [hbm4b:s4+s11], $0x4, s16, s11, $0xb8;
	[tilespmem:$0x13C00] =	vst v63  }
0x72: {  	s18 =	simm.s32 $0x1000;
	s19 =	simm.s32 $0x4C00  }
0x73: {  	[tilespmem:s19], [sflag:$0x1] =	stream.indirect.gather [hbm4b:s4+s11], $0x4, s18, s11, $0xb8;
	[tilespmem:$0x13C00] =	vst v63  }
0x74: {  	s20 =	simm.s32 $0x1080;
	s21 =	simm.s32 $0x5000  }
0x75: {  	[tilespmem:s21], [sflag:$0x1] =	stream.indirect.gather [hbm4b:s4+s11], $0x4, s20, s11, $0xb8;
	[tilespmem:$0x13C00] =	vst v63  }
0x76: {  	s22 =	simm.s32 $0x1100;
	s23 =	simm.s32 $0x5400  }
0x77: {  	[tilespmem:s23], [sflag:$0x1] =	stream.indirect.gather [hbm4b:s4+s11], $0x4, s22, s11, $0xb8;
	[tilespmem:$0x13C00] =	vst v63  }
0x78: {  	s16 =	simm.s32 $0x1180;
	s17 =	simm.s32 $0x5800  }
0x79: {  	[tilespmem:s17], [sflag:$0x1] =	stream.indirect.gather [hbm4b:s4+s11], $0x4, s16, s11, $0xb8;
	[tilespmem:$0x13C00] =	vst v63  }
0x7a: {  	s18 =	simm.s32 $0x1200;
	s19 =	simm.s32 $0x5C00  }
0x7b: {  	[tilespmem:s19], [sflag:$0x1] =	stream.indirect.gather [hbm4b:s4+s11], $0x4, s18, s11, $0xb8;
	[tilespmem:$0x13C00] =	vst v63  }
0x7c: {  	s20 =	simm.s32 $0x1280;
	s21 =	simm.s32 $0x6000  }
0x7d: {  	[tilespmem:s21], [sflag:$0x1] =	stream.indirect.gather [hbm4b:s4+s11], $0x4, s20, s11, $0xb8;
	[tilespmem:$0x13C00] =	vst v63  }
0x7e: {  	s22 =	simm.s32 $0x1300;
	s23 =	simm.s32 $0x6400  }
0x7f: {  	[tilespmem:s23], [sflag:$0x1] =	stream.indirect.gather [hbm4b:s4+s11], $0x4, s22, s11, $0xb8;
	[tilespmem:$0x13C00] =	vst v63  }
0x80: {  	s16 =	simm.s32 $0x1380;
	s17 =	simm.s32 $0x6800  }
0x81: {  	[tilespmem:s17], [sflag:$0x1] =	stream.indirect.gather [hbm4b:s4+s11], $0x4, s16, s11, $0xb8;
	[tilespmem:$0x13C00] =	vst v63  }
0x82: {  	s18 =	simm.s32 $0x1400;
	s19 =	simm.s32 $0x6C00  }
0x83: {  	[tilespmem:s19], [sflag:$0x1] =	stream.indirect.gather [hbm4b:s4+s11], $0x4, s18, s11, $0xb8;
	[tilespmem:$0x13C00] =	vst v63  }
0x84: {  	s20 =	simm.s32 $0x1480;
	s21 =	simm.s32 $0x7000  }
0x85: {  	[tilespmem:s21], [sflag:$0x1] =	stream.indirect.gather [hbm4b:s4+s11], $0x4, s20, s11, $0xb8;
	[tilespmem:$0x13C00] =	vst v63  }
0x86: {  	s22 =	simm.s32 $0x1500;
	s23 =	simm.s32 $0x7400  }
0x87: {  	[tilespmem:s23], [sflag:$0x1] =	stream.indirect.gather [hbm4b:s4+s11], $0x4, s22, s11, $0xb8;
	[tilespmem:$0x13C00] =	vst v63  }
0x88: {  	s16 =	simm.s32 $0x1580;
	s17 =	simm.s32 $0x7800  }
0x89: {  	[tilespmem:s17], [sflag:$0x1] =	stream.indirect.gather [hbm4b:s4+s11], $0x4, s16, s11, $0xb8;
	[tilespmem:$0x13C00] =	vst v63  }
0x8a: {  	s18 =	simm.s32 $0x1600;
	s19 =	simm.s32 $0x7C00  }
0x8b: {  	[tilespmem:s19], [sflag:$0x1] =	stream.indirect.gather [hbm4b:s4+s11], $0x4, s18, s11, $0xb8;
	[tilespmem:$0x13C00] =	vst v63  }
0x8c: {  	s20 =	simm.s32 $0x1680;
	s21 =	simm.s32 $0x8000  }
0x8d: {  	[tilespmem:s21], [sflag:$0x1] =	stream.indirect.gather [hbm4b:s4+s11], $0x4, s20, s11, $0xb8;
	[tilespmem:$0x13C00] =	vst v63  }
0x8e: {  	s22 =	simm.s32 $0x1700;
	s23 =	simm.s32 $0x8400  }
0x8f: {  	[tilespmem:s23], [sflag:$0x1] =	stream.indirect.gather [hbm4b:s4+s11], $0x4, s22, s11, $0xb8;
	[tilespmem:$0x13C00] =	vst v63  }
0x90: {  	s16 =	simm.s32 $0x1780;
	s17 =	simm.s32 $0x8800  }
0x91: {  	[tilespmem:s17], [sflag:$0x1] =	stream.indirect.gather [hbm4b:s4+s11], $0x4, s16, s11, $0xb8;
	[tilespmem:$0x13C00] =	vst v63  }
0x92: {  	s18 =	simm.s32 $0x1800;
	s19 =	simm.s32 $0x8C00  }
0x93: {  	[tilespmem:s19], [sflag:$0x1] =	stream.indirect.gather [hbm4b:s4+s11], $0x4, s18, s11, $0xb8;
	[tilespmem:$0x13C00] =	vst v63  }
0x94: {  	s20 =	simm.s32 $0x1880;
	s21 =	simm.s32 $0x9000  }
0x95: {  	[tilespmem:s21], [sflag:$0x1] =	stream.indirect.gather [hbm4b:s4+s11], $0x4, s20, s11, $0xb8;
	[tilespmem:$0x13C00] =	vst v63  }
0x96: {  	s22 =	simm.s32 $0x1900;
	s23 =	simm.s32 $0x9400  }
0x97: {  	[tilespmem:s23], [sflag:$0x1] =	stream.indirect.gather [hbm4b:s4+s11], $0x4, s22, s11, $0xb8;
	[tilespmem:$0x13C00] =	vst v63  }
0x98: {  	s16 =	simm.s32 $0x1980;
	s17 =	simm.s32 $0x9800  }
0x99: {  	[tilespmem:s17], [sflag:$0x1] =	stream.indirect.gather [hbm4b:s4+s11], $0x4, s16, s11, $0xb8;
	[tilespmem:$0x13C00] =	vst v63  }
0x9a: {  	s18 =	simm.s32 $0x1A00;
	s19 =	simm.s32 $0x9C00  }
0x9b: {  	[tilespmem:s19], [sflag:$0x1] =	stream.indirect.gather [hbm4b:s4+s11], $0x4, s18, s11, $0xb8;
	[tilespmem:$0x13C00] =	vst v63  }
0x9c: {  	s20 =	simm.s32 $0x1A80;
	s21 =	simm.s32 $0xA000  }
0x9d: {  	[tilespmem:s21], [sflag:$0x1] =	stream.indirect.gather [hbm4b:s4+s11], $0x4, s20, s11, $0xb8;
	[tilespmem:$0x13C00] =	vst v63  }
0x9e: {  	s22 =	simm.s32 $0x1B00;
	s23 =	simm.s32 $0xA400  }
0x9f: {  	[tilespmem:s23], [sflag:$0x1] =	stream.indirect.gather [hbm4b:s4+s11], $0x4, s22, s11, $0xb8;
	[tilespmem:$0x13C00] =	vst v63  }
0xa0: {  	s16 =	simm.s32 $0x1B80;
	s17 =	simm.s32 $0xA800  }
0xa1: {  	[tilespmem:s17], [sflag:$0x1] =	stream.indirect.gather [hbm4b:s4+s11], $0x4, s16, s11, $0xb8;
	[tilespmem:$0x13C00] =	vst v63  }
0xa2: {  	s18 =	simm.s32 $0x1C00;
	s19 =	simm.s32 $0xAC00  }
0xa3: {  	[tilespmem:s19], [sflag:$0x1] =	stream.indirect.gather [hbm4b:s4+s11], $0x4, s18, s11, $0xb8;
	[tilespmem:$0x13C00] =	vst v63  }
0xa4: {  	s20 =	simm.s32 $0x1C80;
	s21 =	simm.s32 $0xB000  }
0xa5: {  	[tilespmem:s21], [sflag:$0x1] =	stream.indirect.gather [hbm4b:s4+s11], $0x4, s20, s11, $0xb8;
	[tilespmem:$0x13C00] =	vst v63  }
0xa6: {  	s22 =	simm.s32 $0x1D00;
	s23 =	simm.s32 $0xB400  }
0xa7: {  	[tilespmem:s23], [sflag:$0x1] =	stream.indirect.gather [hbm4b:s4+s11], $0x4, s22, s11, $0xb8;
	[tilespmem:$0x13C00] =	vst v63  }
0xa8: {  	s16 =	simm.s32 $0x1D80;
	s17 =	simm.s32 $0xB800  }
0xa9: {  	[tilespmem:s17], [sflag:$0x1] =	stream.indirect.gather [hbm4b:s4+s11], $0x4, s16, s11, $0xb8;
	[tilespmem:$0x13C00] =	vst v63  }
0xaa: {  	s18 =	simm.s32 $0x1E00;
	s19 =	simm.s32 $0xBC00  }
0xab: {  	[tilespmem:s19], [sflag:$0x1] =	stream.indirect.gather [hbm4b:s4+s11], $0x4, s18, s11, $0xb8;
	[tilespmem:$0x13C00] =	vst v63  }
0xac: {  	s20 =	simm.s32 $0x1E80;
	s21 =	simm.s32 $0xC000  }
0xad: {  	[tilespmem:s21], [sflag:$0x1] =	stream.indirect.gather [hbm4b:s4+s11], $0x4, s20, s11, $0xb8;
	[tilespmem:$0x13C00] =	vst v63  }
0xae: {  	s22 =	simm.s32 $0x1F00;
	s23 =	simm.s32 $0xC400  }
0xaf: {  	[tilespmem:s23], [sflag:$0x1] =	stream.indirect.gather [hbm4b:s4+s11], $0x4, s22, s11, $0xb8;
	[tilespmem:$0x13C00] =	vst v63  }
0xb0: {  	s16 =	simm.s32 $0x1F80;
	s17 =	simm.s32 $0xC800  }
0xb1: {  	[tilespmem:s17], [sflag:$0x1] =	stream.indirect.gather [hbm4b:s4+s11], $0x4, s16, s11, $0xb8;
	[tilespmem:$0x13C00] =	vst v63  }
0xb2: {  	s18 =	simm.s32 $0x2000;
	s19 =	simm.s32 $0xCC00  }
0xb3: {  	[tilespmem:s19], [sflag:$0x1] =	stream.indirect.gather [hbm4b:s4+s11], $0x4, s18, s11, $0xb8;
	[tilespmem:$0x13C00] =	vst v63  }
0xb4: {  	s20 =	simm.s32 $0x2080;
	s21 =	simm.s32 $0xD000  }
0xb5: {  	[tilespmem:s21], [sflag:$0x1] =	stream.indirect.gather [hbm4b:s4+s11], $0x4, s20, s11, $0xb8;
	[tilespmem:$0x13C00] =	vst v63  }
0xb6: {  	s22 =	simm.s32 $0x2100;
	s23 =	simm.s32 $0xD400  }
0xb7: {  	[tilespmem:s23], [sflag:$0x1] =	stream.indirect.gather [hbm4b:s4+s11], $0x4, s22, s11, $0xb8;
	[tilespmem:$0x13C00] =	vst v63  }
0xb8: {  	s16 =	simm.s32 $0x2180;
	s17 =	simm.s32 $0xD800  }
0xb9: {  	[tilespmem:s17], [sflag:$0x1] =	stream.indirect.gather [hbm4b:s4+s11], $0x4, s16, s11, $0xb8;
	[tilespmem:$0x13C00] =	vst v63  }
0xba: {  	s18 =	simm.s32 $0x2200;
	s19 =	simm.s32 $0xDC00  }
0xbb: {  	[tilespmem:s19], [sflag:$0x1] =	stream.indirect.gather [hbm4b:s4+s11], $0x4, s18, s11, $0xb8;
	[tilespmem:$0x13C00] =	vst v63  }
0xbc: {  	s20 =	simm.s32 $0x2280;
	s21 =	simm.s32 $0xE000  }
0xbd: {  	[tilespmem:s21], [sflag:$0x1] =	stream.indirect.gather [hbm4b:s4+s11], $0x4, s20, s11, $0xb8;
	[tilespmem:$0x13C00] =	vst v63  }
0xbe: {  	s22 =	simm.s32 $0x2300;
	s23 =	simm.s32 $0xE400  }
0xbf: {  	[tilespmem:s23], [sflag:$0x1] =	stream.indirect.gather [hbm4b:s4+s11], $0x4, s22, s11, $0xb8;
	[tilespmem:$0x13C00] =	vst v63  }
0xc0: {  	s16 =	simm.s32 $0x2380;
	s17 =	simm.s32 $0xE800  }
0xc1: {  	[tilespmem:s17], [sflag:$0x1] =	stream.indirect.gather [hbm4b:s4+s11], $0x4, s16, s11, $0xb8;
	[tilespmem:$0x13C00] =	vst v63  }
0xc2: {  	s18 =	simm.s32 $0x2400;
	s19 =	simm.s32 $0xEC00  }
0xc3: {  	[tilespmem:s19], [sflag:$0x1] =	stream.indirect.gather [hbm4b:s4+s11], $0x4, s18, s11, $0xb8;
	[tilespmem:$0x13C00] =	vst v63  }
0xc4: {  	s20 =	simm.s32 $0x2480;
	s21 =	simm.s32 $0xF000  }
0xc5: {  	[tilespmem:s21], [sflag:$0x1] =	stream.indirect.gather [hbm4b:s4+s11], $0x4, s20, s11, $0xb8;
	[tilespmem:$0x13C00] =	vst v63  }
0xc6: {  	s22 =	simm.s32 $0x2500;
	s23 =	simm.s32 $0xF400  }
0xc7: {  	[tilespmem:s23], [sflag:$0x1] =	stream.indirect.gather [hbm4b:s4+s11], $0x4, s22, s11, $0xb8;
	[tilespmem:$0x13C00] =	vst v63  }
0xc8: {  	s16 =	simm.s32 $0x2580;
	s17 =	simm.s32 $0xF800  }
0xc9: {  	[tilespmem:s17], [sflag:$0x1] =	stream.indirect.gather [hbm4b:s4+s11], $0x4, s16, s11, $0xb8;
	[tilespmem:$0x13C00] =	vst v63  }
0xca: {  	s18 =	simm.s32 $0x2600;
	s19 =	simm.s32 $0xFC00  }
0xcb: {  	[tilespmem:s19], [sflag:$0x1] =	stream.indirect.gather [hbm4b:s4+s11], $0x4, s18, s11, $0xb8;
	[tilespmem:$0x13C00] =	vst v63  }
0xcc: {  	s20 =	simm.s32 $0x2680;
	s21 =	simm.s32 $0x10000  }
0xcd: {  	[tilespmem:s21], [sflag:$0x1] =	stream.indirect.gather [hbm4b:s4+s11], $0x4, s20, s11, $0xb8;
	[tilespmem:$0x13C00] =	vst v63  }
0xce: {  	s22 =	simm.s32 $0x2700;
	s23 =	simm.s32 $0x10400  }
0xcf: {  	[tilespmem:s23], [sflag:$0x1] =	stream.indirect.gather [hbm4b:s4+s11], $0x4, s22, s11, $0xb8;
	[tilespmem:$0x13C00] =	vst v63  }
0xd0: {  	s16 =	simm.s32 $0x2780;
	s17 =	simm.s32 $0x10800  }
0xd1: {  	[tilespmem:s17], [sflag:$0x1] =	stream.indirect.gather [hbm4b:s4+s11], $0x4, s16, s11, $0xb8;
	[tilespmem:$0x13C00] =	vst v63  }
0xd2: {  	s18 =	simm.s32 $0x2800;
	s19 =	simm.s32 $0x10C00  }
0xd3: {  	[tilespmem:s19], [sflag:$0x1] =	stream.indirect.gather [hbm4b:s4+s11], $0x4, s18, s11, $0xb8;
	[tilespmem:$0x13C00] =	vst v63  }
0xd4: {  	s20 =	simm.s32 $0x2880;
	s21 =	simm.s32 $0x11000  }
0xd5: {  	[tilespmem:s21], [sflag:$0x1] =	stream.indirect.gather [hbm4b:s4+s11], $0x4, s20, s11, $0xb8;
	[tilespmem:$0x13C00] =	vst v63  }
0xd6: {  	s22 =	simm.s32 $0x2900;
	s23 =	simm.s32 $0x11400  }
0xd7: {  	[tilespmem:s23], [sflag:$0x1] =	stream.indirect.gather [hbm4b:s4+s11], $0x4, s22, s11, $0xb8;
	[tilespmem:$0x13C00] =	vst v63  }
0xd8: {  	s15 =	simm.s32 $0x2980;
	s16 =	simm.s32 $0x11800  }
0xd9: {  	[tilespmem:s16], [sflag:$0x1] =	stream.indirect.gather [hbm4b:s4+s11], $0x4, s15, s11, $0xb8;
	[tilespmem:$0x13C00] =	vst v63  }
0xda: {  	s17 =	simm.s32 $0x2A00;
	s18 =	simm.s32 $0x11C00  }
0xdb: {  	[tilespmem:s18], [sflag:$0x1] =	stream.indirect.gather [hbm4b:s4+s11], $0x4, s17, s11, $0xb8;
	[tilespmem:$0x13C00] =	vst v63  }
0xdc: {  	_ = 	snop  }
0xdd: {  	[tilespmem:s25], [sflag:$0x1] =	stream.indirect.gather [hbm4b:s4+s11], $0x4, s24, s11, $0xb8;
	[tilespmem:$0x13C00] =	vst v63  }
0xde: {  	_ = 	snop  }
0xdf: {  	[tilespmem:s28], [sflag:$0x1] =	stream.indirect.gather [hbm4b:s4+s11], $0x4, s26, s11, $0xb8;
	[tilespmem:$0x13C00] =	vst v63  }
0xe0: {  	_ = 	snop  }
0xe1: {  	[tilespmem:s30], [sflag:$0x1] =	stream.indirect.gather [hbm4b:s4+s11], $0x4, s29, s11, $0xb8;
	[tilespmem:$0x13C00] =	vst v63  }
0xe2: {  	_ =	swait.ge [sflag:s31], $0x200  }
0xe3: {  	[sflag:s31] =	ssyncset.done $0x0  }
0xe4: {  	[sflag:s31] =	ssyncadd.s32 $0xFFFFFE00  }
0xe5: {  	_ =	swait.ge [sflag:s31], $0x200  }
0xe6: {  	[sflag:s31] =	ssyncset.done $0x0  }
0xe7: {  	[sflag:s31] =	ssyncadd.s32 $0xFFFFFE00  }
0xe8: {  	_ =	swait.ge [sflag:s31], $0x200  }
0xe9: {  	[sflag:s31] =	ssyncset.done $0x0  }
0xea: {  	[sflag:s31] =	ssyncadd.s32 $0xFFFFFE00  }
0xeb: {  	_ =	swait.ge [sflag:s31], $0x200  }
0xec: {  	[sflag:s31] =	ssyncset.done $0x0  }
0xed: {  	[sflag:s31] =	ssyncadd.s32 $0xFFFFFE00  }
0xee: {  	_ =	swait.ge [sflag:s31], $0x200  }
0xef: {  	[sflag:s31] =	ssyncset.done $0x0  }
0xf0: {  	[sflag:s31] =	ssyncadd.s32 $0xFFFFFE00  }
0xf1: {  	_ =	swait.ge [sflag:s31], $0x200  }
0xf2: {  	[sflag:s31] =	ssyncset.done $0x0  }
0xf3: {  	[sflag:s31] =	ssyncadd.s32 $0xFFFFFE00  }
0xf4: {  	_ =	swait.ge [sflag:s31], $0x200  }
0xf5: {  	[sflag:s31] =	ssyncset.done $0x0  }
0xf6: {  	[sflag:s31] =	ssyncadd.s32 $0xFFFFFE00  }
0xf7: {  	_ =	swait.ge [sflag:s31], $0x200  }
0xf8: {  	[sflag:s31] =	ssyncset.done $0x0  }
0xf9: {  	[sflag:s31] =	ssyncadd.s32 $0xFFFFFE00  }
0xfa: {  	_ =	swait.ge [sflag:s31], $0x200  }
0xfb: {  	[sflag:s31] =	ssyncset.done $0x0  }
0xfc: {  	[sflag:s31] =	ssyncadd.s32 $0xFFFFFE00  }
0xfd: {  	_ =	swait.ge [sflag:s31], $0x200  }
0xfe: {  	[sflag:s31] =	ssyncset.done $0x0  }
0xff: {  	[sflag:s31] =	ssyncadd.s32 $0xFFFFFE00  }
0x100: {  	_ =	swait.ge [sflag:s31], $0x200  }
0x101: {  	[sflag:s31] =	ssyncset.done $0x0  }
0x102: {  	[sflag:s31] =	ssyncadd.s32 $0xFFFFFE00  }
0x103: {  	_ =	swait.ge [sflag:s31], $0x200  }
0x104: {  	[sflag:s31] =	ssyncset.done $0x0  }
0x105: {  	[sflag:s31] =	ssyncadd.s32 $0xFFFFFE00  }
0x106: {  	_ =	swait.ge [sflag:s31], $0x200  }
0x107: {  	[sflag:s31] =	ssyncset.done $0x0  }
0x108: {  	[sflag:s31] =	ssyncadd.s32 $0xFFFFFE00  }
0x109: {  	_ =	swait.ge [sflag:s31], $0x200  }
0x10a: {  	[sflag:s31] =	ssyncset.done $0x0  }
0x10b: {  	[sflag:s31] =	ssyncadd.s32 $0xFFFFFE00  }
0x10c: {  	_ =	swait.ge [sflag:s31], $0x200  }
0x10d: {  	[sflag:s31] =	ssyncset.done $0x0  }
0x10e: {  	[sflag:s31] =	ssyncadd.s32 $0xFFFFFE00  }
0x10f: {  	_ =	swait.ge [sflag:s31], $0x200  }
0x110: {  	[sflag:s31] =	ssyncset.done $0x0  }
0x111: {  	[sflag:s31] =	ssyncadd.s32 $0xFFFFFE00  }
0x112: {  	_ =	swait.ge [sflag:s31], $0x200  }
0x113: {  	[sflag:s31] =	ssyncset.done $0x0  }
0x114: {  	[sflag:s31] =	ssyncadd.s32 $0xFFFFFE00  }
0x115: {  	_ =	swait.ge [sflag:s31], $0x200  }
0x116: {  	[sflag:s31] =	ssyncset.done $0x0  }
0x117: {  	[sflag:s31] =	ssyncadd.s32 $0xFFFFFE00  }
0x118: {  	_ =	swait.ge [sflag:s31], $0x200  }
0x119: {  	[sflag:s31] =	ssyncset.done $0x0  }
0x11a: {  	[sflag:s31] =	ssyncadd.s32 $0xFFFFFE00  }
0x11b: {  	_ =	swait.ge [sflag:s31], $0x200  }
0x11c: {  	[sflag:s31] =	ssyncset.done $0x0  }
0x11d: {  	[sflag:s31] =	ssyncadd.s32 $0xFFFFFE00  }
0x11e: {  	_ =	swait.ge [sflag:s31], $0x200  }
0x11f: {  	[sflag:s31] =	ssyncset.done $0x0  }
0x120: {  	[sflag:s31] =	ssyncadd.s32 $0xFFFFFE00  }
0x121: {  	_ =	swait.ge [sflag:s31], $0x200  }
0x122: {  	[sflag:s31] =	ssyncset.done $0x0  }
0x123: {  	[sflag:s31] =	ssyncadd.s32 $0xFFFFFE00  }
0x124: {  	_ =	swait.ge [sflag:s31], $0x200  }
0x125: {  	[sflag:s31] =	ssyncset.done $0x0  }
0x126: {  	[sflag:s31] =	ssyncadd.s32 $0xFFFFFE00  }
0x127: {  	_ =	swait.ge [sflag:s31], $0x200  }
0x128: {  	[sflag:s31] =	ssyncset.done $0x0  }
0x129: {  	[sflag:s31] =	ssyncadd.s32 $0xFFFFFE00  }
0x12a: {  	_ =	swait.ge [sflag:s31], $0x200  }
0x12b: {  	[sflag:s31] =	ssyncset.done $0x0  }
0x12c: {  	[sflag:s31] =	ssyncadd.s32 $0xFFFFFE00  }
0x12d: {  	_ =	swait.ge [sflag:s31], $0x200  }
0x12e: {  	[sflag:s31] =	ssyncset.done $0x0  }
0x12f: {  	[sflag:s31] =	ssyncadd.s32 $0xFFFFFE00  }
0x130: {  	_ =	swait.ge [sflag:s31], $0x200  }
0x131: {  	[sflag:s31] =	ssyncset.done $0x0  }
0x132: {  	[sflag:s31] =	ssyncadd.s32 $0xFFFFFE00  }
0x133: {  	_ =	swait.ge [sflag:s31], $0x200  }
0x134: {  	[sflag:s31] =	ssyncset.done $0x0  }
0x135: {  	[sflag:s31] =	ssyncadd.s32 $0xFFFFFE00  }
0x136: {  	_ =	swait.ge [sflag:s31], $0x200  }
0x137: {  	[sflag:s31] =	ssyncset.done $0x0  }
0x138: {  	[sflag:s31] =	ssyncadd.s32 $0xFFFFFE00  }
0x139: {  	_ =	swait.ge [sflag:s31], $0x200  }
0x13a: {  	[sflag:s31] =	ssyncset.done $0x0  }
0x13b: {  	[sflag:s31] =	ssyncadd.s32 $0xFFFFFE00  }
0x13c: {  	_ =	swait.ge [sflag:s31], $0x200  }
0x13d: {  	[sflag:s31] =	ssyncset.done $0x0  }
0x13e: {  	[sflag:s31] =	ssyncadd.s32 $0xFFFFFE00  }
0x13f: {  	_ =	swait.ge [sflag:s31], $0x200  }
0x140: {  	[sflag:s31] =	ssyncset.done $0x0  }
0x141: {  	[sflag:s31] =	ssyncadd.s32 $0xFFFFFE00  }
0x142: {  	_ =	swait.ge [sflag:s31], $0x200  }
0x143: {  	[sflag:s31] =	ssyncset.done $0x0  }
0x144: {  	[sflag:s31] =	ssyncadd.s32 $0xFFFFFE00  }
0x145: {  	_ =	swait.ge [sflag:s31], $0x200  }
0x146: {  	[sflag:s31] =	ssyncset.done $0x0  }
0x147: {  	[sflag:s31] =	ssyncadd.s32 $0xFFFFFE00  }
0x148: {  	_ =	swait.ge [sflag:s31], $0x200  }
0x149: {  	[sflag:s31] =	ssyncset.done $0x0  }
0x14a: {  	[sflag:s31] =	ssyncadd.s32 $0xFFFFFE00  }
0x14b: {  	_ =	swait.ge [sflag:s31], $0x200  }
0x14c: {  	[sflag:s31] =	ssyncset.done $0x0  }
0x14d: {  	[sflag:s31] =	ssyncadd.s32 $0xFFFFFE00  }
0x14e: {  	_ =	swait.ge [sflag:s31], $0x200  }
0x14f: {  	[sflag:s31] =	ssyncset.done $0x0  }
0x150: {  	[sflag:s31] =	ssyncadd.s32 $0xFFFFFE00  }
0x151: {  	_ =	swait.ge [sflag:s31], $0x200  }
0x152: {  	[sflag:s31] =	ssyncset.done $0x0  }
0x153: {  	[sflag:s31] =	ssyncadd.s32 $0xFFFFFE00  }
0x154: {  	_ =	swait.ge [sflag:s31], $0x200  }
0x155: {  	[sflag:s31] =	ssyncset.done $0x0  }
0x156: {  	[sflag:s31] =	ssyncadd.s32 $0xFFFFFE00  }
0x157: {  	_ =	swait.ge [sflag:s31], $0x200  }
0x158: {  	[sflag:s31] =	ssyncset.done $0x0  }
0x159: {  	[sflag:s31] =	ssyncadd.s32 $0xFFFFFE00  }
0x15a: {  	_ =	swait.ge [sflag:s31], $0x200  }
0x15b: {  	[sflag:s31] =	ssyncset.done $0x0  }
0x15c: {  	[sflag:s31] =	ssyncadd.s32 $0xFFFFFE00  }
0x15d: {  	_ =	swait.ge [sflag:s31], $0x200  }
0x15e: {  	[sflag:s31] =	ssyncset.done $0x0  }
0x15f: {  	[sflag:s31] =	ssyncadd.s32 $0xFFFFFE00  }
0x160: {  	_ =	swait.ge [sflag:s31], $0x200  }
0x161: {  	[sflag:s31] =	ssyncset.done $0x0  }
0x162: {  	[sflag:s31] =	ssyncadd.s32 $0xFFFFFE00  }
0x163: {  	_ =	swait.ge [sflag:s31], $0x200  }
0x164: {  	[sflag:s31] =	ssyncset.done $0x0  }
0x165: {  	[sflag:s31] =	ssyncadd.s32 $0xFFFFFE00  }
0x166: {  	_ =	swait.ge [sflag:s31], $0x200  }
0x167: {  	[sflag:s31] =	ssyncset.done $0x0  }
0x168: {  	[sflag:s31] =	ssyncadd.s32 $0xFFFFFE00  }
0x169: {  	_ =	swait.ge [sflag:s31], $0x200  }
0x16a: {  	[sflag:s31] =	ssyncset.done $0x0  }
0x16b: {  	[sflag:s31] =	ssyncadd.s32 $0xFFFFFE00  }
0x16c: {  	_ =	swait.ge [sflag:s31], $0x200  }
0x16d: {  	[sflag:s31] =	ssyncset.done $0x0  }
0x16e: {  	[sflag:s31] =	ssyncadd.s32 $0xFFFFFE00  }
0x16f: {  	_ =	swait.ge [sflag:s31], $0x200  }
0x170: {  	[sflag:s31] =	ssyncset.done $0x0  }
0x171: {  	[sflag:s31] =	ssyncadd.s32 $0xFFFFFE00  }
0x172: {  	_ =	swait.ge [sflag:s31], $0x200  }
0x173: {  	[sflag:s31] =	ssyncset.done $0x0  }
0x174: {  	[sflag:s31] =	ssyncadd.s32 $0xFFFFFE00  }
0x175: {  	_ =	swait.ge [sflag:s31], $0x200  }
0x176: {  	[sflag:s31] =	ssyncset.done $0x0  }
0x177: {  	[sflag:s31] =	ssyncadd.s32 $0xFFFFFE00  }
0x178: {  	_ =	swait.ge [sflag:s31], $0x200  }
0x179: {  	[sflag:s31] =	ssyncset.done $0x0  }
0x17a: {  	[sflag:s31] =	ssyncadd.s32 $0xFFFFFE00  }
0x17b: {  	_ =	swait.ge [sflag:s31], $0x200  }
0x17c: {  	[sflag:s31] =	ssyncset.done $0x0  }
0x17d: {  	[sflag:s31] =	ssyncadd.s32 $0xFFFFFE00  }
0x17e: {  	_ =	swait.ge [sflag:s31], $0x200  }
0x17f: {  	[sflag:s31] =	ssyncset.done $0x0  }
0x180: {  	[sflag:s31] =	ssyncadd.s32 $0xFFFFFE00  }
0x181: {  	_ =	swait.ge [sflag:s31], $0x200  }
0x182: {  	[sflag:s31] =	ssyncset.done $0x0  }
0x183: {  	[sflag:s31] =	ssyncadd.s32 $0xFFFFFE00  }
0x184: {  	_ =	swait.ge [sflag:s31], $0x200  }
0x185: {  	[sflag:s31] =	ssyncset.done $0x0  }
0x186: {  	[sflag:s31] =	ssyncadd.s32 $0xFFFFFE00  }
0x187: {  	_ =	swait.ge [sflag:s31], $0x200  }
0x188: {  	[sflag:s31] =	ssyncset.done $0x0  }
0x189: {  	[sflag:s31] =	ssyncadd.s32 $0xFFFFFE00  }
0x18a: {  	_ =	swait.ge [sflag:s31], $0x200  }
0x18b: {  	[sflag:s31] =	ssyncset.done $0x0  }
0x18c: {  	[sflag:s31] =	ssyncadd.s32 $0xFFFFFE00  }
0x18d: {  	_ =	swait.ge [sflag:s31], $0x200  }
0x18e: {  	[sflag:s31] =	ssyncset.done $0x0  }
0x18f: {  	[sflag:s31] =	ssyncadd.s32 $0xFFFFFE00  }
0x190: {  	_ =	swait.ge [sflag:s31], $0x200  }
0x191: {  	[sflag:s31] =	ssyncset.done $0x0  }
0x192: {  	[sflag:s31] =	ssyncadd.s32 $0xFFFFFE00  }
0x193: {  	_ =	swait.ge [sflag:s31], $0x200  }
0x194: {  	[sflag:s31] =	ssyncset.done $0x0  }
0x195: {  	[sflag:s31] =	ssyncadd.s32 $0xFFFFFE00  }
0x196: {  	_ =	swait.ge [sflag:s31], $0x200  }
0x197: {  	s19 =	simm.s32 $0x0;
	[sflag:s31] =	ssyncset.done $0x0  }
0x198: {  	s20 =	sand.u32 $0x7C, s19;
	[sflag:s31] =	ssyncadd.s32 $0xFFFFFE00  }
0x199: {  	v11 =	vmov s20;
	_ =	swait.ge [sflag:s31], $0x200  }
0x19a: {  	s21 =	simm.s32 $0x0;
	v11 =	vshll.u32 v11, $0x3;
	[sflag:s31] =	ssyncset.done $0x0  }
0x19b: {  	v11 =	vor.u32 v3, v11;
	s15 =	sand.u32 $0xFFFFFC00, s21;
	[sflag:s31] =	ssyncadd.s32 $0xFFFFFE00  }
0x19c: {  	v11 =	vor.u32 s15, v11;
	_ =	swait.ge [sflag:s31], $0x200  }
0x19d: {  	v12 =	vor.u32 v1, v11;
	[sflag:s31] =	ssyncset.done $0x0  }
0x19e: {  	v13 =	vor.u32 v7, v11;
	[sflag:s31] =	ssyncadd.s32 $0xFFFFFE00  }
0x19f: {  	v14 =	vor.u32 v5, v11;
	_ =	swait.ge [sflag:s31], $0x200  }
0x1a0: {  	v15 =	vor.u32 v9, v11;
	[sflag:s31] =	ssyncset.done $0x0  }
0x1a1: {  	v16 =	vor.u32 s19, v0;
	[sflag:s31] =	ssyncadd.s32 $0xFFFFFE00  }
0x1a2: {  	v17 =	vor.u32 v4, v11;
	v12 =	vld.idx.msk [tilespmem:v12+s13+$0x0], $0xffff  }
0x1a3: {  	v18 =	vor.u32 v8, v11;
	v13 =	vld.idx.msk [tilespmem:v13+s13+$0x0], $0xffff  }
0x1a4: {  	v19 =	vor.u32 v6, v11;
	v11 =	vor.u32 v10, v11;
	v14 =	vld.idx.msk [tilespmem:v14+s13+$0x0], $0xffff  }
0x1a5: {  	v15 =	vld.idx.msk [tilespmem:v15+s13+$0x0], $0xffff  }
0x1a6: {  	v20 =	vld.idx.msk [tilespmem:v16+s2+$0x0], $0xffff  }
0x1a7: {  	v17 =	vld.idx.msk [tilespmem:v17+s13+$0x0], $0xffff  }
0x1a8: {  	v18 =	vld.idx.msk [tilespmem:v18+s13+$0x0], $0xffff  }
0x1a9: {  	v11 =	vld.idx.msk [tilespmem:v11+s13+$0x0], $0xffff  }
0x1aa: {  	v21 =	vld.idx.msk [tilespmem:v16+s0+$0x0], $0xffff  }
0x1ab: {  	v19 =	vld.idx.msk [tilespmem:v19+s13+$0x0], $0xffff  }
0x1ac: {  	v22 =	vsub.f32 $1.000000000e+00, v20;
	v13 =	vmul.f32 v13, v20  }
0x1ad: {  	v18 =	vmul.f32 v18, v20;
	v15 =	vmul.f32 v15, v20  }
0x1ae: {  	v16 =	vld.idx.msk [tilespmem:v16+s3+$0x0], $0xffff;
	v12 =	vmul.f32 v12, v22;
	v14 =	vmul.f32 v14, v22  }
0x1af: {  	v23 =	vsub.f32 $1.000000000e+00, v21;
	v11 =	vmul.f32 v11, v20;
	v17 =	vmul.f32 v17, v22  }
0x1b0: {  	v19 =	vmul.f32 v19, v22;
	v12 =	vadd.f32 v13, v12;
	v13 =	vadd.f32 v15, v14  }
0x1b1: {  	v14 =	vadd.f32 v18, v17  }
0x1b2: {  	s15 =	simm.s32 $0x4;
	v11 =	vadd.f32 v11, v19;
	v12 =	vmul.f32 v12, v23;
	v13 =	vmul.f32 v13, v21  }
0x1b3: {  	s22 =	sand.u32 $0x7C, s15;
	v15 =	vsub.f32 $1.000000000e+00, v16;
	v14 =	vmul.f32 v14, v23  }
0x1b4: {  	v11 =	vmul.f32 v11, v21;
	v12 =	vadd.f32 v13, v12;
	v13 =	vmov s22  }
0x1b5: {  	s23 =	simm.s32 $0x20;
	v13 =	vshll.u32 v13, $0x3  }
0x1b6: {  	s14 =	sand.u32 $0xFFFFFC00, s23;
	v11 =	vadd.f32 v11, v14;
	v14 =	vmul.f32 v12, v15;
	v12 =	vor.u32 v3, v13  }
0x1b7: {  	v12 =	vor.u32 s14, v12  }
0x1b8: {  	v11 =	vmul.f32 v11, v16;
	v15 =	vor.u32 v1, v12  }
0x1b9: {  	v16 =	vor.u32 v7, v12  }
0x1ba: {  	v17 =	vadd.f32 v11, v14;
	v14 =	vor.u32 v5, v12  }
0x1bb: {  	s14 =	simm.s32 $0x12C00;
	v13 =	vor.u32 v9, v12  }
0x1bc: {  	s16 =	simm.s32 $0x2;
	v11 =	vor.u32 s15, v0;
	[tilespmem:s14+$0x0] =	vst v17  }
.LBB2_5:
0x1bd: {  	p0 =	sne.s32 s16, $0xFF;
	v15 =	vld.idx.msk [tilespmem:v15+s13+$0x0], $0xffff;
	v17 =	vor.u32 v4, v12  }
0x1be: {  	v18 =	vor.u32 v8, v12;
	v16 =	vld.idx.msk [tilespmem:v16+s13+$0x0], $0xffff  }
0x1bf: {  	v19 =	vor.u32 v6, v12;
	v14 =	vld.idx.msk [tilespmem:v14+s13+$0x0], $0xffff  }
0x1c0: {  	v12 =	vor.u32 v10, v12;
	v13 =	vld.idx.msk [tilespmem:v13+s13+$0x0], $0xffff  }
0x1c1: {  	v20 =	vld.idx.msk [tilespmem:v11+s2+$0x0], $0xffff  }
0x1c2: {  	v17 =	vld.idx.msk [tilespmem:v17+s13+$0x0], $0xffff  }
0x1c3: {  	v18 =	vld.idx.msk [tilespmem:v18+s13+$0x0], $0xffff  }
0x1c4: {  	v19 =	vld.idx.msk [tilespmem:v19+s13+$0x0], $0xffff  }
0x1c5: {  	v12 =	vld.idx.msk [tilespmem:v12+s13+$0x0], $0xffff  }
0x1c6: {  	v21 =	vld.idx.msk [tilespmem:v11+s0+$0x0], $0xffff  }
0x1c7: {  	v22 =	vsub.f32 $1.000000000e+00, v20;
	_ =	sdelay $0x1  }
0x1c8: {  	v16 =	vmul.f32 v16, v20;
	v15 =	vmul.f32 v15, v22  }
0x1c9: {  	v17 =	vmul.f32 v17, v22;
	v18 =	vmul.f32 v18, v20  }
0x1ca: {  	v13 =	vmul.f32 v13, v20;
	v14 =	vmul.f32 v14, v22;
	v11 =	vld.idx.msk [tilespmem:v11+s3+$0x0], $0xffff  }
0x1cb: {  	v19 =	vmul.f32 v19, v22;
	v12 =	vmul.f32 v12, v20;
	v23 =	vsub.f32 $1.000000000e+00, v21  }
0x1cc: {  	v15 =	vadd.f32 v16, v15;
	v13 =	vadd.f32 v13, v14  }
0x1cd: {  	s15 =	sadd.s32 $0x4, s15;
	v14 =	vadd.f32 v18, v17;
	v12 =	vadd.f32 v12, v19  }
0x1ce: {  	s17 =	sand.u32 $0x7C, s15;
	v13 =	vmul.f32 v13, v21;
	v15 =	vmul.f32 v15, v23  }
0x1cf: {  	v16 =	vmov s17;
	v14 =	vmul.f32 v14, v23;
	v12 =	vmul.f32 v12, v21  }
0x1d0: {  	s17 =	sshll.u32 s16, $0x5;
	v16 =	vshll.u32 v16, $0x3;
	v17 =	vsub.f32 $1.000000000e+00, v11  }
0x1d1: {  	s17 =	sand.u32 $0xFFFFFC00, s17;
	v16 =	vor.u32 v3, v16;
	v13 =	vadd.f32 v13, v15;
	v14 =	vadd.f32 v12, v14  }
0x1d2: {  	v12 =	vor.u32 s17, v16  }
.Ltmp1:
0x1d3: {  	v15 =	vor.u32 v1, v12;
	v13 =	vmul.f32 v13, v17;
	v11 =	vmul.f32 v14, v11;
	(pc) =	sbr.rel @p0 .LBB2_5-.Ltmp1, $4  }
0x1d4: {  	v16 =	vor.u32 v7, v12  }
0x1d5: {  	v14 =	vor.u32 v5, v12;
	v17 =	vadd.f32 v11, v13  }
0x1d6: {  	s14 =	sadd.s32 $0x10, s14;
	v13 =	vor.u32 v9, v12  }
0x1d7: {  	s16 =	sadd.s32 $0x1, s16;
	v11 =	vor.u32 s15, v0;
	[tilespmem:s14+$0x0] =	vst v17  }
0x1d8: {  	_ =	sdelay $0x3  }
0x1d9: {  	v15 =	vld.idx.msk [tilespmem:v15+s13+$0x0], $0xffff  }
0x1da: {  	v17 =	vor.u32 v4, v12;
	v16 =	vld.idx.msk [tilespmem:v16+s13+$0x0], $0xffff  }
0x1db: {  	v18 =	vor.u32 v8, v12;
	v14 =	vld.idx.msk [tilespmem:v14+s13+$0x0], $0xffff  }
0x1dc: {  	v19 =	vor.u32 v6, v12;
	v13 =	vld.idx.msk [tilespmem:v13+s13+$0x0], $0xffff  }
0x1dd: {  	v61 =	vor.u32 v10, v12;
	v20 =	vld.idx.msk [tilespmem:v11+s2+$0x0], $0xffff  }
0x1de: {  	v21 =	vld.idx.msk [tilespmem:v11+s0+$0x0], $0xffff  }
0x1df: {  	v17 =	vld.idx.msk [tilespmem:v17+s13+$0x0], $0xffff  }
0x1e0: {  	v18 =	vld.idx.msk [tilespmem:v18+s13+$0x0], $0xffff  }
0x1e1: {  	v19 =	vld.idx.msk [tilespmem:v19+s13+$0x0], $0xffff  }
0x1e2: {  	v12 =	vld.idx.msk [tilespmem:v61+s13+$0x0], $0xffff  }
0x1e3: {  	v22 =	vsub.f32 $1.000000000e+00, v20  }
0x1e4: {  	v16 =	vmul.f32 v16, v20;
	v13 =	vmul.f32 v13, v20  }
0x1e5: {  	v15 =	vmul.f32 v15, v22;
	v14 =	vmul.f32 v14, v22  }
0x1e6: {  	v17 =	vmul.f32 v17, v22;
	v18 =	vmul.f32 v18, v20  }
0x1e7: {  	v11 =	vld.idx.msk [tilespmem:v11+s3+$0x0], $0xffff;
	v23 =	vsub.f32 $1.000000000e+00, v21;
	v19 =	vmul.f32 v19, v22;
	v12 =	vmul.f32 v12, v20  }
0x1e8: {  	v15 =	vadd.f32 v16, v15;
	v13 =	vadd.f32 v13, v14  }
0x1e9: {  	v62 =	vadd.f32 v18, v17;
	v12 =	vadd.f32 v12, v19  }
0x1ea: {  	v15 =	vmul.f32 v15, v23;
	v13 =	vmul.f32 v13, v21  }
0x1eb: {  	v14 =	vmul.f32 v62, v23;
	v12 =	vmul.f32 v12, v21  }
0x1ec: {  	v63 =	vsub.f32 $1.000000000e+00, v11  }
0x1ed: {  	v13 =	vadd.f32 v13, v15;
	v12 =	vadd.f32 v12, v14;
	_ =	sdelay $0x1  }
0x1ee: {  	v13 =	vmul.f32 v13, v63;
	v11 =	vmul.f32 v12, v11;
	_ =	sdelay $0x1  }
0x1ef: {  	s14 =	sadd.s32 $0x10, s14;
	s1 =	sadd.s32 $0x1, s1;
	v11 =	vadd.f32 v11, v13  }
0x1f0: {  	s12 =	sshrl.u32 s12, $0x1;
	s23 =	rddreg [dreg:$0x1];
	p0 =	sne.s32 s1, $0x36  }
.Ltmp2:
0x1f1: {  	s12 =	sadd.s32 s23, s12;
	[tilespmem:s14+$0x0] =	vst v11;
	(pc) =	sbr.rel @p0 .LBB2_2-.Ltmp2, $4  }
0x1f2: {  	[hbm4b:s12+s2] =	stream.linear.scatter [tilespmem:s9], [sflag:$0x2], $0x1000, $0x38;
	[tilespmem:$0x13C00] =	vst v63  }
0x1f3: {  	_ =	swait.ge [sflag:s10], $0x1000  }
0x1f4: {  	[sflag:s10] =	ssyncset.done $0x0  }
0x1f5: {  	[sflag:s10] =	ssyncadd.s32 $0xFFFFF000  }
0x1f6: {  	s12 =	rddreg [dreg:$0x4]  }
0x1f7: {  	s1 =	rddreg [dreg:$0x3];
	s12 =	sadd.s32 $0x1, s12  }
0x1f8: {  	p0 =	sne.s32 s12, s1  }
.Ltmp3:
0x1f9: {  	_ = 	snop;
	(pc) =	sbr.rel @p0 .LBB2_1-.Ltmp3, $1  }
0x1fa: {  	_ =	sdelay $0x3  }
0x1fb: {  	_ =	sfence.sel $0x180000  }
0x1fc: {  	[bflag:$0x0] =	sbarrier.arrive $0xFFFF  }
0x1fd: {  	_ =	strace $0x90000047  }
0x1fe: {  	s0 =	stileid.u32;
	[bflag:$0x2] =	sbarrier.arrive $0xFFFF  }
0x1ff: {  	p0 =	sne.s32 s0, $0x0;
	s0 =	rddreg [dreg:$0x2]  }
0x200: {  	s0 =	sadd.s32 @!p0 $0x100000, s0  }
0x201: {  	[sflag:s0] =	ssyncadd.tile.s32 @!p0 $0x1;
	_ =	shalt  }
.Lfunc_end2:
_tile_overlayer_lowered:
.L_overlay_start_2:
0x202: {  	(tag) =	ssettag $0x2  }
0x203: {  	s0 =	rddreg [dreg:$0x0];
	s2 =	stileid.u32  }
0x204: {  	s1 =	rddreg [dreg:$0x1];
	p0 =	sne.s32 s2, $0x0  }
0x205: {  	s3 =	rddreg [dreg:$0x2];
	[bflag:$0x3] =	sbarrier.arrive $0xFFFF;
	s2 =	simm.s32 @!p0 $0x1C02  }
0x206: {  	[timem:s3], [sflag:s2] =	dma.local @!p0 [hbm:s0], s1  }
0x207: {  	s0 =	simm.s32 @!p0 $0x2  }
0x208: {  	_ =	swait.ge @!p0 [sflag:s0], s1  }
0x209: {  	s1 =	ssub.s32 @!p0 $0x0, s1;
	[sflag:s0] =	ssyncset.done @!p0 $0x0  }
0x20a: {  	[sflag:s0] =	ssyncadd.s32 @!p0 s1  }
0x20b: {  	[bflag:$0x3] =	sbarrier.arrive $0xFFFF  }
0x20c: {  	_ =	shalt  }

</sc_bundles>
